<compile_context>
chip_gen: v7x
topology: tpu7x:2x2x1
jax: 0.10.2.dev20260603
libtpu: 0.0.44.dev20260713+nightly
codegen_flags: <defaults>
</compile_context>

<pallas_src>
import functools

import jax
import jax.numpy as jnp
from jax import lax
from jax.experimental import pallas as pl
from jax.experimental.pallas import tpu as pltpu
from jax.experimental.pallas import tpu_sc as plsc

N = 10000
E = 320000
D = 128
NODE_MASK_NUM = 1000
EDGE_DROP = 32000
EKEEP = E - EDGE_DROP

NC = 2
NS = 16
NW = NC * NS

NPAD = 10240
RB = 1024
NB = NPAD // RB
CH = 64
TPC = 288
NCHUNKS = NS * TPC
EPAD = NCHUNKS * CH
NJ0 = 144
NJ1 = TPC - NJ0
NJD0 = 144
NJD1 = TPC - NJD0
ROWS_PER_TILE = NPAD // NS
NR = NPAD // 128

_HIGH = jax.lax.Precision.HIGHEST
_SC_PARAMS = pltpu.CompilerParams(needs_layout_passes=False,
                                  use_tc_tiling_on_sc=False)


def _mesh():
    return plsc.VectorSubcoreMesh(core_axis_name="c", subcore_axis_name="s",
                                  num_cores=NC, num_subcores=NS)


def _zero_2d(ref, nrows, ncols):
    z = jnp.zeros((16,), ref.dtype)

    @pl.loop(0, nrows)
    def _(r):
        for cc in range(ncols // 16):
            ref[r, pl.ds(cc * 16, 16)] = z


def _sc_degree(dst2):

    @functools.partial(
        pl.kernel,
        out_type=jax.ShapeDtypeStruct((NW, NR, 128), jnp.float32),
        mesh=_mesh(),
        compiler_params=_SC_PARAMS,
        scratch_types=[
            pltpu.VMEM((NJD0, CH), jnp.int32),
            pltpu.VMEM((NR, 128), jnp.float32),
        ],
    )
    def k(dst_hbm, degp_out, dstbuf, acc):
        c = lax.axis_index("c")
        s = lax.axis_index("s")
        wid = s * NC + c
        lo = jnp.where(c == 0, s * NJD0, NS * NJD0 + s * NJD1)
        njc = jnp.where(c == 0, NJD0, NJD1)

        @pl.when(c == 0)
        def _():
            pltpu.sync_copy(dst_hbm.at[pl.ds(lo, NJD0)], dstbuf)

        @pl.when(c == 1)
        def _():
            pltpu.sync_copy(dst_hbm.at[pl.ds(lo, NJD1)],
                            dstbuf.at[pl.ds(0, NJD1)])

        _zero_2d(acc, NR, 128)
        ones = jnp.ones((16,), jnp.float32)

        @pl.loop(0, njc)
        def _(j):
            for i in range(CH // 16):
                idx = dstbuf[j, pl.ds(i * 16, 16)]
                plsc.addupdate_scatter(
                    acc, [jnp.right_shift(idx, 7), jnp.bitwise_and(idx, 127)],
                    ones)

        pltpu.sync_copy(acc, degp_out.at[wid])

    return k(dst2)


def _tc_prepare_body(degp_ref, x_ref, w1_ref, y_ref, dinv_ref):
    i = pl.program_id(0)
    ones_nw = jnp.ones((NW, 1), jnp.float32)
    deg = lax.dot_general(degp_ref[...], ones_nw,
                          (((0,), (0,)), ((), ())),
                          preferred_element_type=jnp.float32)
    dinv = lax.rsqrt(deg + 1.0)
    rows = i * RB + lax.broadcasted_iota(jnp.int32, (RB, 1), 0)
    xm = jnp.where(rows < NODE_MASK_NUM, 0.0, x_ref[...])
    xw = jnp.dot(xm, w1_ref[...], preferred_element_type=jnp.float32,
                 precision=_HIGH)
    y_ref[...] = xw * dinv
    dinv_ref[...] = dinv


def _tc_prepare(degp, x_pad, W1):
    return pl.pallas_call(
        _tc_prepare_body,
        grid=(NB,),
        in_specs=[
            pl.BlockSpec((NW, RB), lambda i: (0, i)),
            pl.BlockSpec((RB, D), lambda i: (i, 0)),
            pl.BlockSpec((D, D), lambda i: (0, 0)),
        ],
        out_specs=[
            pl.BlockSpec((RB, D), lambda i: (i, 0)),
            pl.BlockSpec((RB, 1), lambda i: (i, 0)),
        ],
        out_shape=[
            jax.ShapeDtypeStruct((NPAD, D), jnp.float32),
            jax.ShapeDtypeStruct((NPAD, 1), jnp.float32),
        ],
    )(degp, x_pad, W1)


def _sc_scatter(y, dinv, src2, dst2):

    @functools.partial(
        pl.kernel,
        out_type=[
            jax.ShapeDtypeStruct((NC, NPAD, D), jnp.float32),
            jax.ShapeDtypeStruct((NC, NPAD), jnp.float32),
        ],
        mesh=_mesh(),
        compiler_params=_SC_PARAMS,
        scratch_types=[
            pltpu.VMEM_SHARED((NPAD, D), jnp.float32),
            pltpu.VMEM_SHARED((NPAD,), jnp.float32),
            pltpu.VMEM_SHARED((NPAD,), jnp.float32),
            pltpu.VMEM((NJ0, CH), jnp.int32),
            pltpu.VMEM((NJ0, CH), jnp.int32),
            pltpu.VMEM((CH, D), jnp.float32),
            pltpu.VMEM((CH, D), jnp.float32),
            pltpu.VMEM((CH,), jnp.float32),
            pltpu.VMEM((ROWS_PER_TILE,), jnp.float32),
            pltpu.SemaphoreType.DMA,
            pltpu.SemaphoreType.DMA,
        ],
    )
    def k(y_hbm, dinv_hbm, src_hbm, dst_hbm, aggp_out, sp_out,
          agg_sh, dinv_sh, s_sh, srcbuf, dstbuf, rows0, rows1, vbuf, temp,
          sem0, sem1):
        c = lax.axis_index("c")
        s = lax.axis_index("s")
        r0 = s * ROWS_PER_TILE
        lo = jnp.where(c == 0, s * NJ0, NS * NJ0 + s * NJ1)
        njc = jnp.where(c == 0, NJ0, NJ1)

        @pl.when(c == 0)
        def _():
            pltpu.sync_copy(src_hbm.at[pl.ds(lo, NJ0)], srcbuf)
            pltpu.sync_copy(dst_hbm.at[pl.ds(lo, NJ0)], dstbuf)

        @pl.when(c == 1)
        def _():
            pltpu.sync_copy(src_hbm.at[pl.ds(lo, NJ1)],
                            srcbuf.at[pl.ds(0, NJ1)])
            pltpu.sync_copy(dst_hbm.at[pl.ds(lo, NJ1)],
                            dstbuf.at[pl.ds(0, NJ1)])

        pltpu.sync_copy(dinv_hbm.at[pl.ds(r0, ROWS_PER_TILE)], temp)
        pltpu.sync_copy(temp, dinv_sh.at[pl.ds(r0, ROWS_PER_TILE)])
        z16 = jnp.zeros((16,), jnp.float32)

        @pl.loop(0, ROWS_PER_TILE // 16)
        def _(r):
            temp[pl.ds(r * 16, 16)] = z16

        pltpu.sync_copy(temp, s_sh.at[pl.ds(r0, ROWS_PER_TILE)])

        _zero_2d(rows0, CH, D)
        for kk in range(ROWS_PER_TILE // CH):
            pltpu.sync_copy(rows0, agg_sh.at[pl.ds(r0 + kk * CH, CH)])
        plsc.subcore_barrier()

        def _svec(j):
            pltpu.sync_copy(dinv_sh.at[dstbuf.at[j]], vbuf)
            pltpu.sync_copy(vbuf, s_sh.at[srcbuf.at[j]], add=True)

        pltpu.async_copy(y_hbm.at[srcbuf.at[0]], rows0, sem0)

        @pl.loop(0, njc // 2)
        def _(t):
            j = t * 2
            pltpu.async_copy(y_hbm.at[srcbuf.at[j + 1]], rows1, sem1)
            pltpu.make_async_copy(y_hbm.at[srcbuf.at[j]], rows0, sem0).wait()
            pltpu.sync_copy(rows0, agg_sh.at[dstbuf.at[j]], add=True)
            _svec(j)

            @pl.when(t < njc // 2 - 1)
            def _():
                pltpu.async_copy(y_hbm.at[srcbuf.at[j + 2]], rows0, sem0)

            pltpu.make_async_copy(y_hbm.at[srcbuf.at[j + 1]], rows1, sem1).wait()
            pltpu.sync_copy(rows1, agg_sh.at[dstbuf.at[j + 1]], add=True)
            _svec(j + 1)

        plsc.subcore_barrier()
        pltpu.sync_copy(s_sh.at[pl.ds(r0, ROWS_PER_TILE)], temp)
        pltpu.sync_copy(temp, sp_out.at[c, pl.ds(r0, ROWS_PER_TILE)])
        for kk in range(ROWS_PER_TILE // CH):
            pltpu.sync_copy(agg_sh.at[pl.ds(r0 + kk * CH, CH)], rows0)
            pltpu.sync_copy(rows0, aggp_out.at[c, pl.ds(r0 + kk * CH, CH)])

    return k(y, dinv, src2, dst2)


def _tc_finish_body(aggp_ref, sp_ref, y_ref, dinv_ref, b1_ref, w2_ref, b2_ref,
                    out_ref, acc_ref):
    i = pl.program_id(0)
    agg = aggp_ref[0] + aggp_ref[1] + y_ref[...]
    dinv = dinv_ref[...]
    h1 = jnp.maximum(agg * dinv + b1_ref[...], 0.0)
    s_col = sp_ref[0] + sp_ref[1]
    c_col = dinv * s_col + dinv * dinv
    rows = i * RB + lax.broadcasted_iota(jnp.int32, (RB, 1), 0)
    c_col = jnp.where(rows < N, c_col, 0.0)
    part = lax.dot_general(c_col, h1, (((0,), (0,)), ((), ())),
                           precision=_HIGH,
                           preferred_element_type=jnp.float32)

    @pl.when(i == 0)
    def _():
        acc_ref[...] = part

    @pl.when(i > 0)
    def _():
        acc_ref[...] = acc_ref[...] + part

    @pl.when(i == NB - 1)
    def _():
        r = acc_ref[...] * (1.0 / N)
        out_ref[...] = jnp.tanh(
            jnp.dot(r, w2_ref[...], preferred_element_type=jnp.float32,
                    precision=_HIGH) + b2_ref[...])


def _tc_finish(aggp, sp, y, dinv, b1r, W2, b2r):
    return pl.pallas_call(
        _tc_finish_body,
        grid=(NB,),
        in_specs=[
            pl.BlockSpec((NC, RB, D), lambda i: (0, i, 0)),
            pl.BlockSpec((NC, RB, 1), lambda i: (0, i, 0)),
            pl.BlockSpec((RB, D), lambda i: (i, 0)),
            pl.BlockSpec((RB, 1), lambda i: (i, 0)),
            pl.BlockSpec((1, D), lambda i: (0, 0)),
            pl.BlockSpec((D, D), lambda i: (0, 0)),
            pl.BlockSpec((1, D), lambda i: (0, 0)),
        ],
        out_specs=pl.BlockSpec((1, D), lambda i: (0, 0)),
        out_shape=jax.ShapeDtypeStruct((1, D), jnp.float32),
        scratch_shapes=[pltpu.VMEM((1, D), jnp.float32)],
    )(aggp, sp, y, dinv, b1r, W2, b2r)


def kernel(x, edge_index, W1, b1, W2, b2):
    src = edge_index[0, EDGE_DROP:].astype(jnp.int32)
    dst = edge_index[1, EDGE_DROP:].astype(jnp.int32)
    pad = N + (jnp.arange(EPAD - EKEEP, dtype=jnp.int32) % (NPAD - N))
    src2 = jnp.concatenate([src, pad]).reshape(NCHUNKS, CH)
    dst2 = jnp.concatenate([dst, pad]).reshape(NCHUNKS, CH)
    x_pad = jnp.concatenate(
        [x, jnp.zeros((NPAD - N, D), jnp.float32)], axis=0)

    degp = _sc_degree(dst2).reshape(NW, NPAD)
    y, dinv = _tc_prepare(degp, x_pad, W1)
    aggp, sp = _sc_scatter(y, dinv.reshape(NPAD), src2, dst2)
    out = _tc_finish(aggp, sp.reshape(NC, NPAD, 1), y, dinv,
                     b1.reshape(1, D), W2, b2.reshape(1, D))
    return out

# --- scband reference (transcript-rebuilt; emitter-appended) ---
"""Pipeline reference for scband-graph-model-41111426957574 (READ-ONLY COPY).

The authoritative reference and input builder live on the scoring server;
editing this copy changes nothing except your own understanding.
"""

import jax, jax.numpy as jnp
import numpy as np

N = 10000
E = 320000
D_IN = 128
D_HID = 128
NODE_MASK_RATIO = 0.1
EDGE_MASK_RATIO = 0.1
MASK_ID = 0.0


def _gcn_conv(x, src, dst, W, b, n):
    # PyG-style GCNConv: add self-loops, symmetric normalization D^-1/2 A D^-1/2 (X W) + b
    loop = jnp.arange(n, dtype=src.dtype)
    s = jnp.concatenate([src, loop])
    d = jnp.concatenate([dst, loop])
    deg = jnp.zeros((n,), jnp.float32).at[d].add(1.0)
    dinv = jnp.where(deg > 0, 1.0 / jnp.sqrt(deg), 0.0)
    norm = dinv[s] * dinv[d]
    xw = x @ W
    msg = xw[s] * norm[:, None]
    out = jnp.zeros((n, W.shape[1]), x.dtype).at[d].add(msg)
    return out + b


def setup_inputs(seed: int = 0) -> dict:
    key = jax.random.key(seed)
    k1, k2, k3, k4 = jax.random.split(key, 4)
    x = jax.random.normal(k1, (N, D_IN), dtype=jnp.float32)
    edge_index = jax.random.randint(k2, (2, E), 0, N)
    W1 = jax.random.normal(k3, (D_IN, D_HID), dtype=jnp.float32) * 0.05
    b1 = jnp.zeros((D_HID,), dtype=jnp.float32)
    W2 = jax.random.normal(k4, (D_HID, D_HID), dtype=jnp.float32) * 0.05
    b2 = jnp.zeros((D_HID,), dtype=jnp.float32)
    return {"x": x, "edge_index": edge_index, "W1": W1, "b1": b1, "W2": W2, "b2": b2}


def reference(x, edge_index, W1, b1, W2, b2):
    n = x.shape[0]
    # node masking (deterministic stand-in for randperm selection)
    node_mask_num = max(int(n * NODE_MASK_RATIO), 1)
    xm = x.at[:node_mask_num].set(MASK_ID)
    # edge masking: drop edge_mask_num edges, keep the rest
    e = edge_index.shape[1]
    edge_mask_num = max(int(e * EDGE_MASK_RATIO), 1)
    ei = edge_index[:, edge_mask_num:]
    src, dst = ei[0], ei[1]
    h = _gcn_conv(xm, src, dst, W1, b1, n)
    h = jax.nn.relu(h)
    # dropout in eval mode == identity
    h = _gcn_conv(h, src, dst, W2, b2, n)
    # batch of one graph: get_output packs [1, N, latent]; mean over nodes, tanh
    out = jnp.tanh(jnp.mean(h, axis=0, keepdims=True))
    return out

if __name__ == "__main__":
    import jax
    _d = setup_inputs()
    print(jax.jit(kernel)(*tuple(_d.values())))

</pallas_src>

<mosaic_0001>
#map = affine_map<(d0, d1) -> (0, 0)>
#map1 = affine_map<(d0, d1) -> (0)>
#map2 = affine_map<(d0, d1) -> (0, 0, 0)>
module attributes {stable_mosaic.version = 14 : i64} {
  func.func @k(%arg0: i32, %arg1: i32, %arg2: memref<10240x128xf32, #tpu.memory_space<hbm>>, %arg3: memref<10240xf32, #tpu.memory_space<hbm>>, %arg4: memref<4608x64xi32, #tpu.memory_space<hbm>>, %arg5: memref<4608x64xi32, #tpu.memory_space<hbm>>, %arg6: memref<2x10240x128xf32, #tpu.memory_space<hbm>>, %arg7: memref<2x10240xf32, #tpu.memory_space<hbm>>, %arg8: memref<10240x128xf32, #tpu.memory_space<vmem_shared>>, %arg9: memref<10240xf32, #tpu.memory_space<vmem_shared>>, %arg10: memref<10240xf32, #tpu.memory_space<vmem_shared>>, %arg11: memref<144x64xi32, #tpu.memory_space<vmem>>, %arg12: memref<144x64xi32, #tpu.memory_space<vmem>>, %arg13: memref<64x128xf32, #tpu.memory_space<vmem>>, %arg14: memref<64x128xf32, #tpu.memory_space<vmem>>, %arg15: memref<64xf32, #tpu.memory_space<vmem>>, %arg16: memref<640xf32, #tpu.memory_space<vmem>>, %arg17: memref<!tpu.dma_semaphore, #tpu.memory_space<semaphore_mem>>, %arg18: memref<!tpu.dma_semaphore, #tpu.memory_space<semaphore_mem>>) attributes {dimension_semantics = [#tpu.dimension_semantics<core_parallel>, #tpu.dimension_semantics<subcore_parallel>], iteration_bounds = array<i64: 2, 16>, scalar_prefetch = 0 : i64, scratch_operands = 11 : i64, tpu.core_type = #tpu.core_type<sc_vector_subcore>, window_params = [{transform_indices = #map}, {transform_indices = #map1}, {transform_indices = #map}, {transform_indices = #map}, {transform_indices = #map2}, {transform_indices = #map}]} {
    %mul3A = arith.constant 640 : i32
    %mul3A_0 = arith.muli %arg1, %mul3A : i32
    %eq3A = arith.constant 0 : i32
    %eq3A_1 = arith.cmpi eq, %arg0, %eq3A : i32
    %mul3A_2 = arith.constant 144 : i32
    %mul3A_3 = arith.muli %arg1, %mul3A_2 : i32
    %mul3A_4 = arith.constant 144 : i32
    %mul3A_5 = arith.muli %arg1, %mul3A_4 : i32
    %add3A = arith.constant 2304 : i32
    %add3A_6 = arith.addi %add3A, %mul3A_5 : i32
    %select_n3A = arith.select %eq3A_1, %mul3A_3, %add3A_6 : i32
    %eq3A_7 = arith.constant 0 : i32
    %eq3A_8 = arith.cmpi eq, %arg0, %eq3A_7 : i32
    %jit3A = arith.constant 144 : i32
    %jit3A_9 = arith.constant 144 : i32
    %select_n3A_10 = arith.select %eq3A_8, %jit3A, %jit3A_9 : i32
    %eq3A_11 = arith.constant 0 : i32
    %eq3A_12 = arith.cmpi eq, %arg0, %eq3A_11 : i32
    %convert_element_type3A = arith.extui %eq3A_12 : i1 to i32
    %cond3A = arith.constant 0 : i32
    %cond3A_13 = arith.cmpi ne, %convert_element_type3A, %cond3A : i32
    scf.if %cond3A_13 {
      "tpu.region"() ({
        %run_scoped3A = tpu.sem_alloc : memref<!tpu.dma_semaphore, #tpu.memory_space<semaphore_mem>>
        %dma_start3A_134 = arith.constant 0 : i32
        %dma_start3A_135 = tpu.memref_slice %arg4[%select_n3A, %dma_start3A_134] : memref<4608x64xi32, #tpu.memory_space<hbm>> -> memref<144x64xi32, #tpu.memory_space<hbm>>
        %dma_start3A_136 = arith.constant 0 : i32
        %dma_start3A_137 = tpu.memref_slice %arg4[%select_n3A, %dma_start3A_136] : memref<4608x64xi32, #tpu.memory_space<hbm>> -> memref<144x64xi32, #tpu.memory_space<hbm>>
        tpu.enqueue_dma source(%dma_start3A_137 : memref<144x64xi32, #tpu.memory_space<hbm>>) target(%arg11 : memref<144x64xi32, #tpu.memory_space<vmem>>) target_semaphore(%run_scoped3A : memref<!tpu.dma_semaphore, #tpu.memory_space<semaphore_mem>>)
        %dma_wait3A = arith.constant 0 : i32
        %dma_wait3A_138 = tpu.memref_slice %arg4[%select_n3A, %dma_wait3A] : memref<4608x64xi32, #tpu.memory_space<hbm>> -> memref<144x64xi32, #tpu.memory_space<hbm>>
        %dma_wait3A_139 = arith.constant 0 : i32
        %dma_wait3A_140 = tpu.memref_slice %arg4[%select_n3A, %dma_wait3A_139] : memref<4608x64xi32, #tpu.memory_space<hbm>> -> memref<144x64xi32, #tpu.memory_space<hbm>>
        tpu.wait_dma2 semaphore(%run_scoped3A : memref<!tpu.dma_semaphore, #tpu.memory_space<semaphore_mem>>) src(%dma_wait3A_140 : memref<144x64xi32, #tpu.memory_space<hbm>>) dst(%arg11 : memref<144x64xi32, #tpu.memory_space<vmem>>)
        tpu.yield
      }) : () -> ()
      "tpu.region"() ({
        %run_scoped3A = tpu.sem_alloc : memref<!tpu.dma_semaphore, #tpu.memory_space<semaphore_mem>>
        %dma_start3A_134 = arith.constant 0 : i32
        %dma_start3A_135 = tpu.memref_slice %arg5[%select_n3A, %dma_start3A_134] : memref<4608x64xi32, #tpu.memory_space<hbm>> -> memref<144x64xi32, #tpu.memory_space<hbm>>
        %dma_start3A_136 = arith.constant 0 : i32
        %dma_start3A_137 = tpu.memref_slice %arg5[%select_n3A, %dma_start3A_136] : memref<4608x64xi32, #tpu.memory_space<hbm>> -> memref<144x64xi32, #tpu.memory_space<hbm>>
        tpu.enqueue_dma source(%dma_start3A_137 : memref<144x64xi32, #tpu.memory_space<hbm>>) target(%arg12 : memref<144x64xi32, #tpu.memory_space<vmem>>) target_semaphore(%run_scoped3A : memref<!tpu.dma_semaphore, #tpu.memory_space<semaphore_mem>>)
        %dma_wait3A = arith.constant 0 : i32
        %dma_wait3A_138 = tpu.memref_slice %arg5[%select_n3A, %dma_wait3A] : memref<4608x64xi32, #tpu.memory_space<hbm>> -> memref<144x64xi32, #tpu.memory_space<hbm>>
        %dma_wait3A_139 = arith.constant 0 : i32
        %dma_wait3A_140 = tpu.memref_slice %arg5[%select_n3A, %dma_wait3A_139] : memref<4608x64xi32, #tpu.memory_space<hbm>> -> memref<144x64xi32, #tpu.memory_space<hbm>>
        tpu.wait_dma2 semaphore(%run_scoped3A : memref<!tpu.dma_semaphore, #tpu.memory_space<semaphore_mem>>) src(%dma_wait3A_140 : memref<144x64xi32, #tpu.memory_space<hbm>>) dst(%arg12 : memref<144x64xi32, #tpu.memory_space<vmem>>)
        tpu.yield
      }) : () -> ()
    } else {
    }
    %eq3A_14 = arith.constant 1 : i32
    %eq3A_15 = arith.cmpi eq, %arg0, %eq3A_14 : i32
    %convert_element_type3A_16 = arith.extui %eq3A_15 : i1 to i32
    %cond3A_17 = arith.constant 0 : i32
    %cond3A_18 = arith.cmpi ne, %convert_element_type3A_16, %cond3A_17 : i32
    scf.if %cond3A_18 {
      "tpu.region"() ({
        %run_scoped3A = tpu.sem_alloc : memref<!tpu.dma_semaphore, #tpu.memory_space<semaphore_mem>>
        %dma_start3A_134 = arith.constant 0 : i32
        %dma_start3A_135 = arith.constant 0 : i32
        %dma_start3A_136 = tpu.memref_slice %arg11[%dma_start3A_134, %dma_start3A_135] : memref<144x64xi32, #tpu.memory_space<vmem>> -> memref<144x64xi32, #tpu.memory_space<vmem>>
        %dma_start3A_137 = arith.constant 0 : i32
        %dma_start3A_138 = tpu.memref_slice %arg4[%select_n3A, %dma_start3A_137] : memref<4608x64xi32, #tpu.memory_space<hbm>> -> memref<144x64xi32, #tpu.memory_space<hbm>>
        %dma_start3A_139 = arith.constant 0 : i32
        %dma_start3A_140 = arith.constant 0 : i32
        %dma_start3A_141 = tpu.memref_slice %arg11[%dma_start3A_139, %dma_start3A_140] : memref<144x64xi32, #tpu.memory_space<vmem>> -> memref<144x64xi32, #tpu.memory_space<vmem>>
        %dma_start3A_142 = arith.constant 0 : i32
        %dma_start3A_143 = tpu.memref_slice %arg4[%select_n3A, %dma_start3A_142] : memref<4608x64xi32, #tpu.memory_space<hbm>> -> memref<144x64xi32, #tpu.memory_space<hbm>>
        tpu.enqueue_dma source(%dma_start3A_143 : memref<144x64xi32, #tpu.memory_space<hbm>>) target(%dma_start3A_141 : memref<144x64xi32, #tpu.memory_space<vmem>>) target_semaphore(%run_scoped3A : memref<!tpu.dma_semaphore, #tpu.memory_space<semaphore_mem>>)
        %dma_wait3A = arith.constant 0 : i32
        %dma_wait3A_144 = arith.constant 0 : i32
        %dma_wait3A_145 = tpu.memref_slice %arg11[%dma_wait3A, %dma_wait3A_144] : memref<144x64xi32, #tpu.memory_space<vmem>> -> memref<144x64xi32, #tpu.memory_space<vmem>>
        %dma_wait3A_146 = arith.constant 0 : i32
        %dma_wait3A_147 = tpu.memref_slice %arg4[%select_n3A, %dma_wait3A_146] : memref<4608x64xi32, #tpu.memory_space<hbm>> -> memref<144x64xi32, #tpu.memory_space<hbm>>
        %dma_wait3A_148 = arith.constant 0 : i32
        %dma_wait3A_149 = arith.constant 0 : i32
        %dma_wait3A_150 = tpu.memref_slice %arg11[%dma_wait3A_148, %dma_wait3A_149] : memref<144x64xi32, #tpu.memory_space<vmem>> -> memref<144x64xi32, #tpu.memory_space<vmem>>
        %dma_wait3A_151 = arith.constant 0 : i32
        %dma_wait3A_152 = tpu.memref_slice %arg4[%select_n3A, %dma_wait3A_151] : memref<4608x64xi32, #tpu.memory_space<hbm>> -> memref<144x64xi32, #tpu.memory_space<hbm>>
        tpu.wait_dma2 semaphore(%run_scoped3A : memref<!tpu.dma_semaphore, #tpu.memory_space<semaphore_mem>>) src(%dma_wait3A_152 : memref<144x64xi32, #tpu.memory_space<hbm>>) dst(%dma_wait3A_150 : memref<144x64xi32, #tpu.memory_space<vmem>>)
        tpu.yield
      }) : () -> ()
      "tpu.region"() ({
        %run_scoped3A = tpu.sem_alloc : memref<!tpu.dma_semaphore, #tpu.memory_space<semaphore_mem>>
        %dma_start3A_134 = arith.constant 0 : i32
        %dma_start3A_135 = arith.constant 0 : i32
        %dma_start3A_136 = tpu.memref_slice %arg12[%dma_start3A_134, %dma_start3A_135] : memref<144x64xi32, #tpu.memory_space<vmem>> -> memref<144x64xi32, #tpu.memory_space<vmem>>
        %dma_start3A_137 = arith.constant 0 : i32
        %dma_start3A_138 = tpu.memref_slice %arg5[%select_n3A, %dma_start3A_137] : memref<4608x64xi32, #tpu.memory_space<hbm>> -> memref<144x64xi32, #tpu.memory_space<hbm>>
        %dma_start3A_139 = arith.constant 0 : i32
        %dma_start3A_140 = arith.constant 0 : i32
        %dma_start3A_141 = tpu.memref_slice %arg12[%dma_start3A_139, %dma_start3A_140] : memref<144x64xi32, #tpu.memory_space<vmem>> -> memref<144x64xi32, #tpu.memory_space<vmem>>
        %dma_start3A_142 = arith.constant 0 : i32
        %dma_start3A_143 = tpu.memref_slice %arg5[%select_n3A, %dma_start3A_142] : memref<4608x64xi32, #tpu.memory_space<hbm>> -> memref<144x64xi32, #tpu.memory_space<hbm>>
        tpu.enqueue_dma source(%dma_start3A_143 : memref<144x64xi32, #tpu.memory_space<hbm>>) target(%dma_start3A_141 : memref<144x64xi32, #tpu.memory_space<vmem>>) target_semaphore(%run_scoped3A : memref<!tpu.dma_semaphore, #tpu.memory_space<semaphore_mem>>)
        %dma_wait3A = arith.constant 0 : i32
        %dma_wait3A_144 = arith.constant 0 : i32
        %dma_wait3A_145 = tpu.memref_slice %arg12[%dma_wait3A, %dma_wait3A_144] : memref<144x64xi32, #tpu.memory_space<vmem>> -> memref<144x64xi32, #tpu.memory_space<vmem>>
        %dma_wait3A_146 = arith.constant 0 : i32
        %dma_wait3A_147 = tpu.memref_slice %arg5[%select_n3A, %dma_wait3A_146] : memref<4608x64xi32, #tpu.memory_space<hbm>> -> memref<144x64xi32, #tpu.memory_space<hbm>>
        %dma_wait3A_148 = arith.constant 0 : i32
        %dma_wait3A_149 = arith.constant 0 : i32
        %dma_wait3A_150 = tpu.memref_slice %arg12[%dma_wait3A_148, %dma_wait3A_149] : memref<144x64xi32, #tpu.memory_space<vmem>> -> memref<144x64xi32, #tpu.memory_space<vmem>>
        %dma_wait3A_151 = arith.constant 0 : i32
        %dma_wait3A_152 = tpu.memref_slice %arg5[%select_n3A, %dma_wait3A_151] : memref<4608x64xi32, #tpu.memory_space<hbm>> -> memref<144x64xi32, #tpu.memory_space<hbm>>
        tpu.wait_dma2 semaphore(%run_scoped3A : memref<!tpu.dma_semaphore, #tpu.memory_space<semaphore_mem>>) src(%dma_wait3A_152 : memref<144x64xi32, #tpu.memory_space<hbm>>) dst(%dma_wait3A_150 : memref<144x64xi32, #tpu.memory_space<vmem>>)
        tpu.yield
      }) : () -> ()
    } else {
    }
    "tpu.region"() ({
      %run_scoped3A = tpu.sem_alloc : memref<!tpu.dma_semaphore, #tpu.memory_space<semaphore_mem>>
      %dma_start3A_134 = tpu.memref_slice %arg3[%mul3A_0] : memref<10240xf32, #tpu.memory_space<hbm>> -> memref<640xf32, #tpu.memory_space<hbm>>
      %dma_start3A_135 = tpu.memref_slice %arg3[%mul3A_0] : memref<10240xf32, #tpu.memory_space<hbm>> -> memref<640xf32, #tpu.memory_space<hbm>>
      tpu.enqueue_dma source(%dma_start3A_135 : memref<640xf32, #tpu.memory_space<hbm>>) target(%arg16 : memref<640xf32, #tpu.memory_space<vmem>>) target_semaphore(%run_scoped3A : memref<!tpu.dma_semaphore, #tpu.memory_space<semaphore_mem>>)
      %dma_wait3A = tpu.memref_slice %arg3[%mul3A_0] : memref<10240xf32, #tpu.memory_space<hbm>> -> memref<640xf32, #tpu.memory_space<hbm>>
      %dma_wait3A_136 = tpu.memref_slice %arg3[%mul3A_0] : memref<10240xf32, #tpu.memory_space<hbm>> -> memref<640xf32, #tpu.memory_space<hbm>>
      tpu.wait_dma2 semaphore(%run_scoped3A : memref<!tpu.dma_semaphore, #tpu.memory_space<semaphore_mem>>) src(%dma_wait3A_136 : memref<640xf32, #tpu.memory_space<hbm>>) dst(%arg16 : memref<640xf32, #tpu.memory_space<vmem>>)
      tpu.yield
    }) : () -> ()
    "tpu.region"() ({
      %run_scoped3A = tpu.sem_alloc : memref<!tpu.dma_semaphore, #tpu.memory_space<semaphore_mem>>
      %dma_start3A_134 = tpu.memref_slice %arg9[%mul3A_0] : memref<10240xf32, #tpu.memory_space<vmem_shared>> -> memref<640xf32, #tpu.memory_space<vmem_shared>>
      %dma_start3A_135 = tpu.memref_slice %arg9[%mul3A_0] : memref<10240xf32, #tpu.memory_space<vmem_shared>> -> memref<640xf32, #tpu.memory_space<vmem_shared>>
      tpu.enqueue_dma source(%arg16 : memref<640xf32, #tpu.memory_space<vmem>>) target(%dma_start3A_135 : memref<640xf32, #tpu.memory_space<vmem_shared>>) target_semaphore(%run_scoped3A : memref<!tpu.dma_semaphore, #tpu.memory_space<semaphore_mem>>)
      %dma_wait3A = tpu.memref_slice %arg9[%mul3A_0] : memref<10240xf32, #tpu.memory_space<vmem_shared>> -> memref<640xf32, #tpu.memory_space<vmem_shared>>
      %dma_wait3A_136 = tpu.memref_slice %arg9[%mul3A_0] : memref<10240xf32, #tpu.memory_space<vmem_shared>> -> memref<640xf32, #tpu.memory_space<vmem_shared>>
      tpu.wait_dma2 semaphore(%run_scoped3A : memref<!tpu.dma_semaphore, #tpu.memory_space<semaphore_mem>>) src(%arg16 : memref<640xf32, #tpu.memory_space<vmem>>) dst(%dma_wait3A_136 : memref<640xf32, #tpu.memory_space<vmem_shared>>)
      tpu.yield
    }) : () -> ()
    %broadcast_in_dim3A = arith.constant 0.000000e+00 : f32
    %broadcast_in_dim3A_19 = vector.broadcast %broadcast_in_dim3A : f32 to vector<16xf32>
    %scan3A = arith.constant 0 : i32
    %scan3A_20 = arith.constant 40 : i32
    %scan3A_21 = arith.addi %scan3A, %scan3A_20 : i32
    %scan3A_22 = arith.constant 1 : i32
    scf.for %scan3A_134 = %scan3A to %scan3A_21 step %scan3A_22  : i32 {
      %mul3A_135 = arith.constant 1 : i32
      %mul3A_136 = arith.muli %scan3A_134, %mul3A_135 : i32
      %add3A_137 = arith.constant 0 : i32
      %add3A_138 = arith.addi %add3A_137, %mul3A_136 : i32
      %mul3A_139 = arith.constant 16 : i32
      %mul3A_140 = arith.muli %add3A_138, %mul3A_139 : i32
      %swap3A = arith.index_cast %mul3A_140 : i32 to index
      %swap3A_141 = tpu.vector_load %arg16[%swap3A] {strides = array<i32>} : memref<640xf32, #tpu.memory_space<vmem>>, vector<16xf32>,
      tpu.vector_store %arg16[%swap3A], %broadcast_in_dim3A_19 {strides = array<i32>} : memref<640xf32, #tpu.memory_space<vmem>>, vector<16xf32>,
    }
    %scan3A_23 = arith.constant 40 : i32
    "tpu.region"() ({
      %run_scoped3A = tpu.sem_alloc : memref<!tpu.dma_semaphore, #tpu.memory_space<semaphore_mem>>
      %dma_start3A_134 = tpu.memref_slice %arg10[%mul3A_0] : memref<10240xf32, #tpu.memory_space<vmem_shared>> -> memref<640xf32, #tpu.memory_space<vmem_shared>>
      %dma_start3A_135 = tpu.memref_slice %arg10[%mul3A_0] : memref<10240xf32, #tpu.memory_space<vmem_shared>> -> memref<640xf32, #tpu.memory_space<vmem_shared>>
      tpu.enqueue_dma source(%arg16 : memref<640xf32, #tpu.memory_space<vmem>>) target(%dma_start3A_135 : memref<640xf32, #tpu.memory_space<vmem_shared>>) target_semaphore(%run_scoped3A : memref<!tpu.dma_semaphore, #tpu.memory_space<semaphore_mem>>)
      %dma_wait3A = tpu.memref_slice %arg10[%mul3A_0] : memref<10240xf32, #tpu.memory_space<vmem_shared>> -> memref<640xf32, #tpu.memory_space<vmem_shared>>
      %dma_wait3A_136 = tpu.memref_slice %arg10[%mul3A_0] : memref<10240xf32, #tpu.memory_space<vmem_shared>> -> memref<640xf32, #tpu.memory_space<vmem_shared>>
      tpu.wait_dma2 semaphore(%run_scoped3A : memref<!tpu.dma_semaphore, #tpu.memory_space<semaphore_mem>>) src(%arg16 : memref<640xf32, #tpu.memory_space<vmem>>) dst(%dma_wait3A_136 : memref<640xf32, #tpu.memory_space<vmem_shared>>)
      tpu.yield
    }) : () -> ()
    %broadcast_in_dim3A_24 = arith.constant 0.000000e+00 : f32
    %broadcast_in_dim3A_25 = vector.broadcast %broadcast_in_dim3A_24 : f32 to vector<16xf32>
    %scan3A_26 = arith.constant 0 : i32
    %scan3A_27 = arith.constant 64 : i32
    %scan3A_28 = arith.addi %scan3A_26, %scan3A_27 : i32
    %scan3A_29 = arith.constant 1 : i32
    scf.for %scan3A_134 = %scan3A_26 to %scan3A_28 step %scan3A_29  : i32 {
      %mul3A_135 = arith.constant 1 : i32
      %mul3A_136 = arith.muli %scan3A_134, %mul3A_135 : i32
      %add3A_137 = arith.constant 0 : i32
      %add3A_138 = arith.addi %add3A_137, %mul3A_136 : i32
      %swap3A = arith.index_cast %add3A_138 : i32 to index
      %swap3A_139 = arith.constant 0 : index
      %swap3A_140 = tpu.vector_load %arg13[%swap3A, %swap3A_139] {strides = array<i32>} : memref<64x128xf32, #tpu.memory_space<vmem>>, vector<16xf32>,
      tpu.vector_store %arg13[%swap3A, %swap3A_139], %broadcast_in_dim3A_25 {strides = array<i32>} : memref<64x128xf32, #tpu.memory_space<vmem>>, vector<16xf32>,
      %swap3A_141 = arith.index_cast %add3A_138 : i32 to index
      %swap3A_142 = arith.constant 16 : index
      %swap3A_143 = tpu.vector_load %arg13[%swap3A_141, %swap3A_142] {strides = array<i32>} : memref<64x128xf32, #tpu.memory_space<vmem>>, vector<16xf32>,
      tpu.vector_store %arg13[%swap3A_141, %swap3A_142], %broadcast_in_dim3A_25 {strides = array<i32>} : memref<64x128xf32, #tpu.memory_space<vmem>>, vector<16xf32>,
      %swap3A_144 = arith.index_cast %add3A_138 : i32 to index
      %swap3A_145 = arith.constant 32 : index
      %swap3A_146 = tpu.vector_load %arg13[%swap3A_144, %swap3A_145] {strides = array<i32>} : memref<64x128xf32, #tpu.memory_space<vmem>>, vector<16xf32>,
      tpu.vector_store %arg13[%swap3A_144, %swap3A_145], %broadcast_in_dim3A_25 {strides = array<i32>} : memref<64x128xf32, #tpu.memory_space<vmem>>, vector<16xf32>,
      %swap3A_147 = arith.index_cast %add3A_138 : i32 to index
      %swap3A_148 = arith.constant 48 : index
      %swap3A_149 = tpu.vector_load %arg13[%swap3A_147, %swap3A_148] {strides = array<i32>} : memref<64x128xf32, #tpu.memory_space<vmem>>, vector<16xf32>,
      tpu.vector_store %arg13[%swap3A_147, %swap3A_148], %broadcast_in_dim3A_25 {strides = array<i32>} : memref<64x128xf32, #tpu.memory_space<vmem>>, vector<16xf32>,
      %swap3A_150 = arith.index_cast %add3A_138 : i32 to index
      %swap3A_151 = arith.constant 64 : index
      %swap3A_152 = tpu.vector_load %arg13[%swap3A_150, %swap3A_151] {strides = array<i32>} : memref<64x128xf32, #tpu.memory_space<vmem>>, vector<16xf32>,
      tpu.vector_store %arg13[%swap3A_150, %swap3A_151], %broadcast_in_dim3A_25 {strides = array<i32>} : memref<64x128xf32, #tpu.memory_space<vmem>>, vector<16xf32>,
      %swap3A_153 = arith.index_cast %add3A_138 : i32 to index
      %swap3A_154 = arith.constant 80 : index
      %swap3A_155 = tpu.vector_load %arg13[%swap3A_153, %swap3A_154] {strides = array<i32>} : memref<64x128xf32, #tpu.memory_space<vmem>>, vector<16xf32>,
      tpu.vector_store %arg13[%swap3A_153, %swap3A_154], %broadcast_in_dim3A_25 {strides = array<i32>} : memref<64x128xf32, #tpu.memory_space<vmem>>, vector<16xf32>,
      %swap3A_156 = arith.index_cast %add3A_138 : i32 to index
      %swap3A_157 = arith.constant 96 : index
      %swap3A_158 = tpu.vector_load %arg13[%swap3A_156, %swap3A_157] {strides = array<i32>} : memref<64x128xf32, #tpu.memory_space<vmem>>, vector<16xf32>,
      tpu.vector_store %arg13[%swap3A_156, %swap3A_157], %broadcast_in_dim3A_25 {strides = array<i32>} : memref<64x128xf32, #tpu.memory_space<vmem>>, vector<16xf32>,
      %swap3A_159 = arith.index_cast %add3A_138 : i32 to index
      %swap3A_160 = arith.constant 112 : index
      %swap3A_161 = tpu.vector_load %arg13[%swap3A_159, %swap3A_160] {strides = array<i32>} : memref<64x128xf32, #tpu.memory_space<vmem>>, vector<16xf32>,
      tpu.vector_store %arg13[%swap3A_159, %swap3A_160], %broadcast_in_dim3A_25 {strides = array<i32>} : memref<64x128xf32, #tpu.memory_space<vmem>>, vector<16xf32>,
    }
    %scan3A_30 = arith.constant 64 : i32
    %add3A_31 = arith.constant 0 : i32
    %add3A_32 = arith.addi %mul3A_0, %add3A_31 : i32
    "tpu.region"() ({
      %run_scoped3A = tpu.sem_alloc : memref<!tpu.dma_semaphore, #tpu.memory_space<semaphore_mem>>
      %dma_start3A_134 = arith.constant 0 : i32
      %dma_start3A_135 = tpu.memref_slice %arg8[%add3A_32, %dma_start3A_134] : memref<10240x128xf32, #tpu.memory_space<vmem_shared>> -> memref<64x128xf32, #tpu.memory_space<vmem_shared>>
      %dma_start3A_136 = arith.constant 0 : i32
      %dma_start3A_137 = tpu.memref_slice %arg8[%add3A_32, %dma_start3A_136] : memref<10240x128xf32, #tpu.memory_space<vmem_shared>> -> memref<64x128xf32, #tpu.memory_space<vmem_shared>>
      tpu.enqueue_dma source(%arg13 : memref<64x128xf32, #tpu.memory_space<vmem>>) target(%dma_start3A_137 : memref<64x128xf32, #tpu.memory_space<vmem_shared>>) target_semaphore(%run_scoped3A : memref<!tpu.dma_semaphore, #tpu.memory_space<semaphore_mem>>)
      %dma_wait3A = arith.constant 0 : i32
      %dma_wait3A_138 = tpu.memref_slice %arg8[%add3A_32, %dma_wait3A] : memref<10240x128xf32, #tpu.memory_space<vmem_shared>> -> memref<64x128xf32, #tpu.memory_space<vmem_shared>>
      %dma_wait3A_139 = arith.constant 0 : i32
      %dma_wait3A_140 = tpu.memref_slice %arg8[%add3A_32, %dma_wait3A_139] : memref<10240x128xf32, #tpu.memory_space<vmem_shared>> -> memref<64x128xf32, #tpu.memory_space<vmem_shared>>
      tpu.wait_dma2 semaphore(%run_scoped3A : memref<!tpu.dma_semaphore, #tpu.memory_space<semaphore_mem>>) src(%arg13 : memref<64x128xf32, #tpu.memory_space<vmem>>) dst(%dma_wait3A_140 : memref<64x128xf32, #tpu.memory_space<vmem_shared>>)
      tpu.yield
    }) : () -> ()
    %add3A_33 = arith.constant 64 : i32
    %add3A_34 = arith.addi %mul3A_0, %add3A_33 : i32
    "tpu.region"() ({
      %run_scoped3A = tpu.sem_alloc : memref<!tpu.dma_semaphore, #tpu.memory_space<semaphore_mem>>
      %dma_start3A_134 = arith.constant 0 : i32
      %dma_start3A_135 = tpu.memref_slice %arg8[%add3A_34, %dma_start3A_134] : memref<10240x128xf32, #tpu.memory_space<vmem_shared>> -> memref<64x128xf32, #tpu.memory_space<vmem_shared>>
      %dma_start3A_136 = arith.constant 0 : i32
      %dma_start3A_137 = tpu.memref_slice %arg8[%add3A_34, %dma_start3A_136] : memref<10240x128xf32, #tpu.memory_space<vmem_shared>> -> memref<64x128xf32, #tpu.memory_space<vmem_shared>>
      tpu.enqueue_dma source(%arg13 : memref<64x128xf32, #tpu.memory_space<vmem>>) target(%dma_start3A_137 : memref<64x128xf32, #tpu.memory_space<vmem_shared>>) target_semaphore(%run_scoped3A : memref<!tpu.dma_semaphore, #tpu.memory_space<semaphore_mem>>)
      %dma_wait3A = arith.constant 0 : i32
      %dma_wait3A_138 = tpu.memref_slice %arg8[%add3A_34, %dma_wait3A] : memref<10240x128xf32, #tpu.memory_space<vmem_shared>> -> memref<64x128xf32, #tpu.memory_space<vmem_shared>>
      %dma_wait3A_139 = arith.constant 0 : i32
      %dma_wait3A_140 = tpu.memref_slice %arg8[%add3A_34, %dma_wait3A_139] : memref<10240x128xf32, #tpu.memory_space<vmem_shared>> -> memref<64x128xf32, #tpu.memory_space<vmem_shared>>
      tpu.wait_dma2 semaphore(%run_scoped3A : memref<!tpu.dma_semaphore, #tpu.memory_space<semaphore_mem>>) src(%arg13 : memref<64x128xf32, #tpu.memory_space<vmem>>) dst(%dma_wait3A_140 : memref<64x128xf32, #tpu.memory_space<vmem_shared>>)
      tpu.yield
    }) : () -> ()
    %add3A_35 = arith.constant 128 : i32
    %add3A_36 = arith.addi %mul3A_0, %add3A_35 : i32
    "tpu.region"() ({
      %run_scoped3A = tpu.sem_alloc : memref<!tpu.dma_semaphore, #tpu.memory_space<semaphore_mem>>
      %dma_start3A_134 = arith.constant 0 : i32
      %dma_start3A_135 = tpu.memref_slice %arg8[%add3A_36, %dma_start3A_134] : memref<10240x128xf32, #tpu.memory_space<vmem_shared>> -> memref<64x128xf32, #tpu.memory_space<vmem_shared>>
      %dma_start3A_136 = arith.constant 0 : i32
      %dma_start3A_137 = tpu.memref_slice %arg8[%add3A_36, %dma_start3A_136] : memref<10240x128xf32, #tpu.memory_space<vmem_shared>> -> memref<64x128xf32, #tpu.memory_space<vmem_shared>>
      tpu.enqueue_dma source(%arg13 : memref<64x128xf32, #tpu.memory_space<vmem>>) target(%dma_start3A_137 : memref<64x128xf32, #tpu.memory_space<vmem_shared>>) target_semaphore(%run_scoped3A : memref<!tpu.dma_semaphore, #tpu.memory_space<semaphore_mem>>)
      %dma_wait3A = arith.constant 0 : i32
      %dma_wait3A_138 = tpu.memref_slice %arg8[%add3A_36, %dma_wait3A] : memref<10240x128xf32, #tpu.memory_space<vmem_shared>> -> memref<64x128xf32, #tpu.memory_space<vmem_shared>>
      %dma_wait3A_139 = arith.constant 0 : i32
      %dma_wait3A_140 = tpu.memref_slice %arg8[%add3A_36, %dma_wait3A_139] : memref<10240x128xf32, #tpu.memory_space<vmem_shared>> -> memref<64x128xf32, #tpu.memory_space<vmem_shared>>
      tpu.wait_dma2 semaphore(%run_scoped3A : memref<!tpu.dma_semaphore, #tpu.memory_space<semaphore_mem>>) src(%arg13 : memref<64x128xf32, #tpu.memory_space<vmem>>) dst(%dma_wait3A_140 : memref<64x128xf32, #tpu.memory_space<vmem_shared>>)
      tpu.yield
    }) : () -> ()
    %add3A_37 = arith.constant 192 : i32
    %add3A_38 = arith.addi %mul3A_0, %add3A_37 : i32
    "tpu.region"() ({
      %run_scoped3A = tpu.sem_alloc : memref<!tpu.dma_semaphore, #tpu.memory_space<semaphore_mem>>
      %dma_start3A_134 = arith.constant 0 : i32
      %dma_start3A_135 = tpu.memref_slice %arg8[%add3A_38, %dma_start3A_134] : memref<10240x128xf32, #tpu.memory_space<vmem_shared>> -> memref<64x128xf32, #tpu.memory_space<vmem_shared>>
      %dma_start3A_136 = arith.constant 0 : i32
      %dma_start3A_137 = tpu.memref_slice %arg8[%add3A_38, %dma_start3A_136] : memref<10240x128xf32, #tpu.memory_space<vmem_shared>> -> memref<64x128xf32, #tpu.memory_space<vmem_shared>>
      tpu.enqueue_dma source(%arg13 : memref<64x128xf32, #tpu.memory_space<vmem>>) target(%dma_start3A_137 : memref<64x128xf32, #tpu.memory_space<vmem_shared>>) target_semaphore(%run_scoped3A : memref<!tpu.dma_semaphore, #tpu.memory_space<semaphore_mem>>)
      %dma_wait3A = arith.constant 0 : i32
      %dma_wait3A_138 = tpu.memref_slice %arg8[%add3A_38, %dma_wait3A] : memref<10240x128xf32, #tpu.memory_space<vmem_shared>> -> memref<64x128xf32, #tpu.memory_space<vmem_shared>>
      %dma_wait3A_139 = arith.constant 0 : i32
      %dma_wait3A_140 = tpu.memref_slice %arg8[%add3A_38, %dma_wait3A_139] : memref<10240x128xf32, #tpu.memory_space<vmem_shared>> -> memref<64x128xf32, #tpu.memory_space<vmem_shared>>
      tpu.wait_dma2 semaphore(%run_scoped3A : memref<!tpu.dma_semaphore, #tpu.memory_space<semaphore_mem>>) src(%arg13 : memref<64x128xf32, #tpu.memory_space<vmem>>) dst(%dma_wait3A_140 : memref<64x128xf32, #tpu.memory_space<vmem_shared>>)
      tpu.yield
    }) : () -> ()
    %add3A_39 = arith.constant 256 : i32
    %add3A_40 = arith.addi %mul3A_0, %add3A_39 : i32
    "tpu.region"() ({
      %run_scoped3A = tpu.sem_alloc : memref<!tpu.dma_semaphore, #tpu.memory_space<semaphore_mem>>
      %dma_start3A_134 = arith.constant 0 : i32
      %dma_start3A_135 = tpu.memref_slice %arg8[%add3A_40, %dma_start3A_134] : memref<10240x128xf32, #tpu.memory_space<vmem_shared>> -> memref<64x128xf32, #tpu.memory_space<vmem_shared>>
      %dma_start3A_136 = arith.constant 0 : i32
      %dma_start3A_137 = tpu.memref_slice %arg8[%add3A_40, %dma_start3A_136] : memref<10240x128xf32, #tpu.memory_space<vmem_shared>> -> memref<64x128xf32, #tpu.memory_space<vmem_shared>>
      tpu.enqueue_dma source(%arg13 : memref<64x128xf32, #tpu.memory_space<vmem>>) target(%dma_start3A_137 : memref<64x128xf32, #tpu.memory_space<vmem_shared>>) target_semaphore(%run_scoped3A : memref<!tpu.dma_semaphore, #tpu.memory_space<semaphore_mem>>)
      %dma_wait3A = arith.constant 0 : i32
      %dma_wait3A_138 = tpu.memref_slice %arg8[%add3A_40, %dma_wait3A] : memref<10240x128xf32, #tpu.memory_space<vmem_shared>> -> memref<64x128xf32, #tpu.memory_space<vmem_shared>>
      %dma_wait3A_139 = arith.constant 0 : i32
      %dma_wait3A_140 = tpu.memref_slice %arg8[%add3A_40, %dma_wait3A_139] : memref<10240x128xf32, #tpu.memory_space<vmem_shared>> -> memref<64x128xf32, #tpu.memory_space<vmem_shared>>
      tpu.wait_dma2 semaphore(%run_scoped3A : memref<!tpu.dma_semaphore, #tpu.memory_space<semaphore_mem>>) src(%arg13 : memref<64x128xf32, #tpu.memory_space<vmem>>) dst(%dma_wait3A_140 : memref<64x128xf32, #tpu.memory_space<vmem_shared>>)
      tpu.yield
    }) : () -> ()
    %add3A_41 = arith.constant 320 : i32
    %add3A_42 = arith.addi %mul3A_0, %add3A_41 : i32
    "tpu.region"() ({
      %run_scoped3A = tpu.sem_alloc : memref<!tpu.dma_semaphore, #tpu.memory_space<semaphore_mem>>
      %dma_start3A_134 = arith.constant 0 : i32
      %dma_start3A_135 = tpu.memref_slice %arg8[%add3A_42, %dma_start3A_134] : memref<10240x128xf32, #tpu.memory_space<vmem_shared>> -> memref<64x128xf32, #tpu.memory_space<vmem_shared>>
      %dma_start3A_136 = arith.constant 0 : i32
      %dma_start3A_137 = tpu.memref_slice %arg8[%add3A_42, %dma_start3A_136] : memref<10240x128xf32, #tpu.memory_space<vmem_shared>> -> memref<64x128xf32, #tpu.memory_space<vmem_shared>>
      tpu.enqueue_dma source(%arg13 : memref<64x128xf32, #tpu.memory_space<vmem>>) target(%dma_start3A_137 : memref<64x128xf32, #tpu.memory_space<vmem_shared>>) target_semaphore(%run_scoped3A : memref<!tpu.dma_semaphore, #tpu.memory_space<semaphore_mem>>)
      %dma_wait3A = arith.constant 0 : i32
      %dma_wait3A_138 = tpu.memref_slice %arg8[%add3A_42, %dma_wait3A] : memref<10240x128xf32, #tpu.memory_space<vmem_shared>> -> memref<64x128xf32, #tpu.memory_space<vmem_shared>>
      %dma_wait3A_139 = arith.constant 0 : i32
      %dma_wait3A_140 = tpu.memref_slice %arg8[%add3A_42, %dma_wait3A_139] : memref<10240x128xf32, #tpu.memory_space<vmem_shared>> -> memref<64x128xf32, #tpu.memory_space<vmem_shared>>
      tpu.wait_dma2 semaphore(%run_scoped3A : memref<!tpu.dma_semaphore, #tpu.memory_space<semaphore_mem>>) src(%arg13 : memref<64x128xf32, #tpu.memory_space<vmem>>) dst(%dma_wait3A_140 : memref<64x128xf32, #tpu.memory_space<vmem_shared>>)
      tpu.yield
    }) : () -> ()
    %add3A_43 = arith.constant 384 : i32
    %add3A_44 = arith.addi %mul3A_0, %add3A_43 : i32
    "tpu.region"() ({
      %run_scoped3A = tpu.sem_alloc : memref<!tpu.dma_semaphore, #tpu.memory_space<semaphore_mem>>
      %dma_start3A_134 = arith.constant 0 : i32
      %dma_start3A_135 = tpu.memref_slice %arg8[%add3A_44, %dma_start3A_134] : memref<10240x128xf32, #tpu.memory_space<vmem_shared>> -> memref<64x128xf32, #tpu.memory_space<vmem_shared>>
      %dma_start3A_136 = arith.constant 0 : i32
      %dma_start3A_137 = tpu.memref_slice %arg8[%add3A_44, %dma_start3A_136] : memref<10240x128xf32, #tpu.memory_space<vmem_shared>> -> memref<64x128xf32, #tpu.memory_space<vmem_shared>>
      tpu.enqueue_dma source(%arg13 : memref<64x128xf32, #tpu.memory_space<vmem>>) target(%dma_start3A_137 : memref<64x128xf32, #tpu.memory_space<vmem_shared>>) target_semaphore(%run_scoped3A : memref<!tpu.dma_semaphore, #tpu.memory_space<semaphore_mem>>)
      %dma_wait3A = arith.constant 0 : i32
      %dma_wait3A_138 = tpu.memref_slice %arg8[%add3A_44, %dma_wait3A] : memref<10240x128xf32, #tpu.memory_space<vmem_shared>> -> memref<64x128xf32, #tpu.memory_space<vmem_shared>>
      %dma_wait3A_139 = arith.constant 0 : i32
      %dma_wait3A_140 = tpu.memref_slice %arg8[%add3A_44, %dma_wait3A_139] : memref<10240x128xf32, #tpu.memory_space<vmem_shared>> -> memref<64x128xf32, #tpu.memory_space<vmem_shared>>
      tpu.wait_dma2 semaphore(%run_scoped3A : memref<!tpu.dma_semaphore, #tpu.memory_space<semaphore_mem>>) src(%arg13 : memref<64x128xf32, #tpu.memory_space<vmem>>) dst(%dma_wait3A_140 : memref<64x128xf32, #tpu.memory_space<vmem_shared>>)
      tpu.yield
    }) : () -> ()
    %add3A_45 = arith.constant 448 : i32
    %add3A_46 = arith.addi %mul3A_0, %add3A_45 : i32
    "tpu.region"() ({
      %run_scoped3A = tpu.sem_alloc : memref<!tpu.dma_semaphore, #tpu.memory_space<semaphore_mem>>
      %dma_start3A_134 = arith.constant 0 : i32
      %dma_start3A_135 = tpu.memref_slice %arg8[%add3A_46, %dma_start3A_134] : memref<10240x128xf32, #tpu.memory_space<vmem_shared>> -> memref<64x128xf32, #tpu.memory_space<vmem_shared>>
      %dma_start3A_136 = arith.constant 0 : i32
      %dma_start3A_137 = tpu.memref_slice %arg8[%add3A_46, %dma_start3A_136] : memref<10240x128xf32, #tpu.memory_space<vmem_shared>> -> memref<64x128xf32, #tpu.memory_space<vmem_shared>>
      tpu.enqueue_dma source(%arg13 : memref<64x128xf32, #tpu.memory_space<vmem>>) target(%dma_start3A_137 : memref<64x128xf32, #tpu.memory_space<vmem_shared>>) target_semaphore(%run_scoped3A : memref<!tpu.dma_semaphore, #tpu.memory_space<semaphore_mem>>)
      %dma_wait3A = arith.constant 0 : i32
      %dma_wait3A_138 = tpu.memref_slice %arg8[%add3A_46, %dma_wait3A] : memref<10240x128xf32, #tpu.memory_space<vmem_shared>> -> memref<64x128xf32, #tpu.memory_space<vmem_shared>>
      %dma_wait3A_139 = arith.constant 0 : i32
      %dma_wait3A_140 = tpu.memref_slice %arg8[%add3A_46, %dma_wait3A_139] : memref<10240x128xf32, #tpu.memory_space<vmem_shared>> -> memref<64x128xf32, #tpu.memory_space<vmem_shared>>
      tpu.wait_dma2 semaphore(%run_scoped3A : memref<!tpu.dma_semaphore, #tpu.memory_space<semaphore_mem>>) src(%arg13 : memref<64x128xf32, #tpu.memory_space<vmem>>) dst(%dma_wait3A_140 : memref<64x128xf32, #tpu.memory_space<vmem_shared>>)
      tpu.yield
    }) : () -> ()
    %add3A_47 = arith.constant 512 : i32
    %add3A_48 = arith.addi %mul3A_0, %add3A_47 : i32
    "tpu.region"() ({
      %run_scoped3A = tpu.sem_alloc : memref<!tpu.dma_semaphore, #tpu.memory_space<semaphore_mem>>
      %dma_start3A_134 = arith.constant 0 : i32
      %dma_start3A_135 = tpu.memref_slice %arg8[%add3A_48, %dma_start3A_134] : memref<10240x128xf32, #tpu.memory_space<vmem_shared>> -> memref<64x128xf32, #tpu.memory_space<vmem_shared>>
      %dma_start3A_136 = arith.constant 0 : i32
      %dma_start3A_137 = tpu.memref_slice %arg8[%add3A_48, %dma_start3A_136] : memref<10240x128xf32, #tpu.memory_space<vmem_shared>> -> memref<64x128xf32, #tpu.memory_space<vmem_shared>>
      tpu.enqueue_dma source(%arg13 : memref<64x128xf32, #tpu.memory_space<vmem>>) target(%dma_start3A_137 : memref<64x128xf32, #tpu.memory_space<vmem_shared>>) target_semaphore(%run_scoped3A : memref<!tpu.dma_semaphore, #tpu.memory_space<semaphore_mem>>)
      %dma_wait3A = arith.constant 0 : i32
      %dma_wait3A_138 = tpu.memref_slice %arg8[%add3A_48, %dma_wait3A] : memref<10240x128xf32, #tpu.memory_space<vmem_shared>> -> memref<64x128xf32, #tpu.memory_space<vmem_shared>>
      %dma_wait3A_139 = arith.constant 0 : i32
      %dma_wait3A_140 = tpu.memref_slice %arg8[%add3A_48, %dma_wait3A_139] : memref<10240x128xf32, #tpu.memory_space<vmem_shared>> -> memref<64x128xf32, #tpu.memory_space<vmem_shared>>
      tpu.wait_dma2 semaphore(%run_scoped3A : memref<!tpu.dma_semaphore, #tpu.memory_space<semaphore_mem>>) src(%arg13 : memref<64x128xf32, #tpu.memory_space<vmem>>) dst(%dma_wait3A_140 : memref<64x128xf32, #tpu.memory_space<vmem_shared>>)
      tpu.yield
    }) : () -> ()
    %add3A_49 = arith.constant 576 : i32
    %add3A_50 = arith.addi %mul3A_0, %add3A_49 : i32
    "tpu.region"() ({
      %run_scoped3A = tpu.sem_alloc : memref<!tpu.dma_semaphore, #tpu.memory_space<semaphore_mem>>
      %dma_start3A_134 = arith.constant 0 : i32
      %dma_start3A_135 = tpu.memref_slice %arg8[%add3A_50, %dma_start3A_134] : memref<10240x128xf32, #tpu.memory_space<vmem_shared>> -> memref<64x128xf32, #tpu.memory_space<vmem_shared>>
      %dma_start3A_136 = arith.constant 0 : i32
      %dma_start3A_137 = tpu.memref_slice %arg8[%add3A_50, %dma_start3A_136] : memref<10240x128xf32, #tpu.memory_space<vmem_shared>> -> memref<64x128xf32, #tpu.memory_space<vmem_shared>>
      tpu.enqueue_dma source(%arg13 : memref<64x128xf32, #tpu.memory_space<vmem>>) target(%dma_start3A_137 : memref<64x128xf32, #tpu.memory_space<vmem_shared>>) target_semaphore(%run_scoped3A : memref<!tpu.dma_semaphore, #tpu.memory_space<semaphore_mem>>)
      %dma_wait3A = arith.constant 0 : i32
      %dma_wait3A_138 = tpu.memref_slice %arg8[%add3A_50, %dma_wait3A] : memref<10240x128xf32, #tpu.memory_space<vmem_shared>> -> memref<64x128xf32, #tpu.memory_space<vmem_shared>>
      %dma_wait3A_139 = arith.constant 0 : i32
      %dma_wait3A_140 = tpu.memref_slice %arg8[%add3A_50, %dma_wait3A_139] : memref<10240x128xf32, #tpu.memory_space<vmem_shared>> -> memref<64x128xf32, #tpu.memory_space<vmem_shared>>
      tpu.wait_dma2 semaphore(%run_scoped3A : memref<!tpu.dma_semaphore, #tpu.memory_space<semaphore_mem>>) src(%arg13 : memref<64x128xf32, #tpu.memory_space<vmem>>) dst(%dma_wait3A_140 : memref<64x128xf32, #tpu.memory_space<vmem_shared>>)
      tpu.yield
    }) : () -> ()
    %barrier3A = arith.constant 0 : index
    tpu.barrier barrier_id(%barrier3A)
    %dma_start3A = arith.constant 0 : i32
    %dma_start3A_51 = arith.constant 0 : i32
    %dma_start3A_52 = tpu.memref_slice %arg11[%dma_start3A, %dma_start3A_51] : memref<144x64xi32, #tpu.memory_space<vmem>> -> memref<1x64xi32, #tpu.memory_space<vmem>>
    %dma_start3A_53 = tpu.memref_squeeze %dma_start3A_52 : memref<1x64xi32, #tpu.memory_space<vmem>> -> memref<64xi32, #tpu.memory_space<vmem>>
    %dma_start3A_54 = arith.constant 0 : i32
    %dma_start3A_55 = arith.constant 0 : i32
    %dma_start3A_56 = tpu.memref_slice %arg2[%dma_start3A_54, %dma_start3A_55] : memref<10240x128xf32, #tpu.memory_space<hbm>> -> memref<10240x128xf32, #tpu.memory_space<hbm>>
    tpu.enqueue_indirect_dma source(%dma_start3A_56 : memref<10240x128xf32, #tpu.memory_space<hbm>>) target(%arg13 : memref<64x128xf32, #tpu.memory_space<vmem>>) offsets(%dma_start3A_53 : memref<64xi32, #tpu.memory_space<vmem>>) semaphore(%arg17 : memref<!tpu.dma_semaphore, #tpu.memory_space<semaphore_mem>>)
    %jit3A_57 = arith.constant 2 : i32
    %div3A = arith.divsi %select_n3A_10, %jit3A_57 : i32
    %sign3A = arith.constant 0 : i32
    %sign3A_58 = arith.cmpi sgt, %select_n3A_10, %sign3A : i32
    %sign3A_59 = arith.extui %sign3A_58 : i1 to i32
    %sign3A_60 = arith.constant 0 : i32
    %sign3A_61 = arith.cmpi slt, %select_n3A_10, %sign3A_60 : i32
    %sign3A_62 = arith.extui %sign3A_61 : i1 to i32
    %sign3A_63 = arith.subi %sign3A_59, %sign3A_62 : i32
    %sign3A_64 = arith.constant 0 : i32
    %sign3A_65 = arith.cmpi sgt, %jit3A_57, %sign3A_64 : i32
    %sign3A_66 = arith.extui %sign3A_65 : i1 to i32
    %sign3A_67 = arith.constant 0 : i32
    %sign3A_68 = arith.cmpi slt, %jit3A_57, %sign3A_67 : i32
    %sign3A_69 = arith.extui %sign3A_68 : i1 to i32
    %sign3A_70 = arith.subi %sign3A_66, %sign3A_69 : i32
    %ne3A = arith.cmpi ne, %sign3A_63, %sign3A_70 : i32
    %rem3A = arith.remsi %select_n3A_10, %jit3A_57 : i32
    %ne3A_71 = arith.constant 0 : i32
    %ne3A_72 = arith.cmpi ne, %rem3A, %ne3A_71 : i32
    %and3A = arith.andi %ne3A, %ne3A_72 : i1
    %sub3A = arith.constant 1 : i32
    %sub3A_73 = arith.subi %div3A, %sub3A : i32
    %select_n3A_74 = arith.select %and3A, %sub3A_73, %div3A : i32
    %sub3A_75 = arith.constant 0 : i32
    %sub3A_76 = arith.subi %select_n3A_74, %sub3A_75 : i32
    %sub3A_77 = arith.constant 1 : i32
    %sub3A_78 = arith.constant 1 : i32
    %sub3A_79 = arith.subi %sub3A_77, %sub3A_78 : i32
    %add3A_80 = arith.addi %sub3A_76, %sub3A_79 : i32
    %div3A_81 = arith.constant 1 : i32
    %div3A_82 = arith.divsi %add3A_80, %div3A_81 : i32
    %while3A = arith.constant 1 : i32
    %while3A_83 = arith.constant 0 : i32
    %while3A_84 = arith.constant 0 : i32
    %while3A_85 = arith.subi %div3A_82, %while3A_84 : i32
    %while3A_86 = arith.addi %while3A_84, %while3A_85 : i32
    %while3A_87 = arith.constant 1 : i32
    %while3A_88 = arith.divsi %while3A_85, %while3A_87 : i32
    %while3A_89 = arith.muli %while3A_88, %while3A_87 : i32
    %while3A_90 = arith.addi %while3A_84, %while3A_89 : i32
    %while3A_91 = arith.constant 1 : i32
    scf.for %while3A_134 = %while3A_84 to %while3A_90 step %while3A_91  : i32 {
      %mul3A_135 = arith.muli %while3A_134, %while3A : i32
      %add3A_136 = arith.addi %while3A_83, %mul3A_135 : i32
      %mul3A_137 = arith.constant 2 : i32
      %mul3A_138 = arith.muli %add3A_136, %mul3A_137 : i32
      %add3A_139 = arith.constant 1 : i32
      %add3A_140 = arith.addi %mul3A_138, %add3A_139 : i32
      %dma_start3A_141 = arith.constant 0 : i32
      %dma_start3A_142 = tpu.memref_slice %arg11[%add3A_140, %dma_start3A_141] : memref<144x64xi32, #tpu.memory_space<vmem>> -> memref<1x64xi32, #tpu.memory_space<vmem>>
      %dma_start3A_143 = tpu.memref_squeeze %dma_start3A_142 : memref<1x64xi32, #tpu.memory_space<vmem>> -> memref<64xi32, #tpu.memory_space<vmem>>
      %dma_start3A_144 = arith.constant 0 : i32
      %dma_start3A_145 = arith.constant 0 : i32
      %dma_start3A_146 = tpu.memref_slice %arg2[%dma_start3A_144, %dma_start3A_145] : memref<10240x128xf32, #tpu.memory_space<hbm>> -> memref<10240x128xf32, #tpu.memory_space<hbm>>
      tpu.enqueue_indirect_dma source(%dma_start3A_146 : memref<10240x128xf32, #tpu.memory_space<hbm>>) target(%arg14 : memref<64x128xf32, #tpu.memory_space<vmem>>) offsets(%dma_start3A_143 : memref<64xi32, #tpu.memory_space<vmem>>) semaphore(%arg18 : memref<!tpu.dma_semaphore, #tpu.memory_space<semaphore_mem>>)
      %dma_wait3A = arith.constant 0 : i32
      %dma_wait3A_147 = tpu.memref_slice %arg11[%mul3A_138, %dma_wait3A] : memref<144x64xi32, #tpu.memory_space<vmem>> -> memref<1x64xi32, #tpu.memory_space<vmem>>
      %dma_wait3A_148 = tpu.memref_squeeze %dma_wait3A_147 : memref<1x64xi32, #tpu.memory_space<vmem>> -> memref<64xi32, #tpu.memory_space<vmem>>
      %dma_wait3A_149 = arith.constant 0 : i32
      %dma_wait3A_150 = arith.constant 0 : i32
      %dma_wait3A_151 = tpu.memref_slice %arg2[%dma_wait3A_149, %dma_wait3A_150] : memref<10240x128xf32, #tpu.memory_space<hbm>> -> memref<10240x128xf32, #tpu.memory_space<hbm>>
      tpu.wait_indirect_dma semaphore(%arg17 : memref<!tpu.dma_semaphore, #tpu.memory_space<semaphore_mem>>) src(%dma_wait3A_151 : memref<10240x128xf32, #tpu.memory_space<hbm>>) dst(%arg13 : memref<64x128xf32, #tpu.memory_space<vmem>>)
      "tpu.region"() ({
        %run_scoped3A = tpu.sem_alloc : memref<!tpu.dma_semaphore, #tpu.memory_space<semaphore_mem>>
        %dma_start3A_193 = arith.constant 0 : i32
        %dma_start3A_194 = tpu.memref_slice %arg12[%mul3A_138, %dma_start3A_193] : memref<144x64xi32, #tpu.memory_space<vmem>> -> memref<1x64xi32, #tpu.memory_space<vmem>>
        %dma_start3A_195 = tpu.memref_squeeze %dma_start3A_194 : memref<1x64xi32, #tpu.memory_space<vmem>> -> memref<64xi32, #tpu.memory_space<vmem>>
        %dma_start3A_196 = arith.constant 0 : i32
        %dma_start3A_197 = arith.constant 0 : i32
        %dma_start3A_198 = tpu.memref_slice %arg8[%dma_start3A_196, %dma_start3A_197] : memref<10240x128xf32, #tpu.memory_space<vmem_shared>> -> memref<10240x128xf32, #tpu.memory_space<vmem_shared>>
        tpu.enqueue_indirect_dma source(%arg13 : memref<64x128xf32, #tpu.memory_space<vmem>>) target(%dma_start3A_198 : memref<10240x128xf32, #tpu.memory_space<vmem_shared>>) offsets(%dma_start3A_195 : memref<64xi32, #tpu.memory_space<vmem>>) semaphore(%run_scoped3A : memref<!tpu.dma_semaphore, #tpu.memory_space<semaphore_mem>>) {add = true}
        %dma_wait3A_199 = arith.constant 0 : i32
        %dma_wait3A_200 = tpu.memref_slice %arg12[%mul3A_138, %dma_wait3A_199] : memref<144x64xi32, #tpu.memory_space<vmem>> -> memref<1x64xi32, #tpu.memory_space<vmem>>
        %dma_wait3A_201 = tpu.memref_squeeze %dma_wait3A_200 : memref<1x64xi32, #tpu.memory_space<vmem>> -> memref<64xi32, #tpu.memory_space<vmem>>
        %dma_wait3A_202 = arith.constant 0 : i32
        %dma_wait3A_203 = arith.constant 0 : i32
        %dma_wait3A_204 = tpu.memref_slice %arg8[%dma_wait3A_202, %dma_wait3A_203] : memref<10240x128xf32, #tpu.memory_space<vmem_shared>> -> memref<10240x128xf32, #tpu.memory_space<vmem_shared>>
        tpu.wait_indirect_dma semaphore(%run_scoped3A : memref<!tpu.dma_semaphore, #tpu.memory_space<semaphore_mem>>) src(%arg13 : memref<64x128xf32, #tpu.memory_space<vmem>>) dst(%dma_wait3A_204 : memref<10240x128xf32, #tpu.memory_space<vmem_shared>>)
        tpu.yield
      }) : () -> ()
      "tpu.region"() ({
        %run_scoped3A = tpu.sem_alloc : memref<!tpu.dma_semaphore, #tpu.memory_space<semaphore_mem>>
        %dma_start3A_193 = arith.constant 0 : i32
        %dma_start3A_194 = tpu.memref_slice %arg12[%mul3A_138, %dma_start3A_193] : memref<144x64xi32, #tpu.memory_space<vmem>> -> memref<1x64xi32, #tpu.memory_space<vmem>>
        %dma_start3A_195 = tpu.memref_squeeze %dma_start3A_194 : memref<1x64xi32, #tpu.memory_space<vmem>> -> memref<64xi32, #tpu.memory_space<vmem>>
        %dma_start3A_196 = arith.constant 0 : i32
        %dma_start3A_197 = tpu.memref_slice %arg9[%dma_start3A_196] : memref<10240xf32, #tpu.memory_space<vmem_shared>> -> memref<10240xf32, #tpu.memory_space<vmem_shared>>
        tpu.enqueue_indirect_dma source(%dma_start3A_197 : memref<10240xf32, #tpu.memory_space<vmem_shared>>) target(%arg15 : memref<64xf32, #tpu.memory_space<vmem>>) offsets(%dma_start3A_195 : memref<64xi32, #tpu.memory_space<vmem>>) semaphore(%run_scoped3A : memref<!tpu.dma_semaphore, #tpu.memory_space<semaphore_mem>>)
        %dma_wait3A_198 = arith.constant 0 : i32
        %dma_wait3A_199 = tpu.memref_slice %arg12[%mul3A_138, %dma_wait3A_198] : memref<144x64xi32, #tpu.memory_space<vmem>> -> memref<1x64xi32, #tpu.memory_space<vmem>>
        %dma_wait3A_200 = tpu.memref_squeeze %dma_wait3A_199 : memref<1x64xi32, #tpu.memory_space<vmem>> -> memref<64xi32, #tpu.memory_space<vmem>>
        %dma_wait3A_201 = arith.constant 0 : i32
        %dma_wait3A_202 = tpu.memref_slice %arg9[%dma_wait3A_201] : memref<10240xf32, #tpu.memory_space<vmem_shared>> -> memref<10240xf32, #tpu.memory_space<vmem_shared>>
        tpu.wait_indirect_dma semaphore(%run_scoped3A : memref<!tpu.dma_semaphore, #tpu.memory_space<semaphore_mem>>) src(%dma_wait3A_202 : memref<10240xf32, #tpu.memory_space<vmem_shared>>) dst(%arg15 : memref<64xf32, #tpu.memory_space<vmem>>)
        tpu.yield
      }) : () -> ()
      "tpu.region"() ({
        %run_scoped3A = tpu.sem_alloc : memref<!tpu.dma_semaphore, #tpu.memory_space<semaphore_mem>>
        %dma_start3A_193 = arith.constant 0 : i32
        %dma_start3A_194 = tpu.memref_slice %arg11[%mul3A_138, %dma_start3A_193] : memref<144x64xi32, #tpu.memory_space<vmem>> -> memref<1x64xi32, #tpu.memory_space<vmem>>
        %dma_start3A_195 = tpu.memref_squeeze %dma_start3A_194 : memref<1x64xi32, #tpu.memory_space<vmem>> -> memref<64xi32, #tpu.memory_space<vmem>>
        %dma_start3A_196 = arith.constant 0 : i32
        %dma_start3A_197 = tpu.memref_slice %arg10[%dma_start3A_196] : memref<10240xf32, #tpu.memory_space<vmem_shared>> -> memref<10240xf32, #tpu.memory_space<vmem_shared>>
        tpu.enqueue_indirect_dma source(%arg15 : memref<64xf32, #tpu.memory_space<vmem>>) target(%dma_start3A_197 : memref<10240xf32, #tpu.memory_space<vmem_shared>>) offsets(%dma_start3A_195 : memref<64xi32, #tpu.memory_space<vmem>>) semaphore(%run_scoped3A : memref<!tpu.dma_semaphore, #tpu.memory_space<semaphore_mem>>) {add = true}
        %dma_wait3A_198 = arith.constant 0 : i32
        %dma_wait3A_199 = tpu.memref_slice %arg11[%mul3A_138, %dma_wait3A_198] : memref<144x64xi32, #tpu.memory_space<vmem>> -> memref<1x64xi32, #tpu.memory_space<vmem>>
        %dma_wait3A_200 = tpu.memref_squeeze %dma_wait3A_199 : memref<1x64xi32, #tpu.memory_space<vmem>> -> memref<64xi32, #tpu.memory_space<vmem>>
        %dma_wait3A_201 = arith.constant 0 : i32
        %dma_wait3A_202 = tpu.memref_slice %arg10[%dma_wait3A_201] : memref<10240xf32, #tpu.memory_space<vmem_shared>> -> memref<10240xf32, #tpu.memory_space<vmem_shared>>
        tpu.wait_indirect_dma semaphore(%run_scoped3A : memref<!tpu.dma_semaphore, #tpu.memory_space<semaphore_mem>>) src(%arg15 : memref<64xf32, #tpu.memory_space<vmem>>) dst(%dma_wait3A_202 : memref<10240xf32, #tpu.memory_space<vmem_shared>>)
        tpu.yield
      }) : () -> ()
      %jit3A_152 = arith.constant 2 : i32
      %div3A_153 = arith.divsi %select_n3A_10, %jit3A_152 : i32
      %sign3A_154 = arith.constant 0 : i32
      %sign3A_155 = arith.cmpi sgt, %select_n3A_10, %sign3A_154 : i32
      %sign3A_156 = arith.extui %sign3A_155 : i1 to i32
      %sign3A_157 = arith.constant 0 : i32
      %sign3A_158 = arith.cmpi slt, %select_n3A_10, %sign3A_157 : i32
      %sign3A_159 = arith.extui %sign3A_158 : i1 to i32
      %sign3A_160 = arith.subi %sign3A_156, %sign3A_159 : i32
      %sign3A_161 = arith.constant 0 : i32
      %sign3A_162 = arith.cmpi sgt, %jit3A_152, %sign3A_161 : i32
      %sign3A_163 = arith.extui %sign3A_162 : i1 to i32
      %sign3A_164 = arith.constant 0 : i32
      %sign3A_165 = arith.cmpi slt, %jit3A_152, %sign3A_164 : i32
      %sign3A_166 = arith.extui %sign3A_165 : i1 to i32
      %sign3A_167 = arith.subi %sign3A_163, %sign3A_166 : i32
      %ne3A_168 = arith.cmpi ne, %sign3A_160, %sign3A_167 : i32
      %rem3A_169 = arith.remsi %select_n3A_10, %jit3A_152 : i32
      %ne3A_170 = arith.constant 0 : i32
      %ne3A_171 = arith.cmpi ne, %rem3A_169, %ne3A_170 : i32
      %and3A_172 = arith.andi %ne3A_168, %ne3A_171 : i1
      %sub3A_173 = arith.constant 1 : i32
      %sub3A_174 = arith.subi %div3A_153, %sub3A_173 : i32
      %select_n3A_175 = arith.select %and3A_172, %sub3A_174, %div3A_153 : i32
      %sub3A_176 = arith.constant 1 : i32
      %sub3A_177 = arith.subi %select_n3A_175, %sub3A_176 : i32
      %lt3A = arith.cmpi slt, %add3A_136, %sub3A_177 : i32
      %convert_element_type3A_178 = arith.extui %lt3A : i1 to i32
      %cond3A_179 = arith.constant 0 : i32
      %cond3A_180 = arith.cmpi ne, %convert_element_type3A_178, %cond3A_179 : i32
      scf.if %cond3A_180 {
        %add3A_193 = arith.constant 2 : i32
        %add3A_194 = arith.addi %mul3A_138, %add3A_193 : i32
        %dma_start3A_195 = arith.constant 0 : i32
        %dma_start3A_196 = tpu.memref_slice %arg11[%add3A_194, %dma_start3A_195] : memref<144x64xi32, #tpu.memory_space<vmem>> -> memref<1x64xi32, #tpu.memory_space<vmem>>
        %dma_start3A_197 = tpu.memref_squeeze %dma_start3A_196 : memref<1x64xi32, #tpu.memory_space<vmem>> -> memref<64xi32, #tpu.memory_space<vmem>>
        %dma_start3A_198 = arith.constant 0 : i32
        %dma_start3A_199 = arith.constant 0 : i32
        %dma_start3A_200 = tpu.memref_slice %arg2[%dma_start3A_198, %dma_start3A_199] : memref<10240x128xf32, #tpu.memory_space<hbm>> -> memref<10240x128xf32, #tpu.memory_space<hbm>>
        tpu.enqueue_indirect_dma source(%dma_start3A_200 : memref<10240x128xf32, #tpu.memory_space<hbm>>) target(%arg13 : memref<64x128xf32, #tpu.memory_space<vmem>>) offsets(%dma_start3A_197 : memref<64xi32, #tpu.memory_space<vmem>>) semaphore(%arg17 : memref<!tpu.dma_semaphore, #tpu.memory_space<semaphore_mem>>)
      } else {
      }
      %add3A_181 = arith.constant 1 : i32
      %add3A_182 = arith.addi %mul3A_138, %add3A_181 : i32
      %dma_wait3A_183 = arith.constant 0 : i32
      %dma_wait3A_184 = tpu.memref_slice %arg11[%add3A_182, %dma_wait3A_183] : memref<144x64xi32, #tpu.memory_space<vmem>> -> memref<1x64xi32, #tpu.memory_space<vmem>>
      %dma_wait3A_185 = tpu.memref_squeeze %dma_wait3A_184 : memref<1x64xi32, #tpu.memory_space<vmem>> -> memref<64xi32, #tpu.memory_space<vmem>>
      %dma_wait3A_186 = arith.constant 0 : i32
      %dma_wait3A_187 = arith.constant 0 : i32
      %dma_wait3A_188 = tpu.memref_slice %arg2[%dma_wait3A_186, %dma_wait3A_187] : memref<10240x128xf32, #tpu.memory_space<hbm>> -> memref<10240x128xf32, #tpu.memory_space<hbm>>
      tpu.wait_indirect_dma semaphore(%arg18 : memref<!tpu.dma_semaphore, #tpu.memory_space<semaphore_mem>>) src(%dma_wait3A_188 : memref<10240x128xf32, #tpu.memory_space<hbm>>) dst(%arg14 : memref<64x128xf32, #tpu.memory_space<vmem>>)
      %add3A_189 = arith.constant 1 : i32
      %add3A_190 = arith.addi %mul3A_138, %add3A_189 : i32
      "tpu.region"() ({
        %run_scoped3A = tpu.sem_alloc : memref<!tpu.dma_semaphore, #tpu.memory_space<semaphore_mem>>
        %dma_start3A_193 = arith.constant 0 : i32
        %dma_start3A_194 = tpu.memref_slice %arg12[%add3A_190, %dma_start3A_193] : memref<144x64xi32, #tpu.memory_space<vmem>> -> memref<1x64xi32, #tpu.memory_space<vmem>>
        %dma_start3A_195 = tpu.memref_squeeze %dma_start3A_194 : memref<1x64xi32, #tpu.memory_space<vmem>> -> memref<64xi32, #tpu.memory_space<vmem>>
        %dma_start3A_196 = arith.constant 0 : i32
        %dma_start3A_197 = arith.constant 0 : i32
        %dma_start3A_198 = tpu.memref_slice %arg8[%dma_start3A_196, %dma_start3A_197] : memref<10240x128xf32, #tpu.memory_space<vmem_shared>> -> memref<10240x128xf32, #tpu.memory_space<vmem_shared>>
        tpu.enqueue_indirect_dma source(%arg14 : memref<64x128xf32, #tpu.memory_space<vmem>>) target(%dma_start3A_198 : memref<10240x128xf32, #tpu.memory_space<vmem_shared>>) offsets(%dma_start3A_195 : memref<64xi32, #tpu.memory_space<vmem>>) semaphore(%run_scoped3A : memref<!tpu.dma_semaphore, #tpu.memory_space<semaphore_mem>>) {add = true}
        %dma_wait3A_199 = arith.constant 0 : i32
        %dma_wait3A_200 = tpu.memref_slice %arg12[%add3A_190, %dma_wait3A_199] : memref<144x64xi32, #tpu.memory_space<vmem>> -> memref<1x64xi32, #tpu.memory_space<vmem>>
        %dma_wait3A_201 = tpu.memref_squeeze %dma_wait3A_200 : memref<1x64xi32, #tpu.memory_space<vmem>> -> memref<64xi32, #tpu.memory_space<vmem>>
        %dma_wait3A_202 = arith.constant 0 : i32
        %dma_wait3A_203 = arith.constant 0 : i32
        %dma_wait3A_204 = tpu.memref_slice %arg8[%dma_wait3A_202, %dma_wait3A_203] : memref<10240x128xf32, #tpu.memory_space<vmem_shared>> -> memref<10240x128xf32, #tpu.memory_space<vmem_shared>>
        tpu.wait_indirect_dma semaphore(%run_scoped3A : memref<!tpu.dma_semaphore, #tpu.memory_space<semaphore_mem>>) src(%arg14 : memref<64x128xf32, #tpu.memory_space<vmem>>) dst(%dma_wait3A_204 : memref<10240x128xf32, #tpu.memory_space<vmem_shared>>)
        tpu.yield
      }) : () -> ()
      %add3A_191 = arith.constant 1 : i32
      %add3A_192 = arith.addi %mul3A_138, %add3A_191 : i32
      "tpu.region"() ({
        %run_scoped3A = tpu.sem_alloc : memref<!tpu.dma_semaphore, #tpu.memory_space<semaphore_mem>>
        %dma_start3A_193 = arith.constant 0 : i32
        %dma_start3A_194 = tpu.memref_slice %arg12[%add3A_192, %dma_start3A_193] : memref<144x64xi32, #tpu.memory_space<vmem>> -> memref<1x64xi32, #tpu.memory_space<vmem>>
        %dma_start3A_195 = tpu.memref_squeeze %dma_start3A_194 : memref<1x64xi32, #tpu.memory_space<vmem>> -> memref<64xi32, #tpu.memory_space<vmem>>
        %dma_start3A_196 = arith.constant 0 : i32
        %dma_start3A_197 = tpu.memref_slice %arg9[%dma_start3A_196] : memref<10240xf32, #tpu.memory_space<vmem_shared>> -> memref<10240xf32, #tpu.memory_space<vmem_shared>>
        tpu.enqueue_indirect_dma source(%dma_start3A_197 : memref<10240xf32, #tpu.memory_space<vmem_shared>>) target(%arg15 : memref<64xf32, #tpu.memory_space<vmem>>) offsets(%dma_start3A_195 : memref<64xi32, #tpu.memory_space<vmem>>) semaphore(%run_scoped3A : memref<!tpu.dma_semaphore, #tpu.memory_space<semaphore_mem>>)
        %dma_wait3A_198 = arith.constant 0 : i32
        %dma_wait3A_199 = tpu.memref_slice %arg12[%add3A_192, %dma_wait3A_198] : memref<144x64xi32, #tpu.memory_space<vmem>> -> memref<1x64xi32, #tpu.memory_space<vmem>>
        %dma_wait3A_200 = tpu.memref_squeeze %dma_wait3A_199 : memref<1x64xi32, #tpu.memory_space<vmem>> -> memref<64xi32, #tpu.memory_space<vmem>>
        %dma_wait3A_201 = arith.constant 0 : i32
        %dma_wait3A_202 = tpu.memref_slice %arg9[%dma_wait3A_201] : memref<10240xf32, #tpu.memory_space<vmem_shared>> -> memref<10240xf32, #tpu.memory_space<vmem_shared>>
        tpu.wait_indirect_dma semaphore(%run_scoped3A : memref<!tpu.dma_semaphore, #tpu.memory_space<semaphore_mem>>) src(%dma_wait3A_202 : memref<10240xf32, #tpu.memory_space<vmem_shared>>) dst(%arg15 : memref<64xf32, #tpu.memory_space<vmem>>)
        tpu.yield
      }) : () -> ()
      "tpu.region"() ({
        %run_scoped3A = tpu.sem_alloc : memref<!tpu.dma_semaphore, #tpu.memory_space<semaphore_mem>>
        %dma_start3A_193 = arith.constant 0 : i32
        %dma_start3A_194 = tpu.memref_slice %arg11[%add3A_192, %dma_start3A_193] : memref<144x64xi32, #tpu.memory_space<vmem>> -> memref<1x64xi32, #tpu.memory_space<vmem>>
        %dma_start3A_195 = tpu.memref_squeeze %dma_start3A_194 : memref<1x64xi32, #tpu.memory_space<vmem>> -> memref<64xi32, #tpu.memory_space<vmem>>
        %dma_start3A_196 = arith.constant 0 : i32
        %dma_start3A_197 = tpu.memref_slice %arg10[%dma_start3A_196] : memref<10240xf32, #tpu.memory_space<vmem_shared>> -> memref<10240xf32, #tpu.memory_space<vmem_shared>>
        tpu.enqueue_indirect_dma source(%arg15 : memref<64xf32, #tpu.memory_space<vmem>>) target(%dma_start3A_197 : memref<10240xf32, #tpu.memory_space<vmem_shared>>) offsets(%dma_start3A_195 : memref<64xi32, #tpu.memory_space<vmem>>) semaphore(%run_scoped3A : memref<!tpu.dma_semaphore, #tpu.memory_space<semaphore_mem>>) {add = true}
        %dma_wait3A_198 = arith.constant 0 : i32
        %dma_wait3A_199 = tpu.memref_slice %arg11[%add3A_192, %dma_wait3A_198] : memref<144x64xi32, #tpu.memory_space<vmem>> -> memref<1x64xi32, #tpu.memory_space<vmem>>
        %dma_wait3A_200 = tpu.memref_squeeze %dma_wait3A_199 : memref<1x64xi32, #tpu.memory_space<vmem>> -> memref<64xi32, #tpu.memory_space<vmem>>
        %dma_wait3A_201 = arith.constant 0 : i32
        %dma_wait3A_202 = tpu.memref_slice %arg10[%dma_wait3A_201] : memref<10240xf32, #tpu.memory_space<vmem_shared>> -> memref<10240xf32, #tpu.memory_space<vmem_shared>>
        tpu.wait_indirect_dma semaphore(%run_scoped3A : memref<!tpu.dma_semaphore, #tpu.memory_space<semaphore_mem>>) src(%arg15 : memref<64xf32, #tpu.memory_space<vmem>>) dst(%dma_wait3A_202 : memref<10240xf32, #tpu.memory_space<vmem_shared>>)
        tpu.yield
      }) : () -> ()
    }
    %while3A_92 = arith.constant 1 : i32
    scf.for %while3A_134 = %while3A_90 to %while3A_86 step %while3A_92  : i32 {
      %mul3A_135 = arith.muli %while3A_134, %while3A : i32
      %add3A_136 = arith.addi %while3A_83, %mul3A_135 : i32
      %mul3A_137 = arith.constant 2 : i32
      %mul3A_138 = arith.muli %add3A_136, %mul3A_137 : i32
      %add3A_139 = arith.constant 1 : i32
      %add3A_140 = arith.addi %mul3A_138, %add3A_139 : i32
      %dma_start3A_141 = arith.constant 0 : i32
      %dma_start3A_142 = tpu.memref_slice %arg11[%add3A_140, %dma_start3A_141] : memref<144x64xi32, #tpu.memory_space<vmem>> -> memref<1x64xi32, #tpu.memory_space<vmem>>
      %dma_start3A_143 = tpu.memref_squeeze %dma_start3A_142 : memref<1x64xi32, #tpu.memory_space<vmem>> -> memref<64xi32, #tpu.memory_space<vmem>>
      %dma_start3A_144 = arith.constant 0 : i32
      %dma_start3A_145 = arith.constant 0 : i32
      %dma_start3A_146 = tpu.memref_slice %arg2[%dma_start3A_144, %dma_start3A_145] : memref<10240x128xf32, #tpu.memory_space<hbm>> -> memref<10240x128xf32, #tpu.memory_space<hbm>>
      tpu.enqueue_indirect_dma source(%dma_start3A_146 : memref<10240x128xf32, #tpu.memory_space<hbm>>) target(%arg14 : memref<64x128xf32, #tpu.memory_space<vmem>>) offsets(%dma_start3A_143 : memref<64xi32, #tpu.memory_space<vmem>>) semaphore(%arg18 : memref<!tpu.dma_semaphore, #tpu.memory_space<semaphore_mem>>)
      %dma_wait3A = arith.constant 0 : i32
      %dma_wait3A_147 = tpu.memref_slice %arg11[%mul3A_138, %dma_wait3A] : memref<144x64xi32, #tpu.memory_space<vmem>> -> memref<1x64xi32, #tpu.memory_space<vmem>>
      %dma_wait3A_148 = tpu.memref_squeeze %dma_wait3A_147 : memref<1x64xi32, #tpu.memory_space<vmem>> -> memref<64xi32, #tpu.memory_space<vmem>>
      %dma_wait3A_149 = arith.constant 0 : i32
      %dma_wait3A_150 = arith.constant 0 : i32
      %dma_wait3A_151 = tpu.memref_slice %arg2[%dma_wait3A_149, %dma_wait3A_150] : memref<10240x128xf32, #tpu.memory_space<hbm>> -> memref<10240x128xf32, #tpu.memory_space<hbm>>
      tpu.wait_indirect_dma semaphore(%arg17 : memref<!tpu.dma_semaphore, #tpu.memory_space<semaphore_mem>>) src(%dma_wait3A_151 : memref<10240x128xf32, #tpu.memory_space<hbm>>) dst(%arg13 : memref<64x128xf32, #tpu.memory_space<vmem>>)
      "tpu.region"() ({
        %run_scoped3A = tpu.sem_alloc : memref<!tpu.dma_semaphore, #tpu.memory_space<semaphore_mem>>
        %dma_start3A_193 = arith.constant 0 : i32
        %dma_start3A_194 = tpu.memref_slice %arg12[%mul3A_138, %dma_start3A_193] : memref<144x64xi32, #tpu.memory_space<vmem>> -> memref<1x64xi32, #tpu.memory_space<vmem>>
        %dma_start3A_195 = tpu.memref_squeeze %dma_start3A_194 : memref<1x64xi32, #tpu.memory_space<vmem>> -> memref<64xi32, #tpu.memory_space<vmem>>
        %dma_start3A_196 = arith.constant 0 : i32
        %dma_start3A_197 = arith.constant 0 : i32
        %dma_start3A_198 = tpu.memref_slice %arg8[%dma_start3A_196, %dma_start3A_197] : memref<10240x128xf32, #tpu.memory_space<vmem_shared>> -> memref<10240x128xf32, #tpu.memory_space<vmem_shared>>
        tpu.enqueue_indirect_dma source(%arg13 : memref<64x128xf32, #tpu.memory_space<vmem>>) target(%dma_start3A_198 : memref<10240x128xf32, #tpu.memory_space<vmem_shared>>) offsets(%dma_start3A_195 : memref<64xi32, #tpu.memory_space<vmem>>) semaphore(%run_scoped3A : memref<!tpu.dma_semaphore, #tpu.memory_space<semaphore_mem>>) {add = true}
        %dma_wait3A_199 = arith.constant 0 : i32
        %dma_wait3A_200 = tpu.memref_slice %arg12[%mul3A_138, %dma_wait3A_199] : memref<144x64xi32, #tpu.memory_space<vmem>> -> memref<1x64xi32, #tpu.memory_space<vmem>>
        %dma_wait3A_201 = tpu.memref_squeeze %dma_wait3A_200 : memref<1x64xi32, #tpu.memory_space<vmem>> -> memref<64xi32, #tpu.memory_space<vmem>>
        %dma_wait3A_202 = arith.constant 0 : i32
        %dma_wait3A_203 = arith.constant 0 : i32
        %dma_wait3A_204 = tpu.memref_slice %arg8[%dma_wait3A_202, %dma_wait3A_203] : memref<10240x128xf32, #tpu.memory_space<vmem_shared>> -> memref<10240x128xf32, #tpu.memory_space<vmem_shared>>
        tpu.wait_indirect_dma semaphore(%run_scoped3A : memref<!tpu.dma_semaphore, #tpu.memory_space<semaphore_mem>>) src(%arg13 : memref<64x128xf32, #tpu.memory_space<vmem>>) dst(%dma_wait3A_204 : memref<10240x128xf32, #tpu.memory_space<vmem_shared>>)
        tpu.yield
      }) : () -> ()
      "tpu.region"() ({
        %run_scoped3A = tpu.sem_alloc : memref<!tpu.dma_semaphore, #tpu.memory_space<semaphore_mem>>
        %dma_start3A_193 = arith.constant 0 : i32
        %dma_start3A_194 = tpu.memref_slice %arg12[%mul3A_138, %dma_start3A_193] : memref<144x64xi32, #tpu.memory_space<vmem>> -> memref<1x64xi32, #tpu.memory_space<vmem>>
        %dma_start3A_195 = tpu.memref_squeeze %dma_start3A_194 : memref<1x64xi32, #tpu.memory_space<vmem>> -> memref<64xi32, #tpu.memory_space<vmem>>
        %dma_start3A_196 = arith.constant 0 : i32
        %dma_start3A_197 = tpu.memref_slice %arg9[%dma_start3A_196] : memref<10240xf32, #tpu.memory_space<vmem_shared>> -> memref<10240xf32, #tpu.memory_space<vmem_shared>>
        tpu.enqueue_indirect_dma source(%dma_start3A_197 : memref<10240xf32, #tpu.memory_space<vmem_shared>>) target(%arg15 : memref<64xf32, #tpu.memory_space<vmem>>) offsets(%dma_start3A_195 : memref<64xi32, #tpu.memory_space<vmem>>) semaphore(%run_scoped3A : memref<!tpu.dma_semaphore, #tpu.memory_space<semaphore_mem>>)
        %dma_wait3A_198 = arith.constant 0 : i32
        %dma_wait3A_199 = tpu.memref_slice %arg12[%mul3A_138, %dma_wait3A_198] : memref<144x64xi32, #tpu.memory_space<vmem>> -> memref<1x64xi32, #tpu.memory_space<vmem>>
        %dma_wait3A_200 = tpu.memref_squeeze %dma_wait3A_199 : memref<1x64xi32, #tpu.memory_space<vmem>> -> memref<64xi32, #tpu.memory_space<vmem>>
        %dma_wait3A_201 = arith.constant 0 : i32
        %dma_wait3A_202 = tpu.memref_slice %arg9[%dma_wait3A_201] : memref<10240xf32, #tpu.memory_space<vmem_shared>> -> memref<10240xf32, #tpu.memory_space<vmem_shared>>
        tpu.wait_indirect_dma semaphore(%run_scoped3A : memref<!tpu.dma_semaphore, #tpu.memory_space<semaphore_mem>>) src(%dma_wait3A_202 : memref<10240xf32, #tpu.memory_space<vmem_shared>>) dst(%arg15 : memref<64xf32, #tpu.memory_space<vmem>>)
        tpu.yield
      }) : () -> ()
      "tpu.region"() ({
        %run_scoped3A = tpu.sem_alloc : memref<!tpu.dma_semaphore, #tpu.memory_space<semaphore_mem>>
        %dma_start3A_193 = arith.constant 0 : i32
        %dma_start3A_194 = tpu.memref_slice %arg11[%mul3A_138, %dma_start3A_193] : memref<144x64xi32, #tpu.memory_space<vmem>> -> memref<1x64xi32, #tpu.memory_space<vmem>>
        %dma_start3A_195 = tpu.memref_squeeze %dma_start3A_194 : memref<1x64xi32, #tpu.memory_space<vmem>> -> memref<64xi32, #tpu.memory_space<vmem>>
        %dma_start3A_196 = arith.constant 0 : i32
        %dma_start3A_197 = tpu.memref_slice %arg10[%dma_start3A_196] : memref<10240xf32, #tpu.memory_space<vmem_shared>> -> memref<10240xf32, #tpu.memory_space<vmem_shared>>
        tpu.enqueue_indirect_dma source(%arg15 : memref<64xf32, #tpu.memory_space<vmem>>) target(%dma_start3A_197 : memref<10240xf32, #tpu.memory_space<vmem_shared>>) offsets(%dma_start3A_195 : memref<64xi32, #tpu.memory_space<vmem>>) semaphore(%run_scoped3A : memref<!tpu.dma_semaphore, #tpu.memory_space<semaphore_mem>>) {add = true}
        %dma_wait3A_198 = arith.constant 0 : i32
        %dma_wait3A_199 = tpu.memref_slice %arg11[%mul3A_138, %dma_wait3A_198] : memref<144x64xi32, #tpu.memory_space<vmem>> -> memref<1x64xi32, #tpu.memory_space<vmem>>
        %dma_wait3A_200 = tpu.memref_squeeze %dma_wait3A_199 : memref<1x64xi32, #tpu.memory_space<vmem>> -> memref<64xi32, #tpu.memory_space<vmem>>
        %dma_wait3A_201 = arith.constant 0 : i32
        %dma_wait3A_202 = tpu.memref_slice %arg10[%dma_wait3A_201] : memref<10240xf32, #tpu.memory_space<vmem_shared>> -> memref<10240xf32, #tpu.memory_space<vmem_shared>>
        tpu.wait_indirect_dma semaphore(%run_scoped3A : memref<!tpu.dma_semaphore, #tpu.memory_space<semaphore_mem>>) src(%arg15 : memref<64xf32, #tpu.memory_space<vmem>>) dst(%dma_wait3A_202 : memref<10240xf32, #tpu.memory_space<vmem_shared>>)
        tpu.yield
      }) : () -> ()
      %jit3A_152 = arith.constant 2 : i32
      %div3A_153 = arith.divsi %select_n3A_10, %jit3A_152 : i32
      %sign3A_154 = arith.constant 0 : i32
      %sign3A_155 = arith.cmpi sgt, %select_n3A_10, %sign3A_154 : i32
      %sign3A_156 = arith.extui %sign3A_155 : i1 to i32
      %sign3A_157 = arith.constant 0 : i32
      %sign3A_158 = arith.cmpi slt, %select_n3A_10, %sign3A_157 : i32
      %sign3A_159 = arith.extui %sign3A_158 : i1 to i32
      %sign3A_160 = arith.subi %sign3A_156, %sign3A_159 : i32
      %sign3A_161 = arith.constant 0 : i32
      %sign3A_162 = arith.cmpi sgt, %jit3A_152, %sign3A_161 : i32
      %sign3A_163 = arith.extui %sign3A_162 : i1 to i32
      %sign3A_164 = arith.constant 0 : i32
      %sign3A_165 = arith.cmpi slt, %jit3A_152, %sign3A_164 : i32
      %sign3A_166 = arith.extui %sign3A_165 : i1 to i32
      %sign3A_167 = arith.subi %sign3A_163, %sign3A_166 : i32
      %ne3A_168 = arith.cmpi ne, %sign3A_160, %sign3A_167 : i32
      %rem3A_169 = arith.remsi %select_n3A_10, %jit3A_152 : i32
      %ne3A_170 = arith.constant 0 : i32
      %ne3A_171 = arith.cmpi ne, %rem3A_169, %ne3A_170 : i32
      %and3A_172 = arith.andi %ne3A_168, %ne3A_171 : i1
      %sub3A_173 = arith.constant 1 : i32
      %sub3A_174 = arith.subi %div3A_153, %sub3A_173 : i32
      %select_n3A_175 = arith.select %and3A_172, %sub3A_174, %div3A_153 : i32
      %sub3A_176 = arith.constant 1 : i32
      %sub3A_177 = arith.subi %select_n3A_175, %sub3A_176 : i32
      %lt3A = arith.cmpi slt, %add3A_136, %sub3A_177 : i32
      %convert_element_type3A_178 = arith.extui %lt3A : i1 to i32
      %cond3A_179 = arith.constant 0 : i32
      %cond3A_180 = arith.cmpi ne, %convert_element_type3A_178, %cond3A_179 : i32
      scf.if %cond3A_180 {
        %add3A_193 = arith.constant 2 : i32
        %add3A_194 = arith.addi %mul3A_138, %add3A_193 : i32
        %dma_start3A_195 = arith.constant 0 : i32
        %dma_start3A_196 = tpu.memref_slice %arg11[%add3A_194, %dma_start3A_195] : memref<144x64xi32, #tpu.memory_space<vmem>> -> memref<1x64xi32, #tpu.memory_space<vmem>>
        %dma_start3A_197 = tpu.memref_squeeze %dma_start3A_196 : memref<1x64xi32, #tpu.memory_space<vmem>> -> memref<64xi32, #tpu.memory_space<vmem>>
        %dma_start3A_198 = arith.constant 0 : i32
        %dma_start3A_199 = arith.constant 0 : i32
        %dma_start3A_200 = tpu.memref_slice %arg2[%dma_start3A_198, %dma_start3A_199] : memref<10240x128xf32, #tpu.memory_space<hbm>> -> memref<10240x128xf32, #tpu.memory_space<hbm>>
        tpu.enqueue_indirect_dma source(%dma_start3A_200 : memref<10240x128xf32, #tpu.memory_space<hbm>>) target(%arg13 : memref<64x128xf32, #tpu.memory_space<vmem>>) offsets(%dma_start3A_197 : memref<64xi32, #tpu.memory_space<vmem>>) semaphore(%arg17 : memref<!tpu.dma_semaphore, #tpu.memory_space<semaphore_mem>>)
      } else {
      }
      %add3A_181 = arith.constant 1 : i32
      %add3A_182 = arith.addi %mul3A_138, %add3A_181 : i32
      %dma_wait3A_183 = arith.constant 0 : i32
      %dma_wait3A_184 = tpu.memref_slice %arg11[%add3A_182, %dma_wait3A_183] : memref<144x64xi32, #tpu.memory_space<vmem>> -> memref<1x64xi32, #tpu.memory_space<vmem>>
      %dma_wait3A_185 = tpu.memref_squeeze %dma_wait3A_184 : memref<1x64xi32, #tpu.memory_space<vmem>> -> memref<64xi32, #tpu.memory_space<vmem>>
      %dma_wait3A_186 = arith.constant 0 : i32
      %dma_wait3A_187 = arith.constant 0 : i32
      %dma_wait3A_188 = tpu.memref_slice %arg2[%dma_wait3A_186, %dma_wait3A_187] : memref<10240x128xf32, #tpu.memory_space<hbm>> -> memref<10240x128xf32, #tpu.memory_space<hbm>>
      tpu.wait_indirect_dma semaphore(%arg18 : memref<!tpu.dma_semaphore, #tpu.memory_space<semaphore_mem>>) src(%dma_wait3A_188 : memref<10240x128xf32, #tpu.memory_space<hbm>>) dst(%arg14 : memref<64x128xf32, #tpu.memory_space<vmem>>)
      %add3A_189 = arith.constant 1 : i32
      %add3A_190 = arith.addi %mul3A_138, %add3A_189 : i32
      "tpu.region"() ({
        %run_scoped3A = tpu.sem_alloc : memref<!tpu.dma_semaphore, #tpu.memory_space<semaphore_mem>>
        %dma_start3A_193 = arith.constant 0 : i32
        %dma_start3A_194 = tpu.memref_slice %arg12[%add3A_190, %dma_start3A_193] : memref<144x64xi32, #tpu.memory_space<vmem>> -> memref<1x64xi32, #tpu.memory_space<vmem>>
        %dma_start3A_195 = tpu.memref_squeeze %dma_start3A_194 : memref<1x64xi32, #tpu.memory_space<vmem>> -> memref<64xi32, #tpu.memory_space<vmem>>
        %dma_start3A_196 = arith.constant 0 : i32
        %dma_start3A_197 = arith.constant 0 : i32
        %dma_start3A_198 = tpu.memref_slice %arg8[%dma_start3A_196, %dma_start3A_197] : memref<10240x128xf32, #tpu.memory_space<vmem_shared>> -> memref<10240x128xf32, #tpu.memory_space<vmem_shared>>
        tpu.enqueue_indirect_dma source(%arg14 : memref<64x128xf32, #tpu.memory_space<vmem>>) target(%dma_start3A_198 : memref<10240x128xf32, #tpu.memory_space<vmem_shared>>) offsets(%dma_start3A_195 : memref<64xi32, #tpu.memory_space<vmem>>) semaphore(%run_scoped3A : memref<!tpu.dma_semaphore, #tpu.memory_space<semaphore_mem>>) {add = true}
        %dma_wait3A_199 = arith.constant 0 : i32
        %dma_wait3A_200 = tpu.memref_slice %arg12[%add3A_190, %dma_wait3A_199] : memref<144x64xi32, #tpu.memory_space<vmem>> -> memref<1x64xi32, #tpu.memory_space<vmem>>
        %dma_wait3A_201 = tpu.memref_squeeze %dma_wait3A_200 : memref<1x64xi32, #tpu.memory_space<vmem>> -> memref<64xi32, #tpu.memory_space<vmem>>
        %dma_wait3A_202 = arith.constant 0 : i32
        %dma_wait3A_203 = arith.constant 0 : i32
        %dma_wait3A_204 = tpu.memref_slice %arg8[%dma_wait3A_202, %dma_wait3A_203] : memref<10240x128xf32, #tpu.memory_space<vmem_shared>> -> memref<10240x128xf32, #tpu.memory_space<vmem_shared>>
        tpu.wait_indirect_dma semaphore(%run_scoped3A : memref<!tpu.dma_semaphore, #tpu.memory_space<semaphore_mem>>) src(%arg14 : memref<64x128xf32, #tpu.memory_space<vmem>>) dst(%dma_wait3A_204 : memref<10240x128xf32, #tpu.memory_space<vmem_shared>>)
        tpu.yield
      }) : () -> ()
      %add3A_191 = arith.constant 1 : i32
      %add3A_192 = arith.addi %mul3A_138, %add3A_191 : i32
      "tpu.region"() ({
        %run_scoped3A = tpu.sem_alloc : memref<!tpu.dma_semaphore, #tpu.memory_space<semaphore_mem>>
        %dma_start3A_193 = arith.constant 0 : i32
        %dma_start3A_194 = tpu.memref_slice %arg12[%add3A_192, %dma_start3A_193] : memref<144x64xi32, #tpu.memory_space<vmem>> -> memref<1x64xi32, #tpu.memory_space<vmem>>
        %dma_start3A_195 = tpu.memref_squeeze %dma_start3A_194 : memref<1x64xi32, #tpu.memory_space<vmem>> -> memref<64xi32, #tpu.memory_space<vmem>>
        %dma_start3A_196 = arith.constant 0 : i32
        %dma_start3A_197 = tpu.memref_slice %arg9[%dma_start3A_196] : memref<10240xf32, #tpu.memory_space<vmem_shared>> -> memref<10240xf32, #tpu.memory_space<vmem_shared>>
        tpu.enqueue_indirect_dma source(%dma_start3A_197 : memref<10240xf32, #tpu.memory_space<vmem_shared>>) target(%arg15 : memref<64xf32, #tpu.memory_space<vmem>>) offsets(%dma_start3A_195 : memref<64xi32, #tpu.memory_space<vmem>>) semaphore(%run_scoped3A : memref<!tpu.dma_semaphore, #tpu.memory_space<semaphore_mem>>)
        %dma_wait3A_198 = arith.constant 0 : i32
        %dma_wait3A_199 = tpu.memref_slice %arg12[%add3A_192, %dma_wait3A_198] : memref<144x64xi32, #tpu.memory_space<vmem>> -> memref<1x64xi32, #tpu.memory_space<vmem>>
        %dma_wait3A_200 = tpu.memref_squeeze %dma_wait3A_199 : memref<1x64xi32, #tpu.memory_space<vmem>> -> memref<64xi32, #tpu.memory_space<vmem>>
        %dma_wait3A_201 = arith.constant 0 : i32
        %dma_wait3A_202 = tpu.memref_slice %arg9[%dma_wait3A_201] : memref<10240xf32, #tpu.memory_space<vmem_shared>> -> memref<10240xf32, #tpu.memory_space<vmem_shared>>
        tpu.wait_indirect_dma semaphore(%run_scoped3A : memref<!tpu.dma_semaphore, #tpu.memory_space<semaphore_mem>>) src(%dma_wait3A_202 : memref<10240xf32, #tpu.memory_space<vmem_shared>>) dst(%arg15 : memref<64xf32, #tpu.memory_space<vmem>>)
        tpu.yield
      }) : () -> ()
      "tpu.region"() ({
        %run_scoped3A = tpu.sem_alloc : memref<!tpu.dma_semaphore, #tpu.memory_space<semaphore_mem>>
        %dma_start3A_193 = arith.constant 0 : i32
        %dma_start3A_194 = tpu.memref_slice %arg11[%add3A_192, %dma_start3A_193] : memref<144x64xi32, #tpu.memory_space<vmem>> -> memref<1x64xi32, #tpu.memory_space<vmem>>
        %dma_start3A_195 = tpu.memref_squeeze %dma_start3A_194 : memref<1x64xi32, #tpu.memory_space<vmem>> -> memref<64xi32, #tpu.memory_space<vmem>>
        %dma_start3A_196 = arith.constant 0 : i32
        %dma_start3A_197 = tpu.memref_slice %arg10[%dma_start3A_196] : memref<10240xf32, #tpu.memory_space<vmem_shared>> -> memref<10240xf32, #tpu.memory_space<vmem_shared>>
        tpu.enqueue_indirect_dma source(%arg15 : memref<64xf32, #tpu.memory_space<vmem>>) target(%dma_start3A_197 : memref<10240xf32, #tpu.memory_space<vmem_shared>>) offsets(%dma_start3A_195 : memref<64xi32, #tpu.memory_space<vmem>>) semaphore(%run_scoped3A : memref<!tpu.dma_semaphore, #tpu.memory_space<semaphore_mem>>) {add = true}
        %dma_wait3A_198 = arith.constant 0 : i32
        %dma_wait3A_199 = tpu.memref_slice %arg11[%add3A_192, %dma_wait3A_198] : memref<144x64xi32, #tpu.memory_space<vmem>> -> memref<1x64xi32, #tpu.memory_space<vmem>>
        %dma_wait3A_200 = tpu.memref_squeeze %dma_wait3A_199 : memref<1x64xi32, #tpu.memory_space<vmem>> -> memref<64xi32, #tpu.memory_space<vmem>>
        %dma_wait3A_201 = arith.constant 0 : i32
        %dma_wait3A_202 = tpu.memref_slice %arg10[%dma_wait3A_201] : memref<10240xf32, #tpu.memory_space<vmem_shared>> -> memref<10240xf32, #tpu.memory_space<vmem_shared>>
        tpu.wait_indirect_dma semaphore(%run_scoped3A : memref<!tpu.dma_semaphore, #tpu.memory_space<semaphore_mem>>) src(%arg15 : memref<64xf32, #tpu.memory_space<vmem>>) dst(%dma_wait3A_202 : memref<10240xf32, #tpu.memory_space<vmem_shared>>)
        tpu.yield
      }) : () -> ()
    }
    %barrier3A_93 = arith.constant 0 : index
    tpu.barrier barrier_id(%barrier3A_93)
    "tpu.region"() ({
      %run_scoped3A = tpu.sem_alloc : memref<!tpu.dma_semaphore, #tpu.memory_space<semaphore_mem>>
      %dma_start3A_134 = tpu.memref_slice %arg10[%mul3A_0] : memref<10240xf32, #tpu.memory_space<vmem_shared>> -> memref<640xf32, #tpu.memory_space<vmem_shared>>
      %dma_start3A_135 = tpu.memref_slice %arg10[%mul3A_0] : memref<10240xf32, #tpu.memory_space<vmem_shared>> -> memref<640xf32, #tpu.memory_space<vmem_shared>>
      tpu.enqueue_dma source(%dma_start3A_135 : memref<640xf32, #tpu.memory_space<vmem_shared>>) target(%arg16 : memref<640xf32, #tpu.memory_space<vmem>>) target_semaphore(%run_scoped3A : memref<!tpu.dma_semaphore, #tpu.memory_space<semaphore_mem>>)
      %dma_wait3A = tpu.memref_slice %arg10[%mul3A_0] : memref<10240xf32, #tpu.memory_space<vmem_shared>> -> memref<640xf32, #tpu.memory_space<vmem_shared>>
      %dma_wait3A_136 = tpu.memref_slice %arg10[%mul3A_0] : memref<10240xf32, #tpu.memory_space<vmem_shared>> -> memref<640xf32, #tpu.memory_space<vmem_shared>>
      tpu.wait_dma2 semaphore(%run_scoped3A : memref<!tpu.dma_semaphore, #tpu.memory_space<semaphore_mem>>) src(%dma_wait3A_136 : memref<640xf32, #tpu.memory_space<vmem_shared>>) dst(%arg16 : memref<640xf32, #tpu.memory_space<vmem>>)
      tpu.yield
    }) : () -> ()
    "tpu.region"() ({
      %run_scoped3A = tpu.sem_alloc : memref<!tpu.dma_semaphore, #tpu.memory_space<semaphore_mem>>
      %dma_start3A_134 = tpu.memref_slice %arg7[%arg0, %mul3A_0] : memref<2x10240xf32, #tpu.memory_space<hbm>> -> memref<1x640xf32, #tpu.memory_space<hbm>>
      %dma_start3A_135 = tpu.memref_squeeze %dma_start3A_134 : memref<1x640xf32, #tpu.memory_space<hbm>> -> memref<640xf32, #tpu.memory_space<hbm>>
      %dma_start3A_136 = tpu.memref_slice %arg7[%arg0, %mul3A_0] : memref<2x10240xf32, #tpu.memory_space<hbm>> -> memref<1x640xf32, #tpu.memory_space<hbm>>
      %dma_start3A_137 = tpu.memref_squeeze %dma_start3A_136 : memref<1x640xf32, #tpu.memory_space<hbm>> -> memref<640xf32, #tpu.memory_space<hbm>>
      tpu.enqueue_dma source(%arg16 : memref<640xf32, #tpu.memory_space<vmem>>) target(%dma_start3A_137 : memref<640xf32, #tpu.memory_space<hbm>>) target_semaphore(%run_scoped3A : memref<!tpu.dma_semaphore, #tpu.memory_space<semaphore_mem>>)
      %dma_wait3A = tpu.memref_slice %arg7[%arg0, %mul3A_0] : memref<2x10240xf32, #tpu.memory_space<hbm>> -> memref<1x640xf32, #tpu.memory_space<hbm>>
      %dma_wait3A_138 = tpu.memref_squeeze %dma_wait3A : memref<1x640xf32, #tpu.memory_space<hbm>> -> memref<640xf32, #tpu.memory_space<hbm>>
      %dma_wait3A_139 = tpu.memref_slice %arg7[%arg0, %mul3A_0] : memref<2x10240xf32, #tpu.memory_space<hbm>> -> memref<1x640xf32, #tpu.memory_space<hbm>>
      %dma_wait3A_140 = tpu.memref_squeeze %dma_wait3A_139 : memref<1x640xf32, #tpu.memory_space<hbm>> -> memref<640xf32, #tpu.memory_space<hbm>>
      tpu.wait_dma2 semaphore(%run_scoped3A : memref<!tpu.dma_semaphore, #tpu.memory_space<semaphore_mem>>) src(%arg16 : memref<640xf32, #tpu.memory_space<vmem>>) dst(%dma_wait3A_140 : memref<640xf32, #tpu.memory_space<hbm>>)
      tpu.yield
    }) : () -> ()
    %add3A_94 = arith.constant 0 : i32
    %add3A_95 = arith.addi %mul3A_0, %add3A_94 : i32
    "tpu.region"() ({
      %run_scoped3A = tpu.sem_alloc : memref<!tpu.dma_semaphore, #tpu.memory_space<semaphore_mem>>
      %dma_start3A_134 = arith.constant 0 : i32
      %dma_start3A_135 = tpu.memref_slice %arg8[%add3A_95, %dma_start3A_134] : memref<10240x128xf32, #tpu.memory_space<vmem_shared>> -> memref<64x128xf32, #tpu.memory_space<vmem_shared>>
      %dma_start3A_136 = arith.constant 0 : i32
      %dma_start3A_137 = tpu.memref_slice %arg8[%add3A_95, %dma_start3A_136] : memref<10240x128xf32, #tpu.memory_space<vmem_shared>> -> memref<64x128xf32, #tpu.memory_space<vmem_shared>>
      tpu.enqueue_dma source(%dma_start3A_137 : memref<64x128xf32, #tpu.memory_space<vmem_shared>>) target(%arg13 : memref<64x128xf32, #tpu.memory_space<vmem>>) target_semaphore(%run_scoped3A : memref<!tpu.dma_semaphore, #tpu.memory_space<semaphore_mem>>)
      %dma_wait3A = arith.constant 0 : i32
      %dma_wait3A_138 = tpu.memref_slice %arg8[%add3A_95, %dma_wait3A] : memref<10240x128xf32, #tpu.memory_space<vmem_shared>> -> memref<64x128xf32, #tpu.memory_space<vmem_shared>>
      %dma_wait3A_139 = arith.constant 0 : i32
      %dma_wait3A_140 = tpu.memref_slice %arg8[%add3A_95, %dma_wait3A_139] : memref<10240x128xf32, #tpu.memory_space<vmem_shared>> -> memref<64x128xf32, #tpu.memory_space<vmem_shared>>
      tpu.wait_dma2 semaphore(%run_scoped3A : memref<!tpu.dma_semaphore, #tpu.memory_space<semaphore_mem>>) src(%dma_wait3A_140 : memref<64x128xf32, #tpu.memory_space<vmem_shared>>) dst(%arg13 : memref<64x128xf32, #tpu.memory_space<vmem>>)
      tpu.yield
    }) : () -> ()
    %add3A_96 = arith.constant 0 : i32
    %add3A_97 = arith.addi %mul3A_0, %add3A_96 : i32
    "tpu.region"() ({
      %run_scoped3A = tpu.sem_alloc : memref<!tpu.dma_semaphore, #tpu.memory_space<semaphore_mem>>
      %dma_start3A_134 = arith.constant 0 : i32
      %dma_start3A_135 = tpu.memref_slice %arg6[%arg0, %add3A_97, %dma_start3A_134] : memref<2x10240x128xf32, #tpu.memory_space<hbm>> -> memref<1x64x128xf32, #tpu.memory_space<hbm>>
      %dma_start3A_136 = tpu.memref_squeeze %dma_start3A_135 : memref<1x64x128xf32, #tpu.memory_space<hbm>> -> memref<64x128xf32, #tpu.memory_space<hbm>>
      %dma_start3A_137 = arith.constant 0 : i32
      %dma_start3A_138 = tpu.memref_slice %arg6[%arg0, %add3A_97, %dma_start3A_137] : memref<2x10240x128xf32, #tpu.memory_space<hbm>> -> memref<1x64x128xf32, #tpu.memory_space<hbm>>
      %dma_start3A_139 = tpu.memref_squeeze %dma_start3A_138 : memref<1x64x128xf32, #tpu.memory_space<hbm>> -> memref<64x128xf32, #tpu.memory_space<hbm>>
      tpu.enqueue_dma source(%arg13 : memref<64x128xf32, #tpu.memory_space<vmem>>) target(%dma_start3A_139 : memref<64x128xf32, #tpu.memory_space<hbm>>) target_semaphore(%run_scoped3A : memref<!tpu.dma_semaphore, #tpu.memory_space<semaphore_mem>>)
      %dma_wait3A = arith.constant 0 : i32
      %dma_wait3A_140 = tpu.memref_slice %arg6[%arg0, %add3A_97, %dma_wait3A] : memref<2x10240x128xf32, #tpu.memory_space<hbm>> -> memref<1x64x128xf32, #tpu.memory_space<hbm>>
      %dma_wait3A_141 = tpu.memref_squeeze %dma_wait3A_140 : memref<1x64x128xf32, #tpu.memory_space<hbm>> -> memref<64x128xf32, #tpu.memory_space<hbm>>
      %dma_wait3A_142 = arith.constant 0 : i32
      %dma_wait3A_143 = tpu.memref_slice %arg6[%arg0, %add3A_97, %dma_wait3A_142] : memref<2x10240x128xf32, #tpu.memory_space<hbm>> -> memref<1x64x128xf32, #tpu.memory_space<hbm>>
      %dma_wait3A_144 = tpu.memref_squeeze %dma_wait3A_143 : memref<1x64x128xf32, #tpu.memory_space<hbm>> -> memref<64x128xf32, #tpu.memory_space<hbm>>
      tpu.wait_dma2 semaphore(%run_scoped3A : memref<!tpu.dma_semaphore, #tpu.memory_space<semaphore_mem>>) src(%arg13 : memref<64x128xf32, #tpu.memory_space<vmem>>) dst(%dma_wait3A_144 : memref<64x128xf32, #tpu.memory_space<hbm>>)
      tpu.yield
    }) : () -> ()
    %add3A_98 = arith.constant 64 : i32
    %add3A_99 = arith.addi %mul3A_0, %add3A_98 : i32
    "tpu.region"() ({
      %run_scoped3A = tpu.sem_alloc : memref<!tpu.dma_semaphore, #tpu.memory_space<semaphore_mem>>
      %dma_start3A_134 = arith.constant 0 : i32
      %dma_start3A_135 = tpu.memref_slice %arg8[%add3A_99, %dma_start3A_134] : memref<10240x128xf32, #tpu.memory_space<vmem_shared>> -> memref<64x128xf32, #tpu.memory_space<vmem_shared>>
      %dma_start3A_136 = arith.constant 0 : i32
      %dma_start3A_137 = tpu.memref_slice %arg8[%add3A_99, %dma_start3A_136] : memref<10240x128xf32, #tpu.memory_space<vmem_shared>> -> memref<64x128xf32, #tpu.memory_space<vmem_shared>>
      tpu.enqueue_dma source(%dma_start3A_137 : memref<64x128xf32, #tpu.memory_space<vmem_shared>>) target(%arg13 : memref<64x128xf32, #tpu.memory_space<vmem>>) target_semaphore(%run_scoped3A : memref<!tpu.dma_semaphore, #tpu.memory_space<semaphore_mem>>)
      %dma_wait3A = arith.constant 0 : i32
      %dma_wait3A_138 = tpu.memref_slice %arg8[%add3A_99, %dma_wait3A] : memref<10240x128xf32, #tpu.memory_space<vmem_shared>> -> memref<64x128xf32, #tpu.memory_space<vmem_shared>>
      %dma_wait3A_139 = arith.constant 0 : i32
      %dma_wait3A_140 = tpu.memref_slice %arg8[%add3A_99, %dma_wait3A_139] : memref<10240x128xf32, #tpu.memory_space<vmem_shared>> -> memref<64x128xf32, #tpu.memory_space<vmem_shared>>
      tpu.wait_dma2 semaphore(%run_scoped3A : memref<!tpu.dma_semaphore, #tpu.memory_space<semaphore_mem>>) src(%dma_wait3A_140 : memref<64x128xf32, #tpu.memory_space<vmem_shared>>) dst(%arg13 : memref<64x128xf32, #tpu.memory_space<vmem>>)
      tpu.yield
    }) : () -> ()
    %add3A_100 = arith.constant 64 : i32
    %add3A_101 = arith.addi %mul3A_0, %add3A_100 : i32
    "tpu.region"() ({
      %run_scoped3A = tpu.sem_alloc : memref<!tpu.dma_semaphore, #tpu.memory_space<semaphore_mem>>
      %dma_start3A_134 = arith.constant 0 : i32
      %dma_start3A_135 = tpu.memref_slice %arg6[%arg0, %add3A_101, %dma_start3A_134] : memref<2x10240x128xf32, #tpu.memory_space<hbm>> -> memref<1x64x128xf32, #tpu.memory_space<hbm>>
      %dma_start3A_136 = tpu.memref_squeeze %dma_start3A_135 : memref<1x64x128xf32, #tpu.memory_space<hbm>> -> memref<64x128xf32, #tpu.memory_space<hbm>>
      %dma_start3A_137 = arith.constant 0 : i32
      %dma_start3A_138 = tpu.memref_slice %arg6[%arg0, %add3A_101, %dma_start3A_137] : memref<2x10240x128xf32, #tpu.memory_space<hbm>> -> memref<1x64x128xf32, #tpu.memory_space<hbm>>
      %dma_start3A_139 = tpu.memref_squeeze %dma_start3A_138 : memref<1x64x128xf32, #tpu.memory_space<hbm>> -> memref<64x128xf32, #tpu.memory_space<hbm>>
      tpu.enqueue_dma source(%arg13 : memref<64x128xf32, #tpu.memory_space<vmem>>) target(%dma_start3A_139 : memref<64x128xf32, #tpu.memory_space<hbm>>) target_semaphore(%run_scoped3A : memref<!tpu.dma_semaphore, #tpu.memory_space<semaphore_mem>>)
      %dma_wait3A = arith.constant 0 : i32
      %dma_wait3A_140 = tpu.memref_slice %arg6[%arg0, %add3A_101, %dma_wait3A] : memref<2x10240x128xf32, #tpu.memory_space<hbm>> -> memref<1x64x128xf32, #tpu.memory_space<hbm>>
      %dma_wait3A_141 = tpu.memref_squeeze %dma_wait3A_140 : memref<1x64x128xf32, #tpu.memory_space<hbm>> -> memref<64x128xf32, #tpu.memory_space<hbm>>
      %dma_wait3A_142 = arith.constant 0 : i32
      %dma_wait3A_143 = tpu.memref_slice %arg6[%arg0, %add3A_101, %dma_wait3A_142] : memref<2x10240x128xf32, #tpu.memory_space<hbm>> -> memref<1x64x128xf32, #tpu.memory_space<hbm>>
      %dma_wait3A_144 = tpu.memref_squeeze %dma_wait3A_143 : memref<1x64x128xf32, #tpu.memory_space<hbm>> -> memref<64x128xf32, #tpu.memory_space<hbm>>
      tpu.wait_dma2 semaphore(%run_scoped3A : memref<!tpu.dma_semaphore, #tpu.memory_space<semaphore_mem>>) src(%arg13 : memref<64x128xf32, #tpu.memory_space<vmem>>) dst(%dma_wait3A_144 : memref<64x128xf32, #tpu.memory_space<hbm>>)
      tpu.yield
    }) : () -> ()
    %add3A_102 = arith.constant 128 : i32
    %add3A_103 = arith.addi %mul3A_0, %add3A_102 : i32
    "tpu.region"() ({
      %run_scoped3A = tpu.sem_alloc : memref<!tpu.dma_semaphore, #tpu.memory_space<semaphore_mem>>
      %dma_start3A_134 = arith.constant 0 : i32
      %dma_start3A_135 = tpu.memref_slice %arg8[%add3A_103, %dma_start3A_134] : memref<10240x128xf32, #tpu.memory_space<vmem_shared>> -> memref<64x128xf32, #tpu.memory_space<vmem_shared>>
      %dma_start3A_136 = arith.constant 0 : i32
      %dma_start3A_137 = tpu.memref_slice %arg8[%add3A_103, %dma_start3A_136] : memref<10240x128xf32, #tpu.memory_space<vmem_shared>> -> memref<64x128xf32, #tpu.memory_space<vmem_shared>>
      tpu.enqueue_dma source(%dma_start3A_137 : memref<64x128xf32, #tpu.memory_space<vmem_shared>>) target(%arg13 : memref<64x128xf32, #tpu.memory_space<vmem>>) target_semaphore(%run_scoped3A : memref<!tpu.dma_semaphore, #tpu.memory_space<semaphore_mem>>)
      %dma_wait3A = arith.constant 0 : i32
      %dma_wait3A_138 = tpu.memref_slice %arg8[%add3A_103, %dma_wait3A] : memref<10240x128xf32, #tpu.memory_space<vmem_shared>> -> memref<64x128xf32, #tpu.memory_space<vmem_shared>>
      %dma_wait3A_139 = arith.constant 0 : i32
      %dma_wait3A_140 = tpu.memref_slice %arg8[%add3A_103, %dma_wait3A_139] : memref<10240x128xf32, #tpu.memory_space<vmem_shared>> -> memref<64x128xf32, #tpu.memory_space<vmem_shared>>
      tpu.wait_dma2 semaphore(%run_scoped3A : memref<!tpu.dma_semaphore, #tpu.memory_space<semaphore_mem>>) src(%dma_wait3A_140 : memref<64x128xf32, #tpu.memory_space<vmem_shared>>) dst(%arg13 : memref<64x128xf32, #tpu.memory_space<vmem>>)
      tpu.yield
    }) : () -> ()
    %add3A_104 = arith.constant 128 : i32
    %add3A_105 = arith.addi %mul3A_0, %add3A_104 : i32
    "tpu.region"() ({
      %run_scoped3A = tpu.sem_alloc : memref<!tpu.dma_semaphore, #tpu.memory_space<semaphore_mem>>
      %dma_start3A_134 = arith.constant 0 : i32
      %dma_start3A_135 = tpu.memref_slice %arg6[%arg0, %add3A_105, %dma_start3A_134] : memref<2x10240x128xf32, #tpu.memory_space<hbm>> -> memref<1x64x128xf32, #tpu.memory_space<hbm>>
      %dma_start3A_136 = tpu.memref_squeeze %dma_start3A_135 : memref<1x64x128xf32, #tpu.memory_space<hbm>> -> memref<64x128xf32, #tpu.memory_space<hbm>>
      %dma_start3A_137 = arith.constant 0 : i32
      %dma_start3A_138 = tpu.memref_slice %arg6[%arg0, %add3A_105, %dma_start3A_137] : memref<2x10240x128xf32, #tpu.memory_space<hbm>> -> memref<1x64x128xf32, #tpu.memory_space<hbm>>
      %dma_start3A_139 = tpu.memref_squeeze %dma_start3A_138 : memref<1x64x128xf32, #tpu.memory_space<hbm>> -> memref<64x128xf32, #tpu.memory_space<hbm>>
      tpu.enqueue_dma source(%arg13 : memref<64x128xf32, #tpu.memory_space<vmem>>) target(%dma_start3A_139 : memref<64x128xf32, #tpu.memory_space<hbm>>) target_semaphore(%run_scoped3A : memref<!tpu.dma_semaphore, #tpu.memory_space<semaphore_mem>>)
      %dma_wait3A = arith.constant 0 : i32
      %dma_wait3A_140 = tpu.memref_slice %arg6[%arg0, %add3A_105, %dma_wait3A] : memref<2x10240x128xf32, #tpu.memory_space<hbm>> -> memref<1x64x128xf32, #tpu.memory_space<hbm>>
      %dma_wait3A_141 = tpu.memref_squeeze %dma_wait3A_140 : memref<1x64x128xf32, #tpu.memory_space<hbm>> -> memref<64x128xf32, #tpu.memory_space<hbm>>
      %dma_wait3A_142 = arith.constant 0 : i32
      %dma_wait3A_143 = tpu.memref_slice %arg6[%arg0, %add3A_105, %dma_wait3A_142] : memref<2x10240x128xf32, #tpu.memory_space<hbm>> -> memref<1x64x128xf32, #tpu.memory_space<hbm>>
      %dma_wait3A_144 = tpu.memref_squeeze %dma_wait3A_143 : memref<1x64x128xf32, #tpu.memory_space<hbm>> -> memref<64x128xf32, #tpu.memory_space<hbm>>
      tpu.wait_dma2 semaphore(%run_scoped3A : memref<!tpu.dma_semaphore, #tpu.memory_space<semaphore_mem>>) src(%arg13 : memref<64x128xf32, #tpu.memory_space<vmem>>) dst(%dma_wait3A_144 : memref<64x128xf32, #tpu.memory_space<hbm>>)
      tpu.yield
    }) : () -> ()
    %add3A_106 = arith.constant 192 : i32
    %add3A_107 = arith.addi %mul3A_0, %add3A_106 : i32
    "tpu.region"() ({
      %run_scoped3A = tpu.sem_alloc : memref<!tpu.dma_semaphore, #tpu.memory_space<semaphore_mem>>
      %dma_start3A_134 = arith.constant 0 : i32
      %dma_start3A_135 = tpu.memref_slice %arg8[%add3A_107, %dma_start3A_134] : memref<10240x128xf32, #tpu.memory_space<vmem_shared>> -> memref<64x128xf32, #tpu.memory_space<vmem_shared>>
      %dma_start3A_136 = arith.constant 0 : i32
      %dma_start3A_137 = tpu.memref_slice %arg8[%add3A_107, %dma_start3A_136] : memref<10240x128xf32, #tpu.memory_space<vmem_shared>> -> memref<64x128xf32, #tpu.memory_space<vmem_shared>>
      tpu.enqueue_dma source(%dma_start3A_137 : memref<64x128xf32, #tpu.memory_space<vmem_shared>>) target(%arg13 : memref<64x128xf32, #tpu.memory_space<vmem>>) target_semaphore(%run_scoped3A : memref<!tpu.dma_semaphore, #tpu.memory_space<semaphore_mem>>)
      %dma_wait3A = arith.constant 0 : i32
      %dma_wait3A_138 = tpu.memref_slice %arg8[%add3A_107, %dma_wait3A] : memref<10240x128xf32, #tpu.memory_space<vmem_shared>> -> memref<64x128xf32, #tpu.memory_space<vmem_shared>>
      %dma_wait3A_139 = arith.constant 0 : i32
      %dma_wait3A_140 = tpu.memref_slice %arg8[%add3A_107, %dma_wait3A_139] : memref<10240x128xf32, #tpu.memory_space<vmem_shared>> -> memref<64x128xf32, #tpu.memory_space<vmem_shared>>
      tpu.wait_dma2 semaphore(%run_scoped3A : memref<!tpu.dma_semaphore, #tpu.memory_space<semaphore_mem>>) src(%dma_wait3A_140 : memref<64x128xf32, #tpu.memory_space<vmem_shared>>) dst(%arg13 : memref<64x128xf32, #tpu.memory_space<vmem>>)
      tpu.yield
    }) : () -> ()
    %add3A_108 = arith.constant 192 : i32
    %add3A_109 = arith.addi %mul3A_0, %add3A_108 : i32
    "tpu.region"() ({
      %run_scoped3A = tpu.sem_alloc : memref<!tpu.dma_semaphore, #tpu.memory_space<semaphore_mem>>
      %dma_start3A_134 = arith.constant 0 : i32
      %dma_start3A_135 = tpu.memref_slice %arg6[%arg0, %add3A_109, %dma_start3A_134] : memref<2x10240x128xf32, #tpu.memory_space<hbm>> -> memref<1x64x128xf32, #tpu.memory_space<hbm>>
      %dma_start3A_136 = tpu.memref_squeeze %dma_start3A_135 : memref<1x64x128xf32, #tpu.memory_space<hbm>> -> memref<64x128xf32, #tpu.memory_space<hbm>>
      %dma_start3A_137 = arith.constant 0 : i32
      %dma_start3A_138 = tpu.memref_slice %arg6[%arg0, %add3A_109, %dma_start3A_137] : memref<2x10240x128xf32, #tpu.memory_space<hbm>> -> memref<1x64x128xf32, #tpu.memory_space<hbm>>
      %dma_start3A_139 = tpu.memref_squeeze %dma_start3A_138 : memref<1x64x128xf32, #tpu.memory_space<hbm>> -> memref<64x128xf32, #tpu.memory_space<hbm>>
      tpu.enqueue_dma source(%arg13 : memref<64x128xf32, #tpu.memory_space<vmem>>) target(%dma_start3A_139 : memref<64x128xf32, #tpu.memory_space<hbm>>) target_semaphore(%run_scoped3A : memref<!tpu.dma_semaphore, #tpu.memory_space<semaphore_mem>>)
      %dma_wait3A = arith.constant 0 : i32
      %dma_wait3A_140 = tpu.memref_slice %arg6[%arg0, %add3A_109, %dma_wait3A] : memref<2x10240x128xf32, #tpu.memory_space<hbm>> -> memref<1x64x128xf32, #tpu.memory_space<hbm>>
      %dma_wait3A_141 = tpu.memref_squeeze %dma_wait3A_140 : memref<1x64x128xf32, #tpu.memory_space<hbm>> -> memref<64x128xf32, #tpu.memory_space<hbm>>
      %dma_wait3A_142 = arith.constant 0 : i32
      %dma_wait3A_143 = tpu.memref_slice %arg6[%arg0, %add3A_109, %dma_wait3A_142] : memref<2x10240x128xf32, #tpu.memory_space<hbm>> -> memref<1x64x128xf32, #tpu.memory_space<hbm>>
      %dma_wait3A_144 = tpu.memref_squeeze %dma_wait3A_143 : memref<1x64x128xf32, #tpu.memory_space<hbm>> -> memref<64x128xf32, #tpu.memory_space<hbm>>
      tpu.wait_dma2 semaphore(%run_scoped3A : memref<!tpu.dma_semaphore, #tpu.memory_space<semaphore_mem>>) src(%arg13 : memref<64x128xf32, #tpu.memory_space<vmem>>) dst(%dma_wait3A_144 : memref<64x128xf32, #tpu.memory_space<hbm>>)
      tpu.yield
    }) : () -> ()
    %add3A_110 = arith.constant 256 : i32
    %add3A_111 = arith.addi %mul3A_0, %add3A_110 : i32
    "tpu.region"() ({
      %run_scoped3A = tpu.sem_alloc : memref<!tpu.dma_semaphore, #tpu.memory_space<semaphore_mem>>
      %dma_start3A_134 = arith.constant 0 : i32
      %dma_start3A_135 = tpu.memref_slice %arg8[%add3A_111, %dma_start3A_134] : memref<10240x128xf32, #tpu.memory_space<vmem_shared>> -> memref<64x128xf32, #tpu.memory_space<vmem_shared>>
      %dma_start3A_136 = arith.constant 0 : i32
      %dma_start3A_137 = tpu.memref_slice %arg8[%add3A_111, %dma_start3A_136] : memref<10240x128xf32, #tpu.memory_space<vmem_shared>> -> memref<64x128xf32, #tpu.memory_space<vmem_shared>>
      tpu.enqueue_dma source(%dma_start3A_137 : memref<64x128xf32, #tpu.memory_space<vmem_shared>>) target(%arg13 : memref<64x128xf32, #tpu.memory_space<vmem>>) target_semaphore(%run_scoped3A : memref<!tpu.dma_semaphore, #tpu.memory_space<semaphore_mem>>)
      %dma_wait3A = arith.constant 0 : i32
      %dma_wait3A_138 = tpu.memref_slice %arg8[%add3A_111, %dma_wait3A] : memref<10240x128xf32, #tpu.memory_space<vmem_shared>> -> memref<64x128xf32, #tpu.memory_space<vmem_shared>>
      %dma_wait3A_139 = arith.constant 0 : i32
      %dma_wait3A_140 = tpu.memref_slice %arg8[%add3A_111, %dma_wait3A_139] : memref<10240x128xf32, #tpu.memory_space<vmem_shared>> -> memref<64x128xf32, #tpu.memory_space<vmem_shared>>
      tpu.wait_dma2 semaphore(%run_scoped3A : memref<!tpu.dma_semaphore, #tpu.memory_space<semaphore_mem>>) src(%dma_wait3A_140 : memref<64x128xf32, #tpu.memory_space<vmem_shared>>) dst(%arg13 : memref<64x128xf32, #tpu.memory_space<vmem>>)
      tpu.yield
    }) : () -> ()
    %add3A_112 = arith.constant 256 : i32
    %add3A_113 = arith.addi %mul3A_0, %add3A_112 : i32
    "tpu.region"() ({
      %run_scoped3A = tpu.sem_alloc : memref<!tpu.dma_semaphore, #tpu.memory_space<semaphore_mem>>
      %dma_start3A_134 = arith.constant 0 : i32
      %dma_start3A_135 = tpu.memref_slice %arg6[%arg0, %add3A_113, %dma_start3A_134] : memref<2x10240x128xf32, #tpu.memory_space<hbm>> -> memref<1x64x128xf32, #tpu.memory_space<hbm>>
      %dma_start3A_136 = tpu.memref_squeeze %dma_start3A_135 : memref<1x64x128xf32, #tpu.memory_space<hbm>> -> memref<64x128xf32, #tpu.memory_space<hbm>>
      %dma_start3A_137 = arith.constant 0 : i32
      %dma_start3A_138 = tpu.memref_slice %arg6[%arg0, %add3A_113, %dma_start3A_137] : memref<2x10240x128xf32, #tpu.memory_space<hbm>> -> memref<1x64x128xf32, #tpu.memory_space<hbm>>
      %dma_start3A_139 = tpu.memref_squeeze %dma_start3A_138 : memref<1x64x128xf32, #tpu.memory_space<hbm>> -> memref<64x128xf32, #tpu.memory_space<hbm>>
      tpu.enqueue_dma source(%arg13 : memref<64x128xf32, #tpu.memory_space<vmem>>) target(%dma_start3A_139 : memref<64x128xf32, #tpu.memory_space<hbm>>) target_semaphore(%run_scoped3A : memref<!tpu.dma_semaphore, #tpu.memory_space<semaphore_mem>>)
      %dma_wait3A = arith.constant 0 : i32
      %dma_wait3A_140 = tpu.memref_slice %arg6[%arg0, %add3A_113, %dma_wait3A] : memref<2x10240x128xf32, #tpu.memory_space<hbm>> -> memref<1x64x128xf32, #tpu.memory_space<hbm>>
      %dma_wait3A_141 = tpu.memref_squeeze %dma_wait3A_140 : memref<1x64x128xf32, #tpu.memory_space<hbm>> -> memref<64x128xf32, #tpu.memory_space<hbm>>
      %dma_wait3A_142 = arith.constant 0 : i32
      %dma_wait3A_143 = tpu.memref_slice %arg6[%arg0, %add3A_113, %dma_wait3A_142] : memref<2x10240x128xf32, #tpu.memory_space<hbm>> -> memref<1x64x128xf32, #tpu.memory_space<hbm>>
      %dma_wait3A_144 = tpu.memref_squeeze %dma_wait3A_143 : memref<1x64x128xf32, #tpu.memory_space<hbm>> -> memref<64x128xf32, #tpu.memory_space<hbm>>
      tpu.wait_dma2 semaphore(%run_scoped3A : memref<!tpu.dma_semaphore, #tpu.memory_space<semaphore_mem>>) src(%arg13 : memref<64x128xf32, #tpu.memory_space<vmem>>) dst(%dma_wait3A_144 : memref<64x128xf32, #tpu.memory_space<hbm>>)
      tpu.yield
    }) : () -> ()
    %add3A_114 = arith.constant 320 : i32
    %add3A_115 = arith.addi %mul3A_0, %add3A_114 : i32
    "tpu.region"() ({
      %run_scoped3A = tpu.sem_alloc : memref<!tpu.dma_semaphore, #tpu.memory_space<semaphore_mem>>
      %dma_start3A_134 = arith.constant 0 : i32
      %dma_start3A_135 = tpu.memref_slice %arg8[%add3A_115, %dma_start3A_134] : memref<10240x128xf32, #tpu.memory_space<vmem_shared>> -> memref<64x128xf32, #tpu.memory_space<vmem_shared>>
      %dma_start3A_136 = arith.constant 0 : i32
      %dma_start3A_137 = tpu.memref_slice %arg8[%add3A_115, %dma_start3A_136] : memref<10240x128xf32, #tpu.memory_space<vmem_shared>> -> memref<64x128xf32, #tpu.memory_space<vmem_shared>>
      tpu.enqueue_dma source(%dma_start3A_137 : memref<64x128xf32, #tpu.memory_space<vmem_shared>>) target(%arg13 : memref<64x128xf32, #tpu.memory_space<vmem>>) target_semaphore(%run_scoped3A : memref<!tpu.dma_semaphore, #tpu.memory_space<semaphore_mem>>)
      %dma_wait3A = arith.constant 0 : i32
      %dma_wait3A_138 = tpu.memref_slice %arg8[%add3A_115, %dma_wait3A] : memref<10240x128xf32, #tpu.memory_space<vmem_shared>> -> memref<64x128xf32, #tpu.memory_space<vmem_shared>>
      %dma_wait3A_139 = arith.constant 0 : i32
      %dma_wait3A_140 = tpu.memref_slice %arg8[%add3A_115, %dma_wait3A_139] : memref<10240x128xf32, #tpu.memory_space<vmem_shared>> -> memref<64x128xf32, #tpu.memory_space<vmem_shared>>
      tpu.wait_dma2 semaphore(%run_scoped3A : memref<!tpu.dma_semaphore, #tpu.memory_space<semaphore_mem>>) src(%dma_wait3A_140 : memref<64x128xf32, #tpu.memory_space<vmem_shared>>) dst(%arg13 : memref<64x128xf32, #tpu.memory_space<vmem>>)
      tpu.yield
    }) : () -> ()
    %add3A_116 = arith.constant 320 : i32
    %add3A_117 = arith.addi %mul3A_0, %add3A_116 : i32
    "tpu.region"() ({
      %run_scoped3A = tpu.sem_alloc : memref<!tpu.dma_semaphore, #tpu.memory_space<semaphore_mem>>
      %dma_start3A_134 = arith.constant 0 : i32
      %dma_start3A_135 = tpu.memref_slice %arg6[%arg0, %add3A_117, %dma_start3A_134] : memref<2x10240x128xf32, #tpu.memory_space<hbm>> -> memref<1x64x128xf32, #tpu.memory_space<hbm>>
      %dma_start3A_136 = tpu.memref_squeeze %dma_start3A_135 : memref<1x64x128xf32, #tpu.memory_space<hbm>> -> memref<64x128xf32, #tpu.memory_space<hbm>>
      %dma_start3A_137 = arith.constant 0 : i32
      %dma_start3A_138 = tpu.memref_slice %arg6[%arg0, %add3A_117, %dma_start3A_137] : memref<2x10240x128xf32, #tpu.memory_space<hbm>> -> memref<1x64x128xf32, #tpu.memory_space<hbm>>
      %dma_start3A_139 = tpu.memref_squeeze %dma_start3A_138 : memref<1x64x128xf32, #tpu.memory_space<hbm>> -> memref<64x128xf32, #tpu.memory_space<hbm>>
      tpu.enqueue_dma source(%arg13 : memref<64x128xf32, #tpu.memory_space<vmem>>) target(%dma_start3A_139 : memref<64x128xf32, #tpu.memory_space<hbm>>) target_semaphore(%run_scoped3A : memref<!tpu.dma_semaphore, #tpu.memory_space<semaphore_mem>>)
      %dma_wait3A = arith.constant 0 : i32
      %dma_wait3A_140 = tpu.memref_slice %arg6[%arg0, %add3A_117, %dma_wait3A] : memref<2x10240x128xf32, #tpu.memory_space<hbm>> -> memref<1x64x128xf32, #tpu.memory_space<hbm>>
      %dma_wait3A_141 = tpu.memref_squeeze %dma_wait3A_140 : memref<1x64x128xf32, #tpu.memory_space<hbm>> -> memref<64x128xf32, #tpu.memory_space<hbm>>
      %dma_wait3A_142 = arith.constant 0 : i32
      %dma_wait3A_143 = tpu.memref_slice %arg6[%arg0, %add3A_117, %dma_wait3A_142] : memref<2x10240x128xf32, #tpu.memory_space<hbm>> -> memref<1x64x128xf32, #tpu.memory_space<hbm>>
      %dma_wait3A_144 = tpu.memref_squeeze %dma_wait3A_143 : memref<1x64x128xf32, #tpu.memory_space<hbm>> -> memref<64x128xf32, #tpu.memory_space<hbm>>
      tpu.wait_dma2 semaphore(%run_scoped3A : memref<!tpu.dma_semaphore, #tpu.memory_space<semaphore_mem>>) src(%arg13 : memref<64x128xf32, #tpu.memory_space<vmem>>) dst(%dma_wait3A_144 : memref<64x128xf32, #tpu.memory_space<hbm>>)
      tpu.yield
    }) : () -> ()
    %add3A_118 = arith.constant 384 : i32
    %add3A_119 = arith.addi %mul3A_0, %add3A_118 : i32
    "tpu.region"() ({
      %run_scoped3A = tpu.sem_alloc : memref<!tpu.dma_semaphore, #tpu.memory_space<semaphore_mem>>
      %dma_start3A_134 = arith.constant 0 : i32
      %dma_start3A_135 = tpu.memref_slice %arg8[%add3A_119, %dma_start3A_134] : memref<10240x128xf32, #tpu.memory_space<vmem_shared>> -> memref<64x128xf32, #tpu.memory_space<vmem_shared>>
      %dma_start3A_136 = arith.constant 0 : i32
      %dma_start3A_137 = tpu.memref_slice %arg8[%add3A_119, %dma_start3A_136] : memref<10240x128xf32, #tpu.memory_space<vmem_shared>> -> memref<64x128xf32, #tpu.memory_space<vmem_shared>>
      tpu.enqueue_dma source(%dma_start3A_137 : memref<64x128xf32, #tpu.memory_space<vmem_shared>>) target(%arg13 : memref<64x128xf32, #tpu.memory_space<vmem>>) target_semaphore(%run_scoped3A : memref<!tpu.dma_semaphore, #tpu.memory_space<semaphore_mem>>)
      %dma_wait3A = arith.constant 0 : i32
      %dma_wait3A_138 = tpu.memref_slice %arg8[%add3A_119, %dma_wait3A] : memref<10240x128xf32, #tpu.memory_space<vmem_shared>> -> memref<64x128xf32, #tpu.memory_space<vmem_shared>>
      %dma_wait3A_139 = arith.constant 0 : i32
      %dma_wait3A_140 = tpu.memref_slice %arg8[%add3A_119, %dma_wait3A_139] : memref<10240x128xf32, #tpu.memory_space<vmem_shared>> -> memref<64x128xf32, #tpu.memory_space<vmem_shared>>
      tpu.wait_dma2 semaphore(%run_scoped3A : memref<!tpu.dma_semaphore, #tpu.memory_space<semaphore_mem>>) src(%dma_wait3A_140 : memref<64x128xf32, #tpu.memory_space<vmem_shared>>) dst(%arg13 : memref<64x128xf32, #tpu.memory_space<vmem>>)
      tpu.yield
    }) : () -> ()
    %add3A_120 = arith.constant 384 : i32
    %add3A_121 = arith.addi %mul3A_0, %add3A_120 : i32
    "tpu.region"() ({
      %run_scoped3A = tpu.sem_alloc : memref<!tpu.dma_semaphore, #tpu.memory_space<semaphore_mem>>
      %dma_start3A_134 = arith.constant 0 : i32
      %dma_start3A_135 = tpu.memref_slice %arg6[%arg0, %add3A_121, %dma_start3A_134] : memref<2x10240x128xf32, #tpu.memory_space<hbm>> -> memref<1x64x128xf32, #tpu.memory_space<hbm>>
      %dma_start3A_136 = tpu.memref_squeeze %dma_start3A_135 : memref<1x64x128xf32, #tpu.memory_space<hbm>> -> memref<64x128xf32, #tpu.memory_space<hbm>>
      %dma_start3A_137 = arith.constant 0 : i32
      %dma_start3A_138 = tpu.memref_slice %arg6[%arg0, %add3A_121, %dma_start3A_137] : memref<2x10240x128xf32, #tpu.memory_space<hbm>> -> memref<1x64x128xf32, #tpu.memory_space<hbm>>
      %dma_start3A_139 = tpu.memref_squeeze %dma_start3A_138 : memref<1x64x128xf32, #tpu.memory_space<hbm>> -> memref<64x128xf32, #tpu.memory_space<hbm>>
      tpu.enqueue_dma source(%arg13 : memref<64x128xf32, #tpu.memory_space<vmem>>) target(%dma_start3A_139 : memref<64x128xf32, #tpu.memory_space<hbm>>) target_semaphore(%run_scoped3A : memref<!tpu.dma_semaphore, #tpu.memory_space<semaphore_mem>>)
      %dma_wait3A = arith.constant 0 : i32
      %dma_wait3A_140 = tpu.memref_slice %arg6[%arg0, %add3A_121, %dma_wait3A] : memref<2x10240x128xf32, #tpu.memory_space<hbm>> -> memref<1x64x128xf32, #tpu.memory_space<hbm>>
      %dma_wait3A_141 = tpu.memref_squeeze %dma_wait3A_140 : memref<1x64x128xf32, #tpu.memory_space<hbm>> -> memref<64x128xf32, #tpu.memory_space<hbm>>
      %dma_wait3A_142 = arith.constant 0 : i32
      %dma_wait3A_143 = tpu.memref_slice %arg6[%arg0, %add3A_121, %dma_wait3A_142] : memref<2x10240x128xf32, #tpu.memory_space<hbm>> -> memref<1x64x128xf32, #tpu.memory_space<hbm>>
      %dma_wait3A_144 = tpu.memref_squeeze %dma_wait3A_143 : memref<1x64x128xf32, #tpu.memory_space<hbm>> -> memref<64x128xf32, #tpu.memory_space<hbm>>
      tpu.wait_dma2 semaphore(%run_scoped3A : memref<!tpu.dma_semaphore, #tpu.memory_space<semaphore_mem>>) src(%arg13 : memref<64x128xf32, #tpu.memory_space<vmem>>) dst(%dma_wait3A_144 : memref<64x128xf32, #tpu.memory_space<hbm>>)
      tpu.yield
    }) : () -> ()
    %add3A_122 = arith.constant 448 : i32
    %add3A_123 = arith.addi %mul3A_0, %add3A_122 : i32
    "tpu.region"() ({
      %run_scoped3A = tpu.sem_alloc : memref<!tpu.dma_semaphore, #tpu.memory_space<semaphore_mem>>
      %dma_start3A_134 = arith.constant 0 : i32
      %dma_start3A_135 = tpu.memref_slice %arg8[%add3A_123, %dma_start3A_134] : memref<10240x128xf32, #tpu.memory_space<vmem_shared>> -> memref<64x128xf32, #tpu.memory_space<vmem_shared>>
      %dma_start3A_136 = arith.constant 0 : i32
      %dma_start3A_137 = tpu.memref_slice %arg8[%add3A_123, %dma_start3A_136] : memref<10240x128xf32, #tpu.memory_space<vmem_shared>> -> memref<64x128xf32, #tpu.memory_space<vmem_shared>>
      tpu.enqueue_dma source(%dma_start3A_137 : memref<64x128xf32, #tpu.memory_space<vmem_shared>>) target(%arg13 : memref<64x128xf32, #tpu.memory_space<vmem>>) target_semaphore(%run_scoped3A : memref<!tpu.dma_semaphore, #tpu.memory_space<semaphore_mem>>)
      %dma_wait3A = arith.constant 0 : i32
      %dma_wait3A_138 = tpu.memref_slice %arg8[%add3A_123, %dma_wait3A] : memref<10240x128xf32, #tpu.memory_space<vmem_shared>> -> memref<64x128xf32, #tpu.memory_space<vmem_shared>>
      %dma_wait3A_139 = arith.constant 0 : i32
      %dma_wait3A_140 = tpu.memref_slice %arg8[%add3A_123, %dma_wait3A_139] : memref<10240x128xf32, #tpu.memory_space<vmem_shared>> -> memref<64x128xf32, #tpu.memory_space<vmem_shared>>
      tpu.wait_dma2 semaphore(%run_scoped3A : memref<!tpu.dma_semaphore, #tpu.memory_space<semaphore_mem>>) src(%dma_wait3A_140 : memref<64x128xf32, #tpu.memory_space<vmem_shared>>) dst(%arg13 : memref<64x128xf32, #tpu.memory_space<vmem>>)
      tpu.yield
    }) : () -> ()
    %add3A_124 = arith.constant 448 : i32
    %add3A_125 = arith.addi %mul3A_0, %add3A_124 : i32
    "tpu.region"() ({
      %run_scoped3A = tpu.sem_alloc : memref<!tpu.dma_semaphore, #tpu.memory_space<semaphore_mem>>
      %dma_start3A_134 = arith.constant 0 : i32
      %dma_start3A_135 = tpu.memref_slice %arg6[%arg0, %add3A_125, %dma_start3A_134] : memref<2x10240x128xf32, #tpu.memory_space<hbm>> -> memref<1x64x128xf32, #tpu.memory_space<hbm>>
      %dma_start3A_136 = tpu.memref_squeeze %dma_start3A_135 : memref<1x64x128xf32, #tpu.memory_space<hbm>> -> memref<64x128xf32, #tpu.memory_space<hbm>>
      %dma_start3A_137 = arith.constant 0 : i32
      %dma_start3A_138 = tpu.memref_slice %arg6[%arg0, %add3A_125, %dma_start3A_137] : memref<2x10240x128xf32, #tpu.memory_space<hbm>> -> memref<1x64x128xf32, #tpu.memory_space<hbm>>
      %dma_start3A_139 = tpu.memref_squeeze %dma_start3A_138 : memref<1x64x128xf32, #tpu.memory_space<hbm>> -> memref<64x128xf32, #tpu.memory_space<hbm>>
      tpu.enqueue_dma source(%arg13 : memref<64x128xf32, #tpu.memory_space<vmem>>) target(%dma_start3A_139 : memref<64x128xf32, #tpu.memory_space<hbm>>) target_semaphore(%run_scoped3A : memref<!tpu.dma_semaphore, #tpu.memory_space<semaphore_mem>>)
      %dma_wait3A = arith.constant 0 : i32
      %dma_wait3A_140 = tpu.memref_slice %arg6[%arg0, %add3A_125, %dma_wait3A] : memref<2x10240x128xf32, #tpu.memory_space<hbm>> -> memref<1x64x128xf32, #tpu.memory_space<hbm>>
      %dma_wait3A_141 = tpu.memref_squeeze %dma_wait3A_140 : memref<1x64x128xf32, #tpu.memory_space<hbm>> -> memref<64x128xf32, #tpu.memory_space<hbm>>
      %dma_wait3A_142 = arith.constant 0 : i32
      %dma_wait3A_143 = tpu.memref_slice %arg6[%arg0, %add3A_125, %dma_wait3A_142] : memref<2x10240x128xf32, #tpu.memory_space<hbm>> -> memref<1x64x128xf32, #tpu.memory_space<hbm>>
      %dma_wait3A_144 = tpu.memref_squeeze %dma_wait3A_143 : memref<1x64x128xf32, #tpu.memory_space<hbm>> -> memref<64x128xf32, #tpu.memory_space<hbm>>
      tpu.wait_dma2 semaphore(%run_scoped3A : memref<!tpu.dma_semaphore, #tpu.memory_space<semaphore_mem>>) src(%arg13 : memref<64x128xf32, #tpu.memory_space<vmem>>) dst(%dma_wait3A_144 : memref<64x128xf32, #tpu.memory_space<hbm>>)
      tpu.yield
    }) : () -> ()
    %add3A_126 = arith.constant 512 : i32
    %add3A_127 = arith.addi %mul3A_0, %add3A_126 : i32
    "tpu.region"() ({
      %run_scoped3A = tpu.sem_alloc : memref<!tpu.dma_semaphore, #tpu.memory_space<semaphore_mem>>
      %dma_start3A_134 = arith.constant 0 : i32
      %dma_start3A_135 = tpu.memref_slice %arg8[%add3A_127, %dma_start3A_134] : memref<10240x128xf32, #tpu.memory_space<vmem_shared>> -> memref<64x128xf32, #tpu.memory_space<vmem_shared>>
      %dma_start3A_136 = arith.constant 0 : i32
      %dma_start3A_137 = tpu.memref_slice %arg8[%add3A_127, %dma_start3A_136] : memref<10240x128xf32, #tpu.memory_space<vmem_shared>> -> memref<64x128xf32, #tpu.memory_space<vmem_shared>>
      tpu.enqueue_dma source(%dma_start3A_137 : memref<64x128xf32, #tpu.memory_space<vmem_shared>>) target(%arg13 : memref<64x128xf32, #tpu.memory_space<vmem>>) target_semaphore(%run_scoped3A : memref<!tpu.dma_semaphore, #tpu.memory_space<semaphore_mem>>)
      %dma_wait3A = arith.constant 0 : i32
      %dma_wait3A_138 = tpu.memref_slice %arg8[%add3A_127, %dma_wait3A] : memref<10240x128xf32, #tpu.memory_space<vmem_shared>> -> memref<64x128xf32, #tpu.memory_space<vmem_shared>>
      %dma_wait3A_139 = arith.constant 0 : i32
      %dma_wait3A_140 = tpu.memref_slice %arg8[%add3A_127, %dma_wait3A_139] : memref<10240x128xf32, #tpu.memory_space<vmem_shared>> -> memref<64x128xf32, #tpu.memory_space<vmem_shared>>
      tpu.wait_dma2 semaphore(%run_scoped3A : memref<!tpu.dma_semaphore, #tpu.memory_space<semaphore_mem>>) src(%dma_wait3A_140 : memref<64x128xf32, #tpu.memory_space<vmem_shared>>) dst(%arg13 : memref<64x128xf32, #tpu.memory_space<vmem>>)
      tpu.yield
    }) : () -> ()
    %add3A_128 = arith.constant 512 : i32
    %add3A_129 = arith.addi %mul3A_0, %add3A_128 : i32
    "tpu.region"() ({
      %run_scoped3A = tpu.sem_alloc : memref<!tpu.dma_semaphore, #tpu.memory_space<semaphore_mem>>
      %dma_start3A_134 = arith.constant 0 : i32
      %dma_start3A_135 = tpu.memref_slice %arg6[%arg0, %add3A_129, %dma_start3A_134] : memref<2x10240x128xf32, #tpu.memory_space<hbm>> -> memref<1x64x128xf32, #tpu.memory_space<hbm>>
      %dma_start3A_136 = tpu.memref_squeeze %dma_start3A_135 : memref<1x64x128xf32, #tpu.memory_space<hbm>> -> memref<64x128xf32, #tpu.memory_space<hbm>>
      %dma_start3A_137 = arith.constant 0 : i32
      %dma_start3A_138 = tpu.memref_slice %arg6[%arg0, %add3A_129, %dma_start3A_137] : memref<2x10240x128xf32, #tpu.memory_space<hbm>> -> memref<1x64x128xf32, #tpu.memory_space<hbm>>
      %dma_start3A_139 = tpu.memref_squeeze %dma_start3A_138 : memref<1x64x128xf32, #tpu.memory_space<hbm>> -> memref<64x128xf32, #tpu.memory_space<hbm>>
      tpu.enqueue_dma source(%arg13 : memref<64x128xf32, #tpu.memory_space<vmem>>) target(%dma_start3A_139 : memref<64x128xf32, #tpu.memory_space<hbm>>) target_semaphore(%run_scoped3A : memref<!tpu.dma_semaphore, #tpu.memory_space<semaphore_mem>>)
      %dma_wait3A = arith.constant 0 : i32
      %dma_wait3A_140 = tpu.memref_slice %arg6[%arg0, %add3A_129, %dma_wait3A] : memref<2x10240x128xf32, #tpu.memory_space<hbm>> -> memref<1x64x128xf32, #tpu.memory_space<hbm>>
      %dma_wait3A_141 = tpu.memref_squeeze %dma_wait3A_140 : memref<1x64x128xf32, #tpu.memory_space<hbm>> -> memref<64x128xf32, #tpu.memory_space<hbm>>
      %dma_wait3A_142 = arith.constant 0 : i32
      %dma_wait3A_143 = tpu.memref_slice %arg6[%arg0, %add3A_129, %dma_wait3A_142] : memref<2x10240x128xf32, #tpu.memory_space<hbm>> -> memref<1x64x128xf32, #tpu.memory_space<hbm>>
      %dma_wait3A_144 = tpu.memref_squeeze %dma_wait3A_143 : memref<1x64x128xf32, #tpu.memory_space<hbm>> -> memref<64x128xf32, #tpu.memory_space<hbm>>
      tpu.wait_dma2 semaphore(%run_scoped3A : memref<!tpu.dma_semaphore, #tpu.memory_space<semaphore_mem>>) src(%arg13 : memref<64x128xf32, #tpu.memory_space<vmem>>) dst(%dma_wait3A_144 : memref<64x128xf32, #tpu.memory_space<hbm>>)
      tpu.yield
    }) : () -> ()
    %add3A_130 = arith.constant 576 : i32
    %add3A_131 = arith.addi %mul3A_0, %add3A_130 : i32
    "tpu.region"() ({
      %run_scoped3A = tpu.sem_alloc : memref<!tpu.dma_semaphore, #tpu.memory_space<semaphore_mem>>
      %dma_start3A_134 = arith.constant 0 : i32
      %dma_start3A_135 = tpu.memref_slice %arg8[%add3A_131, %dma_start3A_134] : memref<10240x128xf32, #tpu.memory_space<vmem_shared>> -> memref<64x128xf32, #tpu.memory_space<vmem_shared>>
      %dma_start3A_136 = arith.constant 0 : i32
      %dma_start3A_137 = tpu.memref_slice %arg8[%add3A_131, %dma_start3A_136] : memref<10240x128xf32, #tpu.memory_space<vmem_shared>> -> memref<64x128xf32, #tpu.memory_space<vmem_shared>>
      tpu.enqueue_dma source(%dma_start3A_137 : memref<64x128xf32, #tpu.memory_space<vmem_shared>>) target(%arg13 : memref<64x128xf32, #tpu.memory_space<vmem>>) target_semaphore(%run_scoped3A : memref<!tpu.dma_semaphore, #tpu.memory_space<semaphore_mem>>)
      %dma_wait3A = arith.constant 0 : i32
      %dma_wait3A_138 = tpu.memref_slice %arg8[%add3A_131, %dma_wait3A] : memref<10240x128xf32, #tpu.memory_space<vmem_shared>> -> memref<64x128xf32, #tpu.memory_space<vmem_shared>>
      %dma_wait3A_139 = arith.constant 0 : i32
      %dma_wait3A_140 = tpu.memref_slice %arg8[%add3A_131, %dma_wait3A_139] : memref<10240x128xf32, #tpu.memory_space<vmem_shared>> -> memref<64x128xf32, #tpu.memory_space<vmem_shared>>
      tpu.wait_dma2 semaphore(%run_scoped3A : memref<!tpu.dma_semaphore, #tpu.memory_space<semaphore_mem>>) src(%dma_wait3A_140 : memref<64x128xf32, #tpu.memory_space<vmem_shared>>) dst(%arg13 : memref<64x128xf32, #tpu.memory_space<vmem>>)
      tpu.yield
    }) : () -> ()
    %add3A_132 = arith.constant 576 : i32
    %add3A_133 = arith.addi %mul3A_0, %add3A_132 : i32
    "tpu.region"() ({
      %run_scoped3A = tpu.sem_alloc : memref<!tpu.dma_semaphore, #tpu.memory_space<semaphore_mem>>
      %dma_start3A_134 = arith.constant 0 : i32
      %dma_start3A_135 = tpu.memref_slice %arg6[%arg0, %add3A_133, %dma_start3A_134] : memref<2x10240x128xf32, #tpu.memory_space<hbm>> -> memref<1x64x128xf32, #tpu.memory_space<hbm>>
      %dma_start3A_136 = tpu.memref_squeeze %dma_start3A_135 : memref<1x64x128xf32, #tpu.memory_space<hbm>> -> memref<64x128xf32, #tpu.memory_space<hbm>>
      %dma_start3A_137 = arith.constant 0 : i32
      %dma_start3A_138 = tpu.memref_slice %arg6[%arg0, %add3A_133, %dma_start3A_137] : memref<2x10240x128xf32, #tpu.memory_space<hbm>> -> memref<1x64x128xf32, #tpu.memory_space<hbm>>
      %dma_start3A_139 = tpu.memref_squeeze %dma_start3A_138 : memref<1x64x128xf32, #tpu.memory_space<hbm>> -> memref<64x128xf32, #tpu.memory_space<hbm>>
      tpu.enqueue_dma source(%arg13 : memref<64x128xf32, #tpu.memory_space<vmem>>) target(%dma_start3A_139 : memref<64x128xf32, #tpu.memory_space<hbm>>) target_semaphore(%run_scoped3A : memref<!tpu.dma_semaphore, #tpu.memory_space<semaphore_mem>>)
      %dma_wait3A = arith.constant 0 : i32
      %dma_wait3A_140 = tpu.memref_slice %arg6[%arg0, %add3A_133, %dma_wait3A] : memref<2x10240x128xf32, #tpu.memory_space<hbm>> -> memref<1x64x128xf32, #tpu.memory_space<hbm>>
      %dma_wait3A_141 = tpu.memref_squeeze %dma_wait3A_140 : memref<1x64x128xf32, #tpu.memory_space<hbm>> -> memref<64x128xf32, #tpu.memory_space<hbm>>
      %dma_wait3A_142 = arith.constant 0 : i32
      %dma_wait3A_143 = tpu.memref_slice %arg6[%arg0, %add3A_133, %dma_wait3A_142] : memref<2x10240x128xf32, #tpu.memory_space<hbm>> -> memref<1x64x128xf32, #tpu.memory_space<hbm>>
      %dma_wait3A_144 = tpu.memref_squeeze %dma_wait3A_143 : memref<1x64x128xf32, #tpu.memory_space<hbm>> -> memref<64x128xf32, #tpu.memory_space<hbm>>
      tpu.wait_dma2 semaphore(%run_scoped3A : memref<!tpu.dma_semaphore, #tpu.memory_space<semaphore_mem>>) src(%arg13 : memref<64x128xf32, #tpu.memory_space<vmem>>) dst(%dma_wait3A_144 : memref<64x128xf32, #tpu.memory_space<hbm>>)
      tpu.yield
    }) : () -> ()
    return
  }
}

#map = affine_map<(d0, d1) -> (0, 0)>
#map1 = affine_map<(d0, d1) -> (0, 0, 0)>
module attributes {stable_mosaic.version = 14 : i64} {
  func.func @k(%arg0: i32, %arg1: i32, %arg2: memref<4608x64xi32, #tpu.memory_space<hbm>>, %arg3: memref<32x80x128xf32, #tpu.memory_space<hbm>>, %arg4: memref<144x64xi32, #tpu.memory_space<vmem>>, %arg5: memref<80x128xf32, #tpu.memory_space<vmem>>) attributes {dimension_semantics = [#tpu.dimension_semantics<core_parallel>, #tpu.dimension_semantics<subcore_parallel>], iteration_bounds = array<i64: 2, 16>, scalar_prefetch = 0 : i64, scratch_operands = 2 : i64, tpu.core_type = #tpu.core_type<sc_vector_subcore>, window_params = [{transform_indices = #map}, {transform_indices = #map1}]} {
    %mul3A = arith.constant 2 : i32
    %mul3A_0 = arith.muli %arg1, %mul3A : i32
    %add3A = arith.addi %mul3A_0, %arg0 : i32
    %eq3A = arith.constant 0 : i32
    %eq3A_1 = arith.cmpi eq, %arg0, %eq3A : i32
    %mul3A_2 = arith.constant 144 : i32
    %mul3A_3 = arith.muli %arg1, %mul3A_2 : i32
    %mul3A_4 = arith.constant 144 : i32
    %mul3A_5 = arith.muli %arg1, %mul3A_4 : i32
    %add3A_6 = arith.constant 2304 : i32
    %add3A_7 = arith.addi %add3A_6, %mul3A_5 : i32
    %select_n3A = arith.select %eq3A_1, %mul3A_3, %add3A_7 : i32
    %eq3A_8 = arith.constant 0 : i32
    %eq3A_9 = arith.cmpi eq, %arg0, %eq3A_8 : i32
    %jit3A = arith.constant 144 : i32
    %jit3A_10 = arith.constant 144 : i32
    %select_n3A_11 = arith.select %eq3A_9, %jit3A, %jit3A_10 : i32
    %eq3A_12 = arith.constant 0 : i32
    %eq3A_13 = arith.cmpi eq, %arg0, %eq3A_12 : i32
    %convert_element_type3A = arith.extui %eq3A_13 : i1 to i32
    %cond3A = arith.constant 0 : i32
    %cond3A_14 = arith.cmpi ne, %convert_element_type3A, %cond3A : i32
    scf.if %cond3A_14 {
      "tpu.region"() ({
        %run_scoped3A = tpu.sem_alloc : memref<!tpu.dma_semaphore, #tpu.memory_space<semaphore_mem>>
        %dma_start3A = arith.constant 0 : i32
        %dma_start3A_43 = tpu.memref_slice %arg2[%select_n3A, %dma_start3A] : memref<4608x64xi32, #tpu.memory_space<hbm>> -> memref<144x64xi32, #tpu.memory_space<hbm>>
        %dma_start3A_44 = arith.constant 0 : i32
        %dma_start3A_45 = tpu.memref_slice %arg2[%select_n3A, %dma_start3A_44] : memref<4608x64xi32, #tpu.memory_space<hbm>> -> memref<144x64xi32, #tpu.memory_space<hbm>>
        tpu.enqueue_dma source(%dma_start3A_45 : memref<144x64xi32, #tpu.memory_space<hbm>>) target(%arg4 : memref<144x64xi32, #tpu.memory_space<vmem>>) target_semaphore(%run_scoped3A : memref<!tpu.dma_semaphore, #tpu.memory_space<semaphore_mem>>)
        %dma_wait3A = arith.constant 0 : i32
        %dma_wait3A_46 = tpu.memref_slice %arg2[%select_n3A, %dma_wait3A] : memref<4608x64xi32, #tpu.memory_space<hbm>> -> memref<144x64xi32, #tpu.memory_space<hbm>>
        %dma_wait3A_47 = arith.constant 0 : i32
        %dma_wait3A_48 = tpu.memref_slice %arg2[%select_n3A, %dma_wait3A_47] : memref<4608x64xi32, #tpu.memory_space<hbm>> -> memref<144x64xi32, #tpu.memory_space<hbm>>
        tpu.wait_dma2 semaphore(%run_scoped3A : memref<!tpu.dma_semaphore, #tpu.memory_space<semaphore_mem>>) src(%dma_wait3A_48 : memref<144x64xi32, #tpu.memory_space<hbm>>) dst(%arg4 : memref<144x64xi32, #tpu.memory_space<vmem>>)
        tpu.yield
      }) : () -> ()
    } else {
    }
    %eq3A_15 = arith.constant 1 : i32
    %eq3A_16 = arith.cmpi eq, %arg0, %eq3A_15 : i32
    %convert_element_type3A_17 = arith.extui %eq3A_16 : i1 to i32
    %cond3A_18 = arith.constant 0 : i32
    %cond3A_19 = arith.cmpi ne, %convert_element_type3A_17, %cond3A_18 : i32
    scf.if %cond3A_19 {
      "tpu.region"() ({
        %run_scoped3A = tpu.sem_alloc : memref<!tpu.dma_semaphore, #tpu.memory_space<semaphore_mem>>
        %dma_start3A = arith.constant 0 : i32
        %dma_start3A_43 = arith.constant 0 : i32
        %dma_start3A_44 = tpu.memref_slice %arg4[%dma_start3A, %dma_start3A_43] : memref<144x64xi32, #tpu.memory_space<vmem>> -> memref<144x64xi32, #tpu.memory_space<vmem>>
        %dma_start3A_45 = arith.constant 0 : i32
        %dma_start3A_46 = tpu.memref_slice %arg2[%select_n3A, %dma_start3A_45] : memref<4608x64xi32, #tpu.memory_space<hbm>> -> memref<144x64xi32, #tpu.memory_space<hbm>>
        %dma_start3A_47 = arith.constant 0 : i32
        %dma_start3A_48 = arith.constant 0 : i32
        %dma_start3A_49 = tpu.memref_slice %arg4[%dma_start3A_47, %dma_start3A_48] : memref<144x64xi32, #tpu.memory_space<vmem>> -> memref<144x64xi32, #tpu.memory_space<vmem>>
        %dma_start3A_50 = arith.constant 0 : i32
        %dma_start3A_51 = tpu.memref_slice %arg2[%select_n3A, %dma_start3A_50] : memref<4608x64xi32, #tpu.memory_space<hbm>> -> memref<144x64xi32, #tpu.memory_space<hbm>>
        tpu.enqueue_dma source(%dma_start3A_51 : memref<144x64xi32, #tpu.memory_space<hbm>>) target(%dma_start3A_49 : memref<144x64xi32, #tpu.memory_space<vmem>>) target_semaphore(%run_scoped3A : memref<!tpu.dma_semaphore, #tpu.memory_space<semaphore_mem>>)
        %dma_wait3A = arith.constant 0 : i32
        %dma_wait3A_52 = arith.constant 0 : i32
        %dma_wait3A_53 = tpu.memref_slice %arg4[%dma_wait3A, %dma_wait3A_52] : memref<144x64xi32, #tpu.memory_space<vmem>> -> memref<144x64xi32, #tpu.memory_space<vmem>>
        %dma_wait3A_54 = arith.constant 0 : i32
        %dma_wait3A_55 = tpu.memref_slice %arg2[%select_n3A, %dma_wait3A_54] : memref<4608x64xi32, #tpu.memory_space<hbm>> -> memref<144x64xi32, #tpu.memory_space<hbm>>
        %dma_wait3A_56 = arith.constant 0 : i32
        %dma_wait3A_57 = arith.constant 0 : i32
        %dma_wait3A_58 = tpu.memref_slice %arg4[%dma_wait3A_56, %dma_wait3A_57] : memref<144x64xi32, #tpu.memory_space<vmem>> -> memref<144x64xi32, #tpu.memory_space<vmem>>
        %dma_wait3A_59 = arith.constant 0 : i32
        %dma_wait3A_60 = tpu.memref_slice %arg2[%select_n3A, %dma_wait3A_59] : memref<4608x64xi32, #tpu.memory_space<hbm>> -> memref<144x64xi32, #tpu.memory_space<hbm>>
        tpu.wait_dma2 semaphore(%run_scoped3A : memref<!tpu.dma_semaphore, #tpu.memory_space<semaphore_mem>>) src(%dma_wait3A_60 : memref<144x64xi32, #tpu.memory_space<hbm>>) dst(%dma_wait3A_58 : memref<144x64xi32, #tpu.memory_space<vmem>>)
        tpu.yield
      }) : () -> ()
    } else {
    }
    %broadcast_in_dim3A = arith.constant 0.000000e+00 : f32
    %broadcast_in_dim3A_20 = vector.broadcast %broadcast_in_dim3A : f32 to vector<16xf32>
    %scan3A = arith.constant 0 : i32
    %scan3A_21 = arith.constant 80 : i32
    %scan3A_22 = arith.addi %scan3A, %scan3A_21 : i32
    %scan3A_23 = arith.constant 1 : i32
    scf.for %scan3A_43 = %scan3A to %scan3A_22 step %scan3A_23  : i32 {
      %mul3A_44 = arith.constant 1 : i32
      %mul3A_45 = arith.muli %scan3A_43, %mul3A_44 : i32
      %add3A_46 = arith.constant 0 : i32
      %add3A_47 = arith.addi %add3A_46, %mul3A_45 : i32
      %swap3A = arith.index_cast %add3A_47 : i32 to index
      %swap3A_48 = arith.constant 0 : index
      %swap3A_49 = tpu.vector_load %arg5[%swap3A, %swap3A_48] {strides = array<i32>} : memref<80x128xf32, #tpu.memory_space<vmem>>, vector<16xf32>,
      tpu.vector_store %arg5[%swap3A, %swap3A_48], %broadcast_in_dim3A_20 {strides = array<i32>} : memref<80x128xf32, #tpu.memory_space<vmem>>, vector<16xf32>,
      %swap3A_50 = arith.index_cast %add3A_47 : i32 to index
      %swap3A_51 = arith.constant 16 : index
      %swap3A_52 = tpu.vector_load %arg5[%swap3A_50, %swap3A_51] {strides = array<i32>} : memref<80x128xf32, #tpu.memory_space<vmem>>, vector<16xf32>,
      tpu.vector_store %arg5[%swap3A_50, %swap3A_51], %broadcast_in_dim3A_20 {strides = array<i32>} : memref<80x128xf32, #tpu.memory_space<vmem>>, vector<16xf32>,
      %swap3A_53 = arith.index_cast %add3A_47 : i32 to index
      %swap3A_54 = arith.constant 32 : index
      %swap3A_55 = tpu.vector_load %arg5[%swap3A_53, %swap3A_54] {strides = array<i32>} : memref<80x128xf32, #tpu.memory_space<vmem>>, vector<16xf32>,
      tpu.vector_store %arg5[%swap3A_53, %swap3A_54], %broadcast_in_dim3A_20 {strides = array<i32>} : memref<80x128xf32, #tpu.memory_space<vmem>>, vector<16xf32>,
      %swap3A_56 = arith.index_cast %add3A_47 : i32 to index
      %swap3A_57 = arith.constant 48 : index
      %swap3A_58 = tpu.vector_load %arg5[%swap3A_56, %swap3A_57] {strides = array<i32>} : memref<80x128xf32, #tpu.memory_space<vmem>>, vector<16xf32>,
      tpu.vector_store %arg5[%swap3A_56, %swap3A_57], %broadcast_in_dim3A_20 {strides = array<i32>} : memref<80x128xf32, #tpu.memory_space<vmem>>, vector<16xf32>,
      %swap3A_59 = arith.index_cast %add3A_47 : i32 to index
      %swap3A_60 = arith.constant 64 : index
      %swap3A_61 = tpu.vector_load %arg5[%swap3A_59, %swap3A_60] {strides = array<i32>} : memref<80x128xf32, #tpu.memory_space<vmem>>, vector<16xf32>,
      tpu.vector_store %arg5[%swap3A_59, %swap3A_60], %broadcast_in_dim3A_20 {strides = array<i32>} : memref<80x128xf32, #tpu.memory_space<vmem>>, vector<16xf32>,
      %swap3A_62 = arith.index_cast %add3A_47 : i32 to index
      %swap3A_63 = arith.constant 80 : index
      %swap3A_64 = tpu.vector_load %arg5[%swap3A_62, %swap3A_63] {strides = array<i32>} : memref<80x128xf32, #tpu.memory_space<vmem>>, vector<16xf32>,
      tpu.vector_store %arg5[%swap3A_62, %swap3A_63], %broadcast_in_dim3A_20 {strides = array<i32>} : memref<80x128xf32, #tpu.memory_space<vmem>>, vector<16xf32>,
      %swap3A_65 = arith.index_cast %add3A_47 : i32 to index
      %swap3A_66 = arith.constant 96 : index
      %swap3A_67 = tpu.vector_load %arg5[%swap3A_65, %swap3A_66] {strides = array<i32>} : memref<80x128xf32, #tpu.memory_space<vmem>>, vector<16xf32>,
      tpu.vector_store %arg5[%swap3A_65, %swap3A_66], %broadcast_in_dim3A_20 {strides = array<i32>} : memref<80x128xf32, #tpu.memory_space<vmem>>, vector<16xf32>,
      %swap3A_68 = arith.index_cast %add3A_47 : i32 to index
      %swap3A_69 = arith.constant 112 : index
      %swap3A_70 = tpu.vector_load %arg5[%swap3A_68, %swap3A_69] {strides = array<i32>} : memref<80x128xf32, #tpu.memory_space<vmem>>, vector<16xf32>,
      tpu.vector_store %arg5[%swap3A_68, %swap3A_69], %broadcast_in_dim3A_20 {strides = array<i32>} : memref<80x128xf32, #tpu.memory_space<vmem>>, vector<16xf32>,
    }
    %scan3A_24 = arith.constant 80 : i32
    %broadcast_in_dim3A_25 = arith.constant 1.000000e+00 : f32
    %broadcast_in_dim3A_26 = vector.broadcast %broadcast_in_dim3A_25 : f32 to vector<16xf32>
    %sub3A = arith.constant 0 : i32
    %sub3A_27 = arith.subi %select_n3A_11, %sub3A : i32
    %sub3A_28 = arith.constant 1 : i32
    %sub3A_29 = arith.constant 1 : i32
    %sub3A_30 = arith.subi %sub3A_28, %sub3A_29 : i32
    %add3A_31 = arith.addi %sub3A_27, %sub3A_30 : i32
    %div3A = arith.constant 1 : i32
    %div3A_32 = arith.divsi %add3A_31, %div3A : i32
    %while3A = arith.constant 1 : i32
    %while3A_33 = arith.constant 0 : i32
    %while3A_34 = arith.constant 0 : i32
    %while3A_35 = arith.subi %div3A_32, %while3A_34 : i32
    %while3A_36 = arith.addi %while3A_34, %while3A_35 : i32
    %while3A_37 = arith.constant 1 : i32
    %while3A_38 = arith.divsi %while3A_35, %while3A_37 : i32
    %while3A_39 = arith.muli %while3A_38, %while3A_37 : i32
    %while3A_40 = arith.addi %while3A_34, %while3A_39 : i32
    %while3A_41 = arith.constant 1 : i32
    scf.for %while3A_43 = %while3A_34 to %while3A_40 step %while3A_41  : i32 {
      %mul3A_44 = arith.muli %while3A_43, %while3A : i32
      %add3A_45 = arith.addi %while3A_33, %mul3A_44 : i32
      %get3A = arith.index_cast %add3A_45 : i32 to index
      %get3A_46 = arith.constant 0 : index
      %get3A_47 = tpu.vector_load %arg4[%get3A, %get3A_46] {strides = array<i32>} : memref<144x64xi32, #tpu.memory_space<vmem>>, vector<16xi32>,
      %shift_right_arithmetic3A = arith.constant 7 : i32
      %shift_right_arithmetic3A_48 = vector.broadcast %shift_right_arithmetic3A : i32 to vector<16xi32>
      %shift_right_arithmetic3A_49 = arith.shrsi %get3A_47, %shift_right_arithmetic3A_48 : vector<16xi32>
      %and3A = arith.constant 127 : i32
      %and3A_50 = vector.broadcast %and3A : i32 to vector<16xi32>
      %and3A_51 = arith.andi %get3A_47, %and3A_50 : vector<16xi32>
      tpu.vector_store_idx %arg5[%shift_right_arithmetic3A_49, %and3A_51], %broadcast_in_dim3A_26 {add = true} : memref<80x128xf32, #tpu.memory_space<vmem>>[vector<16xi32>, vector<16xi32>], vector<16xf32>,
      %get3A_52 = arith.index_cast %add3A_45 : i32 to index
      %get3A_53 = arith.constant 16 : index
      %get3A_54 = tpu.vector_load %arg4[%get3A_52, %get3A_53] {strides = array<i32>} : memref<144x64xi32, #tpu.memory_space<vmem>>, vector<16xi32>,
      %shift_right_arithmetic3A_55 = arith.constant 7 : i32
      %shift_right_arithmetic3A_56 = vector.broadcast %shift_right_arithmetic3A_55 : i32 to vector<16xi32>
      %shift_right_arithmetic3A_57 = arith.shrsi %get3A_54, %shift_right_arithmetic3A_56 : vector<16xi32>
      %and3A_58 = arith.constant 127 : i32
      %and3A_59 = vector.broadcast %and3A_58 : i32 to vector<16xi32>
      %and3A_60 = arith.andi %get3A_54, %and3A_59 : vector<16xi32>
      tpu.vector_store_idx %arg5[%shift_right_arithmetic3A_57, %and3A_60], %broadcast_in_dim3A_26 {add = true} : memref<80x128xf32, #tpu.memory_space<vmem>>[vector<16xi32>, vector<16xi32>], vector<16xf32>,
      %get3A_61 = arith.index_cast %add3A_45 : i32 to index
      %get3A_62 = arith.constant 32 : index
      %get3A_63 = tpu.vector_load %arg4[%get3A_61, %get3A_62] {strides = array<i32>} : memref<144x64xi32, #tpu.memory_space<vmem>>, vector<16xi32>,
      %shift_right_arithmetic3A_64 = arith.constant 7 : i32
      %shift_right_arithmetic3A_65 = vector.broadcast %shift_right_arithmetic3A_64 : i32 to vector<16xi32>
      %shift_right_arithmetic3A_66 = arith.shrsi %get3A_63, %shift_right_arithmetic3A_65 : vector<16xi32>
      %and3A_67 = arith.constant 127 : i32
      %and3A_68 = vector.broadcast %and3A_67 : i32 to vector<16xi32>
      %and3A_69 = arith.andi %get3A_63, %and3A_68 : vector<16xi32>
      tpu.vector_store_idx %arg5[%shift_right_arithmetic3A_66, %and3A_69], %broadcast_in_dim3A_26 {add = true} : memref<80x128xf32, #tpu.memory_space<vmem>>[vector<16xi32>, vector<16xi32>], vector<16xf32>,
      %get3A_70 = arith.index_cast %add3A_45 : i32 to index
      %get3A_71 = arith.constant 48 : index
      %get3A_72 = tpu.vector_load %arg4[%get3A_70, %get3A_71] {strides = array<i32>} : memref<144x64xi32, #tpu.memory_space<vmem>>, vector<16xi32>,
      %shift_right_arithmetic3A_73 = arith.constant 7 : i32
      %shift_right_arithmetic3A_74 = vector.broadcast %shift_right_arithmetic3A_73 : i32 to vector<16xi32>
      %shift_right_arithmetic3A_75 = arith.shrsi %get3A_72, %shift_right_arithmetic3A_74 : vector<16xi32>
      %and3A_76 = arith.constant 127 : i32
      %and3A_77 = vector.broadcast %and3A_76 : i32 to vector<16xi32>
      %and3A_78 = arith.andi %get3A_72, %and3A_77 : vector<16xi32>
      tpu.vector_store_idx %arg5[%shift_right_arithmetic3A_75, %and3A_78], %broadcast_in_dim3A_26 {add = true} : memref<80x128xf32, #tpu.memory_space<vmem>>[vector<16xi32>, vector<16xi32>], vector<16xf32>,
    }
    %while3A_42 = arith.constant 1 : i32
    scf.for %while3A_43 = %while3A_40 to %while3A_36 step %while3A_42  : i32 {
      %mul3A_44 = arith.muli %while3A_43, %while3A : i32
      %add3A_45 = arith.addi %while3A_33, %mul3A_44 : i32
      %get3A = arith.index_cast %add3A_45 : i32 to index
      %get3A_46 = arith.constant 0 : index
      %get3A_47 = tpu.vector_load %arg4[%get3A, %get3A_46] {strides = array<i32>} : memref<144x64xi32, #tpu.memory_space<vmem>>, vector<16xi32>,
      %shift_right_arithmetic3A = arith.constant 7 : i32
      %shift_right_arithmetic3A_48 = vector.broadcast %shift_right_arithmetic3A : i32 to vector<16xi32>
      %shift_right_arithmetic3A_49 = arith.shrsi %get3A_47, %shift_right_arithmetic3A_48 : vector<16xi32>
      %and3A = arith.constant 127 : i32
      %and3A_50 = vector.broadcast %and3A : i32 to vector<16xi32>
      %and3A_51 = arith.andi %get3A_47, %and3A_50 : vector<16xi32>
      tpu.vector_store_idx %arg5[%shift_right_arithmetic3A_49, %and3A_51], %broadcast_in_dim3A_26 {add = true} : memref<80x128xf32, #tpu.memory_space<vmem>>[vector<16xi32>, vector<16xi32>], vector<16xf32>,
      %get3A_52 = arith.index_cast %add3A_45 : i32 to index
      %get3A_53 = arith.constant 16 : index
      %get3A_54 = tpu.vector_load %arg4[%get3A_52, %get3A_53] {strides = array<i32>} : memref<144x64xi32, #tpu.memory_space<vmem>>, vector<16xi32>,
      %shift_right_arithmetic3A_55 = arith.constant 7 : i32
      %shift_right_arithmetic3A_56 = vector.broadcast %shift_right_arithmetic3A_55 : i32 to vector<16xi32>
      %shift_right_arithmetic3A_57 = arith.shrsi %get3A_54, %shift_right_arithmetic3A_56 : vector<16xi32>
      %and3A_58 = arith.constant 127 : i32
      %and3A_59 = vector.broadcast %and3A_58 : i32 to vector<16xi32>
      %and3A_60 = arith.andi %get3A_54, %and3A_59 : vector<16xi32>
      tpu.vector_store_idx %arg5[%shift_right_arithmetic3A_57, %and3A_60], %broadcast_in_dim3A_26 {add = true} : memref<80x128xf32, #tpu.memory_space<vmem>>[vector<16xi32>, vector<16xi32>], vector<16xf32>,
      %get3A_61 = arith.index_cast %add3A_45 : i32 to index
      %get3A_62 = arith.constant 32 : index
      %get3A_63 = tpu.vector_load %arg4[%get3A_61, %get3A_62] {strides = array<i32>} : memref<144x64xi32, #tpu.memory_space<vmem>>, vector<16xi32>,
      %shift_right_arithmetic3A_64 = arith.constant 7 : i32
      %shift_right_arithmetic3A_65 = vector.broadcast %shift_right_arithmetic3A_64 : i32 to vector<16xi32>
      %shift_right_arithmetic3A_66 = arith.shrsi %get3A_63, %shift_right_arithmetic3A_65 : vector<16xi32>
      %and3A_67 = arith.constant 127 : i32
      %and3A_68 = vector.broadcast %and3A_67 : i32 to vector<16xi32>
      %and3A_69 = arith.andi %get3A_63, %and3A_68 : vector<16xi32>
      tpu.vector_store_idx %arg5[%shift_right_arithmetic3A_66, %and3A_69], %broadcast_in_dim3A_26 {add = true} : memref<80x128xf32, #tpu.memory_space<vmem>>[vector<16xi32>, vector<16xi32>], vector<16xf32>,
      %get3A_70 = arith.index_cast %add3A_45 : i32 to index
      %get3A_71 = arith.constant 48 : index
      %get3A_72 = tpu.vector_load %arg4[%get3A_70, %get3A_71] {strides = array<i32>} : memref<144x64xi32, #tpu.memory_space<vmem>>, vector<16xi32>,
      %shift_right_arithmetic3A_73 = arith.constant 7 : i32
      %shift_right_arithmetic3A_74 = vector.broadcast %shift_right_arithmetic3A_73 : i32 to vector<16xi32>
      %shift_right_arithmetic3A_75 = arith.shrsi %get3A_72, %shift_right_arithmetic3A_74 : vector<16xi32>
      %and3A_76 = arith.constant 127 : i32
      %and3A_77 = vector.broadcast %and3A_76 : i32 to vector<16xi32>
      %and3A_78 = arith.andi %get3A_72, %and3A_77 : vector<16xi32>
      tpu.vector_store_idx %arg5[%shift_right_arithmetic3A_75, %and3A_78], %broadcast_in_dim3A_26 {add = true} : memref<80x128xf32, #tpu.memory_space<vmem>>[vector<16xi32>, vector<16xi32>], vector<16xf32>,
    }
    "tpu.region"() ({
      %run_scoped3A = tpu.sem_alloc : memref<!tpu.dma_semaphore, #tpu.memory_space<semaphore_mem>>
      %dma_start3A = arith.constant 0 : i32
      %dma_start3A_43 = arith.constant 0 : i32
      %dma_start3A_44 = tpu.memref_slice %arg3[%add3A, %dma_start3A, %dma_start3A_43] : memref<32x80x128xf32, #tpu.memory_space<hbm>> -> memref<1x80x128xf32, #tpu.memory_space<hbm>>
      %dma_start3A_45 = tpu.memref_squeeze %dma_start3A_44 : memref<1x80x128xf32, #tpu.memory_space<hbm>> -> memref<80x128xf32, #tpu.memory_space<hbm>>
      %dma_start3A_46 = arith.constant 0 : i32
      %dma_start3A_47 = arith.constant 0 : i32
      %dma_start3A_48 = tpu.memref_slice %arg3[%add3A, %dma_start3A_46, %dma_start3A_47] : memref<32x80x128xf32, #tpu.memory_space<hbm>> -> memref<1x80x128xf32, #tpu.memory_space<hbm>>
      %dma_start3A_49 = tpu.memref_squeeze %dma_start3A_48 : memref<1x80x128xf32, #tpu.memory_space<hbm>> -> memref<80x128xf32, #tpu.memory_space<hbm>>
      tpu.enqueue_dma source(%arg5 : memref<80x128xf32, #tpu.memory_space<vmem>>) target(%dma_start3A_49 : memref<80x128xf32, #tpu.memory_space<hbm>>) target_semaphore(%run_scoped3A : memref<!tpu.dma_semaphore, #tpu.memory_space<semaphore_mem>>)
      %dma_wait3A = arith.constant 0 : i32
      %dma_wait3A_50 = arith.constant 0 : i32
      %dma_wait3A_51 = tpu.memref_slice %arg3[%add3A, %dma_wait3A, %dma_wait3A_50] : memref<32x80x128xf32, #tpu.memory_space<hbm>> -> memref<1x80x128xf32, #tpu.memory_space<hbm>>
      %dma_wait3A_52 = tpu.memref_squeeze %dma_wait3A_51 : memref<1x80x128xf32, #tpu.memory_space<hbm>> -> memref<80x128xf32, #tpu.memory_space<hbm>>
      %dma_wait3A_53 = arith.constant 0 : i32
      %dma_wait3A_54 = arith.constant 0 : i32
      %dma_wait3A_55 = tpu.memref_slice %arg3[%add3A, %dma_wait3A_53, %dma_wait3A_54] : memref<32x80x128xf32, #tpu.memory_space<hbm>> -> memref<1x80x128xf32, #tpu.memory_space<hbm>>
      %dma_wait3A_56 = tpu.memref_squeeze %dma_wait3A_55 : memref<1x80x128xf32, #tpu.memory_space<hbm>> -> memref<80x128xf32, #tpu.memory_space<hbm>>
      tpu.wait_dma2 semaphore(%run_scoped3A : memref<!tpu.dma_semaphore, #tpu.memory_space<semaphore_mem>>) src(%arg5 : memref<80x128xf32, #tpu.memory_space<vmem>>) dst(%dma_wait3A_56 : memref<80x128xf32, #tpu.memory_space<hbm>>)
      tpu.yield
    }) : () -> ()
    return
  }
}

module attributes {stable_mosaic.version = 14 : i64} {
  func.func @_tc_prepare_body(%arg0: i32, %arg1: memref<32x1024xf32, #tpu.memory_space<vmem>>, %arg2: memref<1024x128xf32, #tpu.memory_space<vmem>>, %arg3: memref<128x128xf32, #tpu.memory_space<vmem>>, %arg4: memref<1024x128xf32, #tpu.memory_space<vmem>>, %arg5: memref<1024x1xf32, #tpu.memory_space<vmem>>) attributes {dimension_semantics = [#tpu.dimension_semantics<arbitrary>], iteration_bounds = array<i64: 10>, scalar_prefetch = 0 : i64, scratch_operands = 0 : i64, tpu.core_type = #tpu.core_type<tc>, window_params = [{transform_indices = @transform_0, window_bounds = array<i64: 32, 1024>}, {transform_indices = @transform_1, window_bounds = array<i64: 1024, 128>}, {pipeline_mode = #tpu.pipeline_mode<synchronous>, transform_indices = @transform_2, window_bounds = array<i64: 128, 128>}, {transform_indices = @transform_3, window_bounds = array<i64: 1024, 128>}, {transform_indices = @transform_4, window_bounds = array<i64: 1024, 1>}]} {
    %broadcast_in_dim3A = arith.constant 1.000000e+00 : f32
    %broadcast_in_dim3A_0 = vector.broadcast %broadcast_in_dim3A : f32 to vector<32x1xf32>
    %get3A = arith.constant 0 : index
    %get3A_1 = arith.constant 0 : index
    %get3A_2 = vector.load %arg1[%get3A, %get3A_1] : memref<32x1024xf32, #tpu.memory_space<vmem>>, vector<32x1024xf32>
    %dot_general3A = arith.constant dense<0.000000e+00> : vector<1024x1xf32>
    %dot_general3A_3 = tpu.matmul %get3A_2, %broadcast_in_dim3A_0, %dot_general3A {dimension_numbers = #tpu.dot_dimension_numbers<[0], [0], [1], [1], [0, 1, 1, 1], [], []>, transpose_lhs_hint = false} : vector<32x1024xf32>, vector<32x1xf32>, vector<1024x1xf32> -> vector<1024x1xf32>
    %add3A = arith.constant 1.000000e+00 : f32
    %add3A_4 = vector.broadcast %add3A : f32 to vector<1024x1xf32>
    %add3A_5 = arith.addf %dot_general3A_3, %add3A_4 : vector<1024x1xf32>
    %rsqrt3A = math.rsqrt %add3A_5 : vector<1024x1xf32>
    %mul3A = arith.constant 1024 : i32
    %mul3A_6 = arith.muli %arg0, %mul3A : i32
    %iota3A = tpu.iota {dimensions = array<i32: 0>} : vector<1024x1xi32>
    %add3A_7 = vector.broadcast %mul3A_6 : i32 to vector<1024x1xi32>
    %add3A_8 = arith.addi %add3A_7, %iota3A : vector<1024x1xi32>
    %lt3A = arith.constant 1000 : i32
    %lt3A_9 = vector.broadcast %lt3A : i32 to vector<1024x1xi32>
    %lt3A_10 = arith.cmpi slt, %add3A_8, %lt3A_9 : vector<1024x1xi32>
    %get3A_11 = arith.constant 0 : index
    %get3A_12 = arith.constant 0 : index
    %get3A_13 = vector.load %arg2[%get3A_11, %get3A_12] : memref<1024x128xf32, #tpu.memory_space<vmem>>, vector<1024x128xf32>
    %jit3A = arith.constant 0.000000e+00 : f32
    %broadcast_in_dim3A_14 = vector.shape_cast %lt3A_10 : vector<1024x1xi1> to vector<1024x1xi1>
    %broadcast_in_dim3A_15 = vector.broadcast %broadcast_in_dim3A_14 : vector<1024x1xi1> to vector<1024x128xi1>
    %broadcast_in_dim3A_16 = vector.broadcast %jit3A : f32 to vector<1024x128xf32>
    %select_n3A = arith.select %broadcast_in_dim3A_15, %broadcast_in_dim3A_16, %get3A_13 : vector<1024x128xi1>, vector<1024x128xf32>
    %get3A_17 = arith.constant 0 : index
    %get3A_18 = arith.constant 0 : index
    %get3A_19 = vector.load %arg3[%get3A_17, %get3A_18] : memref<128x128xf32, #tpu.memory_space<vmem>>, vector<128x128xf32>
    %dot_general3A_20 = arith.constant dense<0.000000e+00> : vector<1024x128xf32>
    %dot_general3A_21 = tpu.matmul %select_n3A, %get3A_19, %dot_general3A_20 {dimension_numbers = #tpu.dot_dimension_numbers<[1], [0], [0], [1], [0, 0, 1, 1], [], []>, precision = #tpu.contract_precision<fp32>, transpose_lhs_hint = false} : vector<1024x128xf32>, vector<128x128xf32>, vector<1024x128xf32> -> vector<1024x128xf32>
    %mul3A_22 = vector.broadcast %rsqrt3A : vector<1024x1xf32> to vector<1024x128xf32>
    %mul3A_23 = arith.mulf %dot_general3A_21, %mul3A_22 : vector<1024x128xf32>
    %swap3A = arith.constant 0 : index
    %swap3A_24 = arith.constant 0 : index
    %swap3A_25 = vector.load %arg4[%swap3A, %swap3A_24] : memref<1024x128xf32, #tpu.memory_space<vmem>>, vector<1024x128xf32>
    tpu.vector_store %arg4[%swap3A, %swap3A_24], %mul3A_23 {strides = array<i32>} : memref<1024x128xf32, #tpu.memory_space<vmem>>, vector<1024x128xf32>,
    %swap3A_26 = arith.constant 0 : index
    %swap3A_27 = arith.constant 0 : index
    %swap3A_28 = vector.load %arg5[%swap3A_26, %swap3A_27] : memref<1024x1xf32, #tpu.memory_space<vmem>>, vector<1024x1xf32>
    tpu.vector_store %arg5[%swap3A_26, %swap3A_27], %rsqrt3A {strides = array<i32>} : memref<1024x1xf32, #tpu.memory_space<vmem>>, vector<1024x1xf32>,
    return
  }
  func.func @transform_0(%arg0: i32) -> (i32, i32) {
    %c0_i32 = arith.constant 0 : i32
    %c0_i32_0 = arith.constant 0 : i32
    return %c0_i32, %arg0 : i32, i32
  }
  func.func @transform_1(%arg0: i32) -> (i32, i32) {
    %c0_i32 = arith.constant 0 : i32
    %c0_i32_0 = arith.constant 0 : i32
    return %arg0, %c0_i32 : i32, i32
  }
  func.func @transform_2(%arg0: i32) -> (i32, i32) {
    %c0_i32 = arith.constant 0 : i32
    %c0_i32_0 = arith.constant 0 : i32
    %c0_i32_1 = arith.constant 0 : i32
    return %c0_i32, %c0_i32_0 : i32, i32
  }
  func.func @transform_3(%arg0: i32) -> (i32, i32) {
    %c0_i32 = arith.constant 0 : i32
    %c0_i32_0 = arith.constant 0 : i32
    return %arg0, %c0_i32 : i32, i32
  }
  func.func @transform_4(%arg0: i32) -> (i32, i32) {
    %c0_i32 = arith.constant 0 : i32
    %c0_i32_0 = arith.constant 0 : i32
    return %arg0, %c0_i32 : i32, i32
  }
}

module attributes {stable_mosaic.version = 14 : i64} {
  func.func @_tc_finish_body(%arg0: i32, %arg1: memref<2x1024x128xf32, #tpu.memory_space<vmem>>, %arg2: memref<2x1024x1xf32, #tpu.memory_space<vmem>>, %arg3: memref<1024x128xf32, #tpu.memory_space<vmem>>, %arg4: memref<1024x1xf32, #tpu.memory_space<vmem>>, %arg5: memref<1x128xf32, #tpu.memory_space<vmem>>, %arg6: memref<128x128xf32, #tpu.memory_space<vmem>>, %arg7: memref<1x128xf32, #tpu.memory_space<vmem>>, %arg8: memref<1x128xf32, #tpu.memory_space<vmem>>, %arg9: memref<1x128xf32, #tpu.memory_space<vmem>>) attributes {dimension_semantics = [#tpu.dimension_semantics<arbitrary>], iteration_bounds = array<i64: 10>, scalar_prefetch = 0 : i64, scratch_operands = 1 : i64, tpu.core_type = #tpu.core_type<tc>, window_params = [{transform_indices = @transform_0, window_bounds = array<i64: 2, 1024, 128>}, {transform_indices = @transform_1, window_bounds = array<i64: 2, 1024, 1>}, {transform_indices = @transform_2, window_bounds = array<i64: 1024, 128>}, {transform_indices = @transform_3, window_bounds = array<i64: 1024, 1>}, {pipeline_mode = #tpu.pipeline_mode<synchronous>, transform_indices = @transform_4, window_bounds = array<i64: 1, 128>}, {pipeline_mode = #tpu.pipeline_mode<synchronous>, transform_indices = @transform_5, window_bounds = array<i64: 128, 128>}, {pipeline_mode = #tpu.pipeline_mode<synchronous>, transform_indices = @transform_6, window_bounds = array<i64: 1, 128>}, {pipeline_mode = #tpu.pipeline_mode<synchronous>, transform_indices = @transform_7, window_bounds = array<i64: 1, 128>}]} {
    %get3A = arith.constant 0 : index
    %get3A_0 = arith.constant 0 : index
    %get3A_1 = arith.constant 0 : index
    %get3A_2 = vector.load %arg1[%get3A, %get3A_0, %get3A_1] : memref<2x1024x128xf32, #tpu.memory_space<vmem>>, vector<1x1024x128xf32>
    %get3A_3 = vector.shape_cast %get3A_2 : vector<1x1024x128xf32> to vector<1024x128xf32>
    %get3A_4 = arith.constant 1 : index
    %get3A_5 = arith.constant 0 : index
    %get3A_6 = arith.constant 0 : index
    %get3A_7 = vector.load %arg1[%get3A_4, %get3A_5, %get3A_6] : memref<2x1024x128xf32, #tpu.memory_space<vmem>>, vector<1x1024x128xf32>
    %get3A_8 = vector.shape_cast %get3A_7 : vector<1x1024x128xf32> to vector<1024x128xf32>
    %add3A = arith.addf %get3A_3, %get3A_8 : vector<1024x128xf32>
    %get3A_9 = arith.constant 0 : index
    %get3A_10 = arith.constant 0 : index
    %get3A_11 = vector.load %arg3[%get3A_9, %get3A_10] : memref<1024x128xf32, #tpu.memory_space<vmem>>, vector<1024x128xf32>
    %add3A_12 = arith.addf %add3A, %get3A_11 : vector<1024x128xf32>
    %get3A_13 = arith.constant 0 : index
    %get3A_14 = arith.constant 0 : index
    %get3A_15 = vector.load %arg4[%get3A_13, %get3A_14] : memref<1024x1xf32, #tpu.memory_space<vmem>>, vector<1024x1xf32>
    %mul3A = vector.broadcast %get3A_15 : vector<1024x1xf32> to vector<1024x128xf32>
    %mul3A_16 = arith.mulf %add3A_12, %mul3A : vector<1024x128xf32>
    %get3A_17 = arith.constant 0 : index
    %get3A_18 = arith.constant 0 : index
    %get3A_19 = vector.load %arg5[%get3A_17, %get3A_18] : memref<1x128xf32, #tpu.memory_space<vmem>>, vector<1x128xf32>
    %add3A_20 = vector.broadcast %get3A_19 : vector<1x128xf32> to vector<1024x128xf32>
    %add3A_21 = arith.addf %mul3A_16, %add3A_20 : vector<1024x128xf32>
    %max3A = arith.constant 0.000000e+00 : f32
    %max3A_22 = vector.broadcast %max3A : f32 to vector<1024x128xf32>
    %max3A_23 = arith.maximumf %add3A_21, %max3A_22 : vector<1024x128xf32>
    %get3A_24 = arith.constant 0 : index
    %get3A_25 = arith.constant 0 : index
    %get3A_26 = arith.constant 0 : index
    %get3A_27 = vector.load %arg2[%get3A_24, %get3A_25, %get3A_26] : memref<2x1024x1xf32, #tpu.memory_space<vmem>>, vector<1x1024x1xf32>
    %get3A_28 = vector.shape_cast %get3A_27 : vector<1x1024x1xf32> to vector<1024x1xf32>
    %get3A_29 = arith.constant 1 : index
    %get3A_30 = arith.constant 0 : index
    %get3A_31 = arith.constant 0 : index
    %get3A_32 = vector.load %arg2[%get3A_29, %get3A_30, %get3A_31] : memref<2x1024x1xf32, #tpu.memory_space<vmem>>, vector<1x1024x1xf32>
    %get3A_33 = vector.shape_cast %get3A_32 : vector<1x1024x1xf32> to vector<1024x1xf32>
    %add3A_34 = arith.addf %get3A_28, %get3A_33 : vector<1024x1xf32>
    %mul3A_35 = arith.mulf %get3A_15, %add3A_34 : vector<1024x1xf32>
    %mul3A_36 = arith.mulf %get3A_15, %get3A_15 : vector<1024x1xf32>
    %add3A_37 = arith.addf %mul3A_35, %mul3A_36 : vector<1024x1xf32>
    %mul3A_38 = arith.constant 1024 : i32
    %mul3A_39 = arith.muli %arg0, %mul3A_38 : i32
    %iota3A = tpu.iota {dimensions = array<i32: 0>} : vector<1024x1xi32>
    %add3A_40 = vector.broadcast %mul3A_39 : i32 to vector<1024x1xi32>
    %add3A_41 = arith.addi %add3A_40, %iota3A : vector<1024x1xi32>
    %lt3A = arith.constant 10000 : i32
    %lt3A_42 = vector.broadcast %lt3A : i32 to vector<1024x1xi32>
    %lt3A_43 = arith.cmpi slt, %add3A_41, %lt3A_42 : vector<1024x1xi32>
    %jit3A = arith.constant 0.000000e+00 : f32
    %broadcast_in_dim3A = vector.broadcast %jit3A : f32 to vector<1024x1xf32>
    %select_n3A = arith.select %lt3A_43, %add3A_37, %broadcast_in_dim3A : vector<1024x1xi1>, vector<1024x1xf32>
    %dot_general3A = arith.constant dense<0.000000e+00> : vector<1x128xf32>
    %dot_general3A_44 = tpu.matmul %select_n3A, %max3A_23, %dot_general3A {dimension_numbers = #tpu.dot_dimension_numbers<[0], [0], [1], [1], [0, 1, 1, 1], [], []>, precision = #tpu.contract_precision<fp32>, transpose_lhs_hint = false} : vector<1024x1xf32>, vector<1024x128xf32>, vector<1x128xf32> -> vector<1x128xf32>
    %eq3A = arith.constant 0 : i32
    %eq3A_45 = arith.cmpi eq, %arg0, %eq3A : i32
    %convert_element_type3A = arith.extui %eq3A_45 : i1 to i32
    %cond3A = arith.constant 0 : i32
    %cond3A_46 = arith.cmpi ne, %convert_element_type3A, %cond3A : i32
    scf.if %cond3A_46 {
      %swap3A = arith.constant 0 : index
      %swap3A_56 = arith.constant 0 : index
      %swap3A_57 = vector.load %arg9[%swap3A, %swap3A_56] : memref<1x128xf32, #tpu.memory_space<vmem>>, vector<1x128xf32>
      tpu.vector_store %arg9[%swap3A, %swap3A_56], %dot_general3A_44 {strides = array<i32>} : memref<1x128xf32, #tpu.memory_space<vmem>>, vector<1x128xf32>,
    } else {
    }
    %gt3A = arith.constant 0 : i32
    %gt3A_47 = arith.cmpi sgt, %arg0, %gt3A : i32
    %convert_element_type3A_48 = arith.extui %gt3A_47 : i1 to i32
    %cond3A_49 = arith.constant 0 : i32
    %cond3A_50 = arith.cmpi ne, %convert_element_type3A_48, %cond3A_49 : i32
    scf.if %cond3A_50 {
      %get3A_56 = arith.constant 0 : index
      %get3A_57 = arith.constant 0 : index
      %get3A_58 = vector.load %arg9[%get3A_56, %get3A_57] : memref<1x128xf32, #tpu.memory_space<vmem>>, vector<1x128xf32>
      %add3A_59 = arith.addf %get3A_58, %dot_general3A_44 : vector<1x128xf32>
      %swap3A = arith.constant 0 : index
      %swap3A_60 = arith.constant 0 : index
      %swap3A_61 = vector.load %arg9[%swap3A, %swap3A_60] : memref<1x128xf32, #tpu.memory_space<vmem>>, vector<1x128xf32>
      tpu.vector_store %arg9[%swap3A, %swap3A_60], %add3A_59 {strides = array<i32>} : memref<1x128xf32, #tpu.memory_space<vmem>>, vector<1x128xf32>,
    } else {
    }
    %eq3A_51 = arith.constant 9 : i32
    %eq3A_52 = arith.cmpi eq, %arg0, %eq3A_51 : i32
    %convert_element_type3A_53 = arith.extui %eq3A_52 : i1 to i32
    %cond3A_54 = arith.constant 0 : i32
    %cond3A_55 = arith.cmpi ne, %convert_element_type3A_53, %cond3A_54 : i32
    scf.if %cond3A_55 {
      %get3A_56 = arith.constant 0 : index
      %get3A_57 = arith.constant 0 : index
      %get3A_58 = vector.load %arg9[%get3A_56, %get3A_57] : memref<1x128xf32, #tpu.memory_space<vmem>>, vector<1x128xf32>
      %mul3A_59 = arith.constant 9.99999974E-5 : f32
      %mul3A_60 = vector.broadcast %mul3A_59 : f32 to vector<1x128xf32>
      %mul3A_61 = arith.mulf %get3A_58, %mul3A_60 : vector<1x128xf32>
      %get3A_62 = arith.constant 0 : index
      %get3A_63 = arith.constant 0 : index
      %get3A_64 = vector.load %arg6[%get3A_62, %get3A_63] : memref<128x128xf32, #tpu.memory_space<vmem>>, vector<128x128xf32>
      %dot_general3A_65 = arith.constant dense<0.000000e+00> : vector<1x128xf32>
      %dot_general3A_66 = tpu.matmul %mul3A_61, %get3A_64, %dot_general3A_65 {dimension_numbers = #tpu.dot_dimension_numbers<[1], [0], [0], [1], [0, 0, 1, 1], [], []>, precision = #tpu.contract_precision<fp32>, transpose_lhs_hint = false} : vector<1x128xf32>, vector<128x128xf32>, vector<1x128xf32> -> vector<1x128xf32>
      %get3A_67 = arith.constant 0 : index
      %get3A_68 = arith.constant 0 : index
      %get3A_69 = vector.load %arg7[%get3A_67, %get3A_68] : memref<1x128xf32, #tpu.memory_space<vmem>>, vector<1x128xf32>
      %add3A_70 = arith.addf %dot_general3A_66, %get3A_69 : vector<1x128xf32>
      %tanh3A = math.tanh %add3A_70 : vector<1x128xf32>
      %swap3A = arith.constant 0 : index
      %swap3A_71 = arith.constant 0 : index
      %swap3A_72 = vector.load %arg8[%swap3A, %swap3A_71] : memref<1x128xf32, #tpu.memory_space<vmem>>, vector<1x128xf32>
      tpu.vector_store %arg8[%swap3A, %swap3A_71], %tanh3A {strides = array<i32>} : memref<1x128xf32, #tpu.memory_space<vmem>>, vector<1x128xf32>,
    } else {
    }
    return
  }
  func.func @transform_0(%arg0: i32) -> (i32, i32, i32) {
    %c0_i32 = arith.constant 0 : i32
    %c0_i32_0 = arith.constant 0 : i32
    %c0_i32_1 = arith.constant 0 : i32
    return %c0_i32, %arg0, %c0_i32_0 : i32, i32, i32
  }
  func.func @transform_1(%arg0: i32) -> (i32, i32, i32) {
    %c0_i32 = arith.constant 0 : i32
    %c0_i32_0 = arith.constant 0 : i32
    %c0_i32_1 = arith.constant 0 : i32
    return %c0_i32, %arg0, %c0_i32_0 : i32, i32, i32
  }
  func.func @transform_2(%arg0: i32) -> (i32, i32) {
    %c0_i32 = arith.constant 0 : i32
    %c0_i32_0 = arith.constant 0 : i32
    return %arg0, %c0_i32 : i32, i32
  }
  func.func @transform_3(%arg0: i32) -> (i32, i32) {
    %c0_i32 = arith.constant 0 : i32
    %c0_i32_0 = arith.constant 0 : i32
    return %arg0, %c0_i32 : i32, i32
  }
  func.func @transform_4(%arg0: i32) -> (i32, i32) {
    %c0_i32 = arith.constant 0 : i32
    %c0_i32_0 = arith.constant 0 : i32
    %c0_i32_1 = arith.constant 0 : i32
    return %c0_i32, %c0_i32_0 : i32, i32
  }
  func.func @transform_5(%arg0: i32) -> (i32, i32) {
    %c0_i32 = arith.constant 0 : i32
    %c0_i32_0 = arith.constant 0 : i32
    %c0_i32_1 = arith.constant 0 : i32
    return %c0_i32, %c0_i32_0 : i32, i32
  }
  func.func @transform_6(%arg0: i32) -> (i32, i32) {
    %c0_i32 = arith.constant 0 : i32
    %c0_i32_0 = arith.constant 0 : i32
    %c0_i32_1 = arith.constant 0 : i32
    return %c0_i32, %c0_i32_0 : i32, i32
  }
  func.func @transform_7(%arg0: i32) -> (i32, i32) {
    %c0_i32 = arith.constant 0 : i32
    %c0_i32_0 = arith.constant 0 : i32
    %c0_i32_1 = arith.constant 0 : i32
    return %c0_i32, %c0_i32_0 : i32, i32
  }
}

</mosaic_0001>

<sc_bundles>
// kernel: kernel.6.cloned.1.call-start
scs
__scs_entry_jumppad:
0x0: {  	(pc) =	sbr.rel $0x88, $3  }
0x1: {  	(tag) =	ssettag $0x0;
	lr =	simm.s32 $0x1  }
0x2: {  	[smem:$0x3F9B] =	sst lr;
	_ =	strace $0xD0000000  }
0x3: {  	_ = 	snop  }
0x4: {  	_ = 	snop  }
0x5: {  	_ = 	snop  }
0x6: {  	_ = 	snop  }
0x7: {  	_ = 	snop  }
__scs_overlays_trampoline_lowered:
0x8: {  	[smem:$0x3FAA] =	sst s0  }
0x9: {  	[smem:$0x3FAB] =	sst s1  }
0xa: {  	[smem:$0x3FAC] =	sst s2  }
0xb: {  	[smem:$0x3FAD] =	sst s3  }
0xc: {  	[smem:$0x3FAE] =	sst s4  }
0xd: {  	[smem:$0x3FAF] =	sst s5  }
0xe: {  	[smem:$0x3FB0] =	sst s6  }
0xf: {  	[smem:$0x3FB1] =	sst s7  }
0x10: {  	[smem:$0x3FB2] =	sst s8  }
0x11: {  	[smem:$0x3FB3] =	sst s9;
	s0 =	simm.s32 @!p0 $0x0  }
0x12: {  	s1 =	sld [smem:$0x3F99];
	s0 =	simm.s32 @p0 $0x1  }
0x13: {  	[smem:$0x3FB4] =	sst s0;
	s0 =	simm.s32 @!p1 $0x0  }
0x14: {  	s2 =	sld [smem:$0x3F98];
	s0 =	simm.s32 @p1 $0x1  }
0x15: {  	[smem:$0x3FB5] =	sst s0;
	s0 =	simm.s32 @!p2 $0x0  }
0x16: {  	s3 =	sld [smem:$0x3FDB];
	s0 =	simm.s32 @p2 $0x1  }
0x17: {  	s4 =	simm.s32 $0x1BF5;
	[smem:$0x3FB7] =	sst s0  }
0x18: {  	s0 =	sld [smem:$0x3F9A];
	_ =	swait.ge [sflag:s4], $0x0  }
0x19: {  	s7 =	sld [smem:$0x3F9B]  }
0x1a: {  	s8 =	sadd.s32 $0xFFFFE003, lr  }
0x1b: {  	s9 =	sadd.s32 $0xFFFFFEF7, lr;
	s5 =	simm.s32 $0xFFFFFFFF;
	p2 =	slt.u32 s8, $0xFFFFF086  }
0x1c: {  	p1 =	slt.u32 s9, $0xF7A;
	s5 =	simm.s32 @!p2 $0x0  }
0x1d: {  	s5 =	simm.s32 @p1 $0x1;
	p0 =	seq.s32 s7, s2  }
0x1e: {  	s7 =	smul.u32 @!p0 $0xF7A, s2;
	p2 =	seq.s32 @!p0 s5, $0x0  }
0x1f: {  	s9 =	smul.u32 $0xF7A, s1;
	s8 =	simm.s32 @!p0 $0x1BF5;
	p2 =	por !p2, p0  }
0x20: {  	[sflag:s8] =	ssyncset.s32 @!p0 $0xFFFFF086;
	s6 =	sadd.s32 @!p0 s3, s7;
	s7 =	simm.s32 @!p0 $0x108  }
0x21: {  	s3 =	sadd.s32 s3, s9;
	s6 =	sadd.s32 @!p0 $0x88, s6;
	s7 =	simm.s32 @p2 $0x1082  }
0x22: {  	[simem:s7], [sflag:s8] =	dma.local @!p0 [hbm:s6], $0xF7A  }
0x23: {  	s9 =	sor.u32 $0xD0000000, s2;
	s6 =	simm.s32 $0x108;
	_ =	swait.ge @!p0 [sflag:s8], $0x0  }
0x24: {  	s3 =	sadd.s32 $0x88, s3;
	s6 =	simm.s32 @!p1 $0x1082;
	[sflag:s4] =	ssyncset.s32 $0xFFFFF086  }
0x25: {  	[simem:s6], [sflag:s4] =	dma.local [hbm:s3], $0xF7A  }
0x26: {  	[smem:$0x3F9B] =	sst s1;
	(tag) =	ssettag s2;
	_ =	strace s9  }
0x27: {  	s1 =	sld [smem:$0x3FAB]  }
0x28: {  	s2 =	sld [smem:$0x3FAC]  }
0x29: {  	s4 =	sld [smem:$0x3FAE]  }
0x2a: {  	p0 =	seq.s32 s5, $0x0;
	s5 =	sld [smem:$0x3FAF]  }
0x2b: {  	s6 =	sld [smem:$0x3FB0]  }
0x2c: {  	s7 =	sld [smem:$0x3FB1]  }
0x2d: {  	s3 =	simm.s32 $0x108;
	s8 =	sld [smem:$0x3FB2]  }
0x2e: {  	s3 =	simm.s32 @!p0 $0x1082;
	s9 =	sld [smem:$0x3FB3]  }
0x2f: {  	lr =	sadd.s32 s0, s3;
	s0 =	sld [smem:$0x3FAA]  }
0x30: {  	s3 =	sld [smem:$0x3FAD]  }
0x31: {  	[smem:$0x3FB6] =	sst s10  }
0x32: {  	s10 =	sld [smem:$0x3FB4];
	_ =	sdelay $0x3  }
0x33: {  	p0 =	seq.s32 s10, $0x1;
	s10 =	sld [smem:$0x3FB6];
	_ =	sdelay $0x3  }
0x34: {  	[smem:$0x3FB6] =	sst s10  }
0x35: {  	s10 =	sld [smem:$0x3FB5];
	_ =	sdelay $0x3  }
0x36: {  	p1 =	seq.s32 s10, $0x1;
	s10 =	sld [smem:$0x3FB6];
	_ =	sdelay $0x3  }
0x37: {  	[smem:$0x3FB6] =	sst s10  }
0x38: {  	s10 =	sld [smem:$0x3FB7]  }
0x39: {  	_ = 	snop;
	(pc) =	sbr.ind lr, $3  }
0x3a: {  	_ = 	snop  }
0x3b: {  	_ = 	snop  }
0x3c: {  	p2 =	seq.s32 s10, $0x1;
	s10 =	sld [smem:$0x3FB6]  }
0x3d: {  	_ =	shalt  }
0x3e: {  	_ =	shalt  }
0x3f: {  	_ =	shalt  }
0x40: {  	_ =	shalt  }
0x41: {  	_ =	shalt  }
0x42: {  	_ =	shalt  }
0x43: {  	_ =	shalt  }
0x44: {  	_ =	shalt  }
0x45: {  	_ =	shalt  }
0x46: {  	_ =	shalt  }
0x47: {  	_ =	shalt  }
0x48: {  	_ =	shalt  }
0x49: {  	_ =	shalt  }
0x4a: {  	_ =	shalt  }
0x4b: {  	_ =	shalt  }
0x4c: {  	_ =	shalt  }
0x4d: {  	_ =	shalt  }
0x4e: {  	_ =	shalt  }
0x4f: {  	_ =	shalt  }
0x50: {  	_ =	shalt  }
0x51: {  	_ =	shalt  }
0x52: {  	_ =	shalt  }
0x53: {  	_ =	shalt  }
0x54: {  	_ =	shalt  }
0x55: {  	_ =	shalt  }
0x56: {  	_ =	shalt  }
0x57: {  	_ =	shalt  }
0x58: {  	_ =	shalt  }
0x59: {  	_ =	shalt  }
0x5a: {  	_ =	shalt  }
0x5b: {  	_ =	shalt  }
0x5c: {  	_ =	shalt  }
0x5d: {  	_ =	shalt  }
0x5e: {  	_ =	shalt  }
0x5f: {  	_ =	shalt  }
0x60: {  	_ =	shalt  }
0x61: {  	_ =	shalt  }
0x62: {  	_ =	shalt  }
0x63: {  	_ =	shalt  }
0x64: {  	_ =	shalt  }
0x65: {  	_ =	shalt  }
0x66: {  	_ =	shalt  }
0x67: {  	_ =	shalt  }
0x68: {  	_ =	shalt  }
0x69: {  	_ =	shalt  }
0x6a: {  	_ =	shalt  }
0x6b: {  	_ =	shalt  }
0x6c: {  	_ =	shalt  }
0x6d: {  	_ =	shalt  }
0x6e: {  	_ =	shalt  }
0x6f: {  	_ =	shalt  }
0x70: {  	_ =	shalt  }
0x71: {  	_ =	shalt  }
0x72: {  	_ =	shalt  }
0x73: {  	_ =	shalt  }
0x74: {  	_ =	shalt  }
0x75: {  	_ =	shalt  }
0x76: {  	_ =	shalt  }
0x77: {  	_ =	shalt  }
0x78: {  	_ =	shalt  }
0x79: {  	_ =	shalt  }
0x7a: {  	_ =	shalt  }
0x7b: {  	_ =	shalt  }
0x7c: {  	_ =	shalt  }
0x7d: {  	_ =	shalt  }
0x7e: {  	_ =	shalt  }
0x7f: {  	_ =	shalt  }
0x80: {  	_ =	shalt  }
0x81: {  	_ =	shalt  }
0x82: {  	_ =	shalt  }
0x83: {  	_ =	shalt  }
0x84: {  	_ =	shalt  }
0x85: {  	_ =	shalt  }
0x86: {  	_ =	shalt  }
0x87: {  	_ =	shalt  }
.Lfunc_end0:
.L_simem_size_0:
called_computation_lowered:
.L_overlay_start_0:
0x88: {  	s2 =	sld [smem:$0x3FD9]  }
0x89: {  	s3 =	sld [smem:$0x3FFE];
	_ =	sdelay $0x1  }
0x8a: {  	s1 =	srdreg.scid  }
0x8b: {  	s0 =	sand.u32 $0x1, s1  }
0x8c: {  	s16 =	sshll.u32 s0, $0xA;
	s2 =	sadd.s32 s3, s2  }
0x8d: {  	s2 =	sadd.s32 s2, s16  }
0x8e: {  	[smem:$0x3FC2] =	sst s2  }
0x8f: {  	_ = 	snop  }
0x90: {  	(tm) =	ssettm $0x1  }
0x91: {  	s17 =	sld [smem:$0x3FFB];
	_ =	sdelay $0x3  }
0x92: {  	_ =	strace s17  }
0x93: {  	s2 =	sld [smem:$0x3FFC];
	_ =	sdelay $0x3  }
0x94: {  	_ =	strace s2  }
0x95: {  	s2 =	sld [smem:$0x3FFD];
	_ =	sdelay $0x3  }
0x96: {  	_ =	strace s2  }
0x97: {  	_ =	strace $0x8FFFFFFF  }
0x98: {  	s18 =	sld [smem:$0x3FDB];
	_ =	sdelay $0x1  }
0x99: {  	s19 =	simm.s32 $_scs_section_size  }
0x9a: {  	s4 =	simm.s32 $_size__tile_overlayer_lowered;
	s5 =	simm.s32 $_tile_overlayer_lowered  }
0x9b: {  	s22 =	simm.s32 $0x1BFF;
	s21 =	sshll.u32 s5, $0x1;
	s2 =	sadd.s32 s19, s18  }
0x9c: {  	s6 =	simm.s32 $0x0;
	s20 =	sshll.u32 s4, $0x1;
	s4 =	sadd.s32 s21, s2  }
0x9d: {  	[timem:s6], [sflag:s22] =	dma.local [hbm:s4], s20  }
0x9e: {  	_ =	swait.ge [sflag:s22], s20  }
0x9f: {  	s3 =	ssub.s32 $0x0, s20;
	[sflag:s22] =	ssyncset.done $0x0  }
0xa0: {  	[sflag:s22] =	ssyncadd.s32 s3;
	_ =	sdelay $0x1  }
0xa1: {  	s23 =	simm.s32 $0x1B8B  }
0xa2: {  	_ =	swait.ge [sflag:s23], $0x1  }
0xa3: {  	[sflag:s23] =	ssyncset.done $0x0  }
0xa4: {  	s25 =	simm.s32 $0x1B8E;
	s24 =	sld [smem:$0x3FFE];
	[sflag:s23] =	ssyncadd.s32 $0xFFFFFFFF  }
0xa5: {  	s26 =	simm.s32 $execute0_lowered;
	[smem:$0x3FD2] =	sst s25  }
0xa6: {  	s4 =	sshll.u32 s26, $0x1;
	_ =	strace $0x80000046;
	[dreg:$0x1] =	wrdreg $0xFFFFFFFF  }
0xa7: {  	s28 =	simm.s32 $_size_execute0_lowered;
	s2 =	sadd.s32 s2, s4;
	[dreg:$0x0] =	wrdreg $0x0  }
0xa8: {  	s4 =	sshll.u32 s28, $0x1;
	[dreg:$0x2] =	wrdreg s2  }
0xa9: {  	[dreg:$0x3] =	wrdreg s4  }
0xaa: {  	[dreg:$0x4] =	wrdreg $0xC0  }
0xab: {  	_ =	task [dreg:s6], $0x5FFFF  }
0xac: {  	[dreg:$0x1] =	wrdreg $0xFFFFFFFF  }
0xad: {  	[dreg:$0x0] =	wrdreg $0x60  }
0xae: {  	[dreg:$0x2] =	wrdreg s24  }
0xaf: {  	[dreg:$0x3] =	wrdreg $0x9  }
0xb0: {  	_ =	task.clear_ibuf [dreg:s6], $0x4FFFF;
	_ =	strace $0x90000046  }
0xb1: {  	s29 =	simm.s32 $0x9;
	_ =	strace $0x80000048  }
0xb2: {  	_ =	swait.ge [sflag:s29], $0x1  }
0xb3: {  	[sflag:s29] =	ssyncadd.s32 $0xFFFFFFFF  }
0xb4: {  	_ =	strace $0x90000048  }
0xb5: {  	_ =	sfence  }
0xb6: {  	s30 =	sld [smem:$0x0];
	_ =	sdelay $0x2  }
0xb7: {  	s31 =	sshll.u32 s1, $0xD;
	s1 =	sshrl.u32 s1, $0x2  }
0xb8: {  	s3 =	sand.u32 $0x4000, s31;
	s1 =	sadd.s32 s1, s30  }
0xb9: {  	s0 =	sor.u32 s3, s0;
	s1 =	sshll.u32 s1, $0x11  }
0xba: {  	s0 =	sor.u32 s1, s0  }
0xbb: {  	s0 =	sadd.s32 $0x8F2B, s0  }
0xbc: {  	[sflag:s0] =	ssyncadd.remote.s32 $0x1  }
0xbd: {  	_ =	sfence.sel $0xFFFF  }
0xbe: {  	[dreg:$0x0] =	wrdreg $0xFFFFFFFF;
	(pc) =	sbr.abs _section_cstart, $3  }
0xbf: {  	[dreg:$0x1] =	wrdreg $0xFFFFFFFF  }
0xc0: {  	_ =	task.clear_ibuf [dreg:s6], $0x2FFFF;
	_ =	strace $0x9FFFFFFF  }
0xc1: {  	(tm) =	ssettm $0x7FFFFFFF  }
tec
execute0_lowered:
.L_overlay_start_1:
0x0: {  	(tag) =	ssettag $0x1  }
0x1: {  	s3 =	rddreg [dreg:$0x0]  }
0x2: {  	s0 =	rddreg [dreg:$0x1]  }
0x3: {  	s4 =	srdreg.scid;
	s1 =	stileid.u32;
	s2 =	simm.s32 $0x0  }
0x4: {  	s4 =	sand.u32 $0x1, s4;
	s5 =	sshll.u32 s1, $0x1;
	[smem:$0x7FF] =	sst s2  }
0x5: {  	s8 =	smul.u32 $0x480, s1;
	s5 =	sor.u32 s4, s5;
	_ =	strace $0x80000047  }
0x6: {  	s6 =	ssub.s32 $0x2, s4;
	p0 =	seq.s32 s4, $0x0;
	s4 =	simm.s32 $0xAE00  }
0x7: {  	s5 =	smul.u32 $0x500, s5;
	s7 =	sshrl.u32 s6, $0x1;
	s4 =	simm.s32 @!p0 $0xF600  }
0x8: {  	s6 =	ssub.s32 s6, s7;
	s31 =	sadd.s32 s4, s3;
	s7 =	simm.s32 $0x2400  }
0x9: {  	s5 =	sadd.s32 s5, s3;
	s4 =	smax.u32 s6, $0x1;
	s6 =	simm.s32 $0x1  }
0xa: {  	v0 =	vimm.f32 $0.0e+00;
	v1 =	vimm.f32 $1.000000000e+00;
	s3 =	sadd.s32 $0x13E00, s5;
	s5 =	sadd.s32 s31, s8;
	s8 =	simm.s32 $0x0  }
.LBB2_1:
0xb: {  	[tilespmem:s2], [sflag:$0x1] =	stream.linear.gather [hbm4b:s5+s2], $0x2400, $0x38;
	[tilespmem:$0x4C00] =	vst v63  }
0xc: {  	_ =	swait.ge [sflag:s6], $0x2400  }
0xd: {  	[sflag:s6] =	ssyncset.done $0x0  }
0xe: {  	s9 =	simm.s32 $0x0;
	s10 =	simm.s32 $0x200;
	[sflag:s6] =	ssyncadd.s32 $0xFFFFDC00  }
.LBB2_2:
0xf: {  	p0 =	sne.s32 s10, $0x9E00;
	[tilespmem:s9+$0x2470] =	vst v0  }
0x10: {  	[tilespmem:s9+$0x2400] =	vst v0  }
0x11: {  	[tilespmem:s9+$0x2410] =	vst v0  }
.Ltmp0:
0x12: {  	[tilespmem:s9+$0x2420] =	vst v0;
	(pc) =	sbr.rel @p0 .LBB2_2-.Ltmp0, $4  }
0x13: {  	[tilespmem:s9+$0x2430] =	vst v0  }
0x14: {  	[tilespmem:s9+$0x2440] =	vst v0  }
0x15: {  	[tilespmem:s9+$0x2450] =	vst v0  }
0x16: {  	[tilespmem:s9+$0x2460] =	vst v0;
	s9 =	sshra.s32 s10, $0x2;
	s10 =	sadd.s32 $0x200, s10  }
0x17: {  	[tilespmem:s9+$0x2470] =	vst v0  }
0x18: {  	[tilespmem:s9+$0x2400] =	vst v0  }
0x19: {  	[tilespmem:s9+$0x2410] =	vst v0  }
0x1a: {  	[tilespmem:s9+$0x2420] =	vst v0  }
0x1b: {  	[tilespmem:s9+$0x2430] =	vst v0  }
0x1c: {  	[tilespmem:s9+$0x2440] =	vst v0  }
0x1d: {  	[tilespmem:s9+$0x2450] =	vst v0  }
0x1e: {  	[tilespmem:s9+$0x2460] =	vst v0;
	s9 =	simm.s32 $0x0  }
.LBB2_4:
0x1f: {  	s10 =	sshra.s32 s9, $0x2  }
0x20: {  	v2 =	vld [tilespmem:s10+$0x0];
	_ =	sdelay $0x7  }
0x21: {  	[tilespmem:v2+s7+$0x0] =	vst.idx.add.f32.msk $0xffff, v1  }
0x22: {  	v2 =	vld [tilespmem:s10+$0x10];
	_ =	sdelay $0x7  }
0x23: {  	[tilespmem:v2+s7+$0x0] =	vst.idx.add.f32.msk $0xffff, v1  }
0x24: {  	v2 =	vld [tilespmem:s10+$0x20];
	_ =	sdelay $0x7  }
0x25: {  	[tilespmem:v2+s7+$0x0] =	vst.idx.add.f32.msk $0xffff, v1  }
0x26: {  	v2 =	vld [tilespmem:s10+$0x30];
	_ =	sdelay $0x2  }
0x27: {  	p0 =	sne.s32 s9, $0x8F00  }
.Ltmp1:
0x28: {  	_ = 	snop;
	(pc) =	sbr.rel @p0 .LBB2_4-.Ltmp1, $2  }
0x29: {  	_ =	sdelay $0x2  }
0x2a: {  	s9 =	sadd.s32 $0x100, s9;
	[tilespmem:v2+s7+$0x0] =	vst.idx.add.f32.msk $0xffff, v1  }
0x2b: {  	s8 =	sadd.s32 $0x1, s8  }
0x2c: {  	p0 =	sne.s32 s8, s4  }
.Ltmp2:
0x2d: {  	_ = 	snop;
	(pc) =	sbr.rel @p0 .LBB2_1-.Ltmp2, $4  }
0x2e: {  	[hbm4b:s3+s2] =	stream.linear.scatter [tilespmem:s7], [sflag:$0x1], $0x2800, $0x38;
	[tilespmem:$0x4C00] =	vst v63  }
0x2f: {  	_ =	swait.ge [sflag:s6], $0x2800  }
0x30: {  	[sflag:s6] =	ssyncset.done $0x0  }
0x31: {  	[sflag:s6] =	ssyncadd.s32 $0xFFFFD800  }
0x32: {  	_ =	sfence.sel $0x180000  }
0x33: {  	[bflag:$0x0] =	sbarrier.arrive $0xFFFF  }
0x34: {  	p0 =	sne.s32 s1, $0x0;
	_ =	strace $0x90000047  }
0x35: {  	s0 =	sadd.s32 @!p0 $0x100000, s0;
	[bflag:$0x2] =	sbarrier.arrive $0xFFFF  }
0x36: {  	[sflag:s0] =	ssyncadd.tile.s32 @!p0 $0x1;
	_ =	shalt  }
.Lfunc_end2:
_tile_overlayer_lowered:
.L_overlay_start_2:
0x37: {  	(tag) =	ssettag $0x2  }
0x38: {  	s0 =	rddreg [dreg:$0x0];
	s2 =	stileid.u32  }
0x39: {  	s1 =	rddreg [dreg:$0x1];
	p0 =	sne.s32 s2, $0x0  }
0x3a: {  	s3 =	rddreg [dreg:$0x2];
	[bflag:$0x3] =	sbarrier.arrive $0xFFFF;
	s2 =	simm.s32 @!p0 $0x1C01  }
0x3b: {  	[timem:s3], [sflag:s2] =	dma.local @!p0 [hbm:s0], s1  }
0x3c: {  	s0 =	simm.s32 @!p0 $0x1  }
0x3d: {  	_ =	swait.ge @!p0 [sflag:s0], s1  }
0x3e: {  	s1 =	ssub.s32 @!p0 $0x0, s1;
	[sflag:s0] =	ssyncset.done @!p0 $0x0  }
0x3f: {  	[sflag:s0] =	ssyncadd.s32 @!p0 s1  }
0x40: {  	[bflag:$0x3] =	sbarrier.arrive $0xFFFF  }
0x41: {  	_ =	shalt  }

// kernel: kernel.9.cloned.1.call-start
scs
__scs_entry_jumppad:
0x0: {  	(pc) =	sbr.rel $0x88, $3  }
0x1: {  	(tag) =	ssettag $0x0;
	lr =	simm.s32 $0x1  }
0x2: {  	[smem:$0x3F9B] =	sst lr;
	_ =	strace $0xD0000000  }
0x3: {  	_ = 	snop  }
0x4: {  	_ = 	snop  }
0x5: {  	_ = 	snop  }
0x6: {  	_ = 	snop  }
0x7: {  	_ = 	snop  }
__scs_overlays_trampoline_lowered:
0x8: {  	[smem:$0x3FAA] =	sst s0  }
0x9: {  	[smem:$0x3FAB] =	sst s1  }
0xa: {  	[smem:$0x3FAC] =	sst s2  }
0xb: {  	[smem:$0x3FAD] =	sst s3  }
0xc: {  	[smem:$0x3FAE] =	sst s4  }
0xd: {  	[smem:$0x3FAF] =	sst s5  }
0xe: {  	[smem:$0x3FB0] =	sst s6  }
0xf: {  	[smem:$0x3FB1] =	sst s7  }
0x10: {  	[smem:$0x3FB2] =	sst s8  }
0x11: {  	[smem:$0x3FB3] =	sst s9;
	s0 =	simm.s32 @!p0 $0x0  }
0x12: {  	s1 =	sld [smem:$0x3F99];
	s0 =	simm.s32 @p0 $0x1  }
0x13: {  	[smem:$0x3FB4] =	sst s0;
	s0 =	simm.s32 @!p1 $0x0  }
0x14: {  	s2 =	sld [smem:$0x3F98];
	s0 =	simm.s32 @p1 $0x1  }
0x15: {  	[smem:$0x3FB5] =	sst s0;
	s0 =	simm.s32 @!p2 $0x0  }
0x16: {  	s3 =	sld [smem:$0x3FDB];
	s0 =	simm.s32 @p2 $0x1  }
0x17: {  	s4 =	simm.s32 $0x1BF5;
	[smem:$0x3FB7] =	sst s0  }
0x18: {  	s0 =	sld [smem:$0x3F9A];
	_ =	swait.ge [sflag:s4], $0x0  }
0x19: {  	s7 =	sld [smem:$0x3F9B]  }
0x1a: {  	s8 =	sadd.s32 $0xFFFFE003, lr  }
0x1b: {  	s9 =	sadd.s32 $0xFFFFFEF7, lr;
	s5 =	simm.s32 $0xFFFFFFFF;
	p2 =	slt.u32 s8, $0xFFFFF086  }
0x1c: {  	p1 =	slt.u32 s9, $0xF7A;
	s5 =	simm.s32 @!p2 $0x0  }
0x1d: {  	s5 =	simm.s32 @p1 $0x1;
	p0 =	seq.s32 s7, s2  }
0x1e: {  	s7 =	smul.u32 @!p0 $0xF7A, s2;
	p2 =	seq.s32 @!p0 s5, $0x0  }
0x1f: {  	s9 =	smul.u32 $0xF7A, s1;
	s8 =	simm.s32 @!p0 $0x1BF5;
	p2 =	por !p2, p0  }
0x20: {  	[sflag:s8] =	ssyncset.s32 @!p0 $0xFFFFF086;
	s6 =	sadd.s32 @!p0 s3, s7;
	s7 =	simm.s32 @!p0 $0x108  }
0x21: {  	s3 =	sadd.s32 s3, s9;
	s6 =	sadd.s32 @!p0 $0x88, s6;
	s7 =	simm.s32 @p2 $0x1082  }
0x22: {  	[simem:s7], [sflag:s8] =	dma.local @!p0 [hbm:s6], $0xF7A  }
0x23: {  	s9 =	sor.u32 $0xD0000000, s2;
	s6 =	simm.s32 $0x108;
	_ =	swait.ge @!p0 [sflag:s8], $0x0  }
0x24: {  	s3 =	sadd.s32 $0x88, s3;
	s6 =	simm.s32 @!p1 $0x1082;
	[sflag:s4] =	ssyncset.s32 $0xFFFFF086  }
0x25: {  	[simem:s6], [sflag:s4] =	dma.local [hbm:s3], $0xF7A  }
0x26: {  	[smem:$0x3F9B] =	sst s1;
	(tag) =	ssettag s2;
	_ =	strace s9  }
0x27: {  	s1 =	sld [smem:$0x3FAB]  }
0x28: {  	s2 =	sld [smem:$0x3FAC]  }
0x29: {  	s4 =	sld [smem:$0x3FAE]  }
0x2a: {  	p0 =	seq.s32 s5, $0x0;
	s5 =	sld [smem:$0x3FAF]  }
0x2b: {  	s6 =	sld [smem:$0x3FB0]  }
0x2c: {  	s7 =	sld [smem:$0x3FB1]  }
0x2d: {  	s3 =	simm.s32 $0x108;
	s8 =	sld [smem:$0x3FB2]  }
0x2e: {  	s3 =	simm.s32 @!p0 $0x1082;
	s9 =	sld [smem:$0x3FB3]  }
0x2f: {  	lr =	sadd.s32 s0, s3;
	s0 =	sld [smem:$0x3FAA]  }
0x30: {  	s3 =	sld [smem:$0x3FAD]  }
0x31: {  	[smem:$0x3FB6] =	sst s10  }
0x32: {  	s10 =	sld [smem:$0x3FB4];
	_ =	sdelay $0x3  }
0x33: {  	p0 =	seq.s32 s10, $0x1;
	s10 =	sld [smem:$0x3FB6];
	_ =	sdelay $0x3  }
0x34: {  	[smem:$0x3FB6] =	sst s10  }
0x35: {  	s10 =	sld [smem:$0x3FB5];
	_ =	sdelay $0x3  }
0x36: {  	p1 =	seq.s32 s10, $0x1;
	s10 =	sld [smem:$0x3FB6];
	_ =	sdelay $0x3  }
0x37: {  	[smem:$0x3FB6] =	sst s10  }
0x38: {  	s10 =	sld [smem:$0x3FB7]  }
0x39: {  	_ = 	snop;
	(pc) =	sbr.ind lr, $3  }
0x3a: {  	_ = 	snop  }
0x3b: {  	_ = 	snop  }
0x3c: {  	p2 =	seq.s32 s10, $0x1;
	s10 =	sld [smem:$0x3FB6]  }
0x3d: {  	_ =	shalt  }
0x3e: {  	_ =	shalt  }
0x3f: {  	_ =	shalt  }
0x40: {  	_ =	shalt  }
0x41: {  	_ =	shalt  }
0x42: {  	_ =	shalt  }
0x43: {  	_ =	shalt  }
0x44: {  	_ =	shalt  }
0x45: {  	_ =	shalt  }
0x46: {  	_ =	shalt  }
0x47: {  	_ =	shalt  }
0x48: {  	_ =	shalt  }
0x49: {  	_ =	shalt  }
0x4a: {  	_ =	shalt  }
0x4b: {  	_ =	shalt  }
0x4c: {  	_ =	shalt  }
0x4d: {  	_ =	shalt  }
0x4e: {  	_ =	shalt  }
0x4f: {  	_ =	shalt  }
0x50: {  	_ =	shalt  }
0x51: {  	_ =	shalt  }
0x52: {  	_ =	shalt  }
0x53: {  	_ =	shalt  }
0x54: {  	_ =	shalt  }
0x55: {  	_ =	shalt  }
0x56: {  	_ =	shalt  }
0x57: {  	_ =	shalt  }
0x58: {  	_ =	shalt  }
0x59: {  	_ =	shalt  }
0x5a: {  	_ =	shalt  }
0x5b: {  	_ =	shalt  }
0x5c: {  	_ =	shalt  }
0x5d: {  	_ =	shalt  }
0x5e: {  	_ =	shalt  }
0x5f: {  	_ =	shalt  }
0x60: {  	_ =	shalt  }
0x61: {  	_ =	shalt  }
0x62: {  	_ =	shalt  }
0x63: {  	_ =	shalt  }
0x64: {  	_ =	shalt  }
0x65: {  	_ =	shalt  }
0x66: {  	_ =	shalt  }
0x67: {  	_ =	shalt  }
0x68: {  	_ =	shalt  }
0x69: {  	_ =	shalt  }
0x6a: {  	_ =	shalt  }
0x6b: {  	_ =	shalt  }
0x6c: {  	_ =	shalt  }
0x6d: {  	_ =	shalt  }
0x6e: {  	_ =	shalt  }
0x6f: {  	_ =	shalt  }
0x70: {  	_ =	shalt  }
0x71: {  	_ =	shalt  }
0x72: {  	_ =	shalt  }
0x73: {  	_ =	shalt  }
0x74: {  	_ =	shalt  }
0x75: {  	_ =	shalt  }
0x76: {  	_ =	shalt  }
0x77: {  	_ =	shalt  }
0x78: {  	_ =	shalt  }
0x79: {  	_ =	shalt  }
0x7a: {  	_ =	shalt  }
0x7b: {  	_ =	shalt  }
0x7c: {  	_ =	shalt  }
0x7d: {  	_ =	shalt  }
0x7e: {  	_ =	shalt  }
0x7f: {  	_ =	shalt  }
0x80: {  	_ =	shalt  }
0x81: {  	_ =	shalt  }
0x82: {  	_ =	shalt  }
0x83: {  	_ =	shalt  }
0x84: {  	_ =	shalt  }
0x85: {  	_ =	shalt  }
0x86: {  	_ =	shalt  }
0x87: {  	_ =	shalt  }
.Lfunc_end0:
.L_simem_size_0:
called_computation.1_lowered:
.L_overlay_start_0:
0x88: {  	s2 =	sld [smem:$0x3FD9]  }
0x89: {  	s3 =	sld [smem:$0x3FFE];
	_ =	sdelay $0x1  }
0x8a: {  	s1 =	srdreg.scid  }
0x8b: {  	s0 =	sand.u32 $0x1, s1  }
0x8c: {  	s16 =	sshll.u32 s0, $0xA;
	s2 =	sadd.s32 s3, s2  }
0x8d: {  	s2 =	sadd.s32 s2, s16  }
0x8e: {  	[smem:$0x3FC2] =	sst s2  }
0x8f: {  	_ = 	snop  }
0x90: {  	(tm) =	ssettm $0x1  }
0x91: {  	s17 =	sld [smem:$0x3FFB];
	_ =	sdelay $0x3  }
0x92: {  	_ =	strace s17  }
0x93: {  	s2 =	sld [smem:$0x3FFC];
	_ =	sdelay $0x3  }
0x94: {  	_ =	strace s2  }
0x95: {  	s2 =	sld [smem:$0x3FFD];
	_ =	sdelay $0x3  }
0x96: {  	_ =	strace s2  }
0x97: {  	_ =	strace $0x8FFFFFFF  }
0x98: {  	s18 =	sld [smem:$0x3FDB];
	_ =	sdelay $0x1  }
0x99: {  	s19 =	simm.s32 $_scs_section_size  }
0x9a: {  	s4 =	simm.s32 $_size__tile_overlayer_lowered;
	s5 =	simm.s32 $_tile_overlayer_lowered  }
0x9b: {  	s22 =	simm.s32 $0x1BFF;
	s21 =	sshll.u32 s5, $0x1;
	s2 =	sadd.s32 s19, s18  }
0x9c: {  	s6 =	simm.s32 $0x0;
	s20 =	sshll.u32 s4, $0x1;
	s4 =	sadd.s32 s21, s2  }
0x9d: {  	[timem:s6], [sflag:s22] =	dma.local [hbm:s4], s20  }
0x9e: {  	_ =	swait.ge [sflag:s22], s20  }
0x9f: {  	s3 =	ssub.s32 $0x0, s20;
	[sflag:s22] =	ssyncset.done $0x0  }
0xa0: {  	[sflag:s22] =	ssyncadd.s32 s3;
	_ =	sdelay $0x1  }
0xa1: {  	s23 =	simm.s32 $0x1B8B  }
0xa2: {  	_ =	swait.ge [sflag:s23], $0x1  }
0xa3: {  	[sflag:s23] =	ssyncset.done $0x0  }
0xa4: {  	s25 =	simm.s32 $0x1B8E;
	s24 =	sld [smem:$0x3FFE];
	[sflag:s23] =	ssyncadd.s32 $0xFFFFFFFF  }
0xa5: {  	s26 =	simm.s32 $execute0_lowered;
	[smem:$0x3FD2] =	sst s25  }
0xa6: {  	s4 =	sshll.u32 s26, $0x1;
	_ =	strace $0x80000049;
	[dreg:$0x1] =	wrdreg $0xFFFFFFFF  }
0xa7: {  	s28 =	simm.s32 $_size_execute0_lowered;
	s2 =	sadd.s32 s2, s4;
	[dreg:$0x0] =	wrdreg $0x0  }
0xa8: {  	s4 =	sshll.u32 s28, $0x1;
	[dreg:$0x2] =	wrdreg s2  }
0xa9: {  	[dreg:$0x3] =	wrdreg s4  }
0xaa: {  	[dreg:$0x4] =	wrdreg $0xC0  }
0xab: {  	_ =	task [dreg:s6], $0x5FFFF  }
0xac: {  	[dreg:$0x1] =	wrdreg $0xFFFFFFFF  }
0xad: {  	[dreg:$0x0] =	wrdreg $0x60  }
0xae: {  	[dreg:$0x2] =	wrdreg s24  }
0xaf: {  	[dreg:$0x3] =	wrdreg $0x140000  }
0xb0: {  	[dreg:$0x4] =	wrdreg $0x142800  }
0xb1: {  	[dreg:$0x5] =	wrdreg $0x0  }
0xb2: {  	[dreg:$0x6] =	wrdreg $0x9  }
0xb3: {  	_ =	task.clear_ibuf [dreg:s6], $0x7FFFF;
	_ =	strace $0x90000049  }
0xb4: {  	s29 =	simm.s32 $0x9;
	_ =	strace $0x8000004B  }
0xb5: {  	_ =	swait.ge [sflag:s29], $0x1  }
0xb6: {  	[sflag:s29] =	ssyncadd.s32 $0xFFFFFFFF  }
0xb7: {  	_ =	strace $0x9000004B  }
0xb8: {  	_ =	sfence  }
0xb9: {  	s30 =	sld [smem:$0x0];
	_ =	sdelay $0x2  }
0xba: {  	s31 =	sshll.u32 s1, $0xD;
	s1 =	sshrl.u32 s1, $0x2  }
0xbb: {  	s3 =	sand.u32 $0x4000, s31;
	s1 =	sadd.s32 s1, s30  }
0xbc: {  	s0 =	sor.u32 s3, s0;
	s1 =	sshll.u32 s1, $0x11  }
0xbd: {  	s0 =	sor.u32 s1, s0  }
0xbe: {  	s0 =	sadd.s32 $0x8F2B, s0  }
0xbf: {  	[sflag:s0] =	ssyncadd.remote.s32 $0x1  }
0xc0: {  	_ =	sfence.sel $0xFFFF  }
0xc1: {  	[dreg:$0x0] =	wrdreg $0xFFFFFFFF;
	(pc) =	sbr.abs _section_cstart, $3  }
0xc2: {  	[dreg:$0x1] =	wrdreg $0xFFFFFFFF  }
0xc3: {  	_ =	task.clear_ibuf [dreg:s6], $0x2FFFF;
	_ =	strace $0x9FFFFFFF  }
0xc4: {  	(tm) =	ssettm $0x7FFFFFFF  }
0xc5: {  	_ =	shalt  }
tec
execute0_lowered:
.L_overlay_start_1:
0x0: {  	(tag) =	ssettag $0x1  }
0x1: {  	s0 =	rddreg [dreg:$0x0]  }
0x2: {  	s16 =	stileid.u32;
	s2 =	srdreg.scid;
	s1 =	simm.s32 $0x0  }
0x3: {  	s31 =	simm.s32 $0x0;
	s3 =	sand.u32 $0x1, s2;
	s2 =	smul.u32 $0x480, s16  }
0x4: {  	[smem:$0x7FF] =	sst s1;
	s6 =	smul.u32 $0x14000, s16;
	s7 =	sadd.s32 $0x3CE00, s0  }
0x5: {  	p0 =	seq.s32 s3, $0x0;
	s5 =	ssub.s32 $0x2, s3;
	s8 =	smul.u32 $0x2800, s3  }
0x6: {  	s3 =	smul.u32 $0x140000, s3;
	s4 =	sadd.s32 $0x4800, s2;
	s20 =	sshrl.u32 s5, $0x1  }
0x7: {  	s9 =	sadd.s32 $0x4000, s6;
	s12 =	sadd.s32 $0x6000, s6;
	s13 =	sadd.s32 $0x8000, s6  }
0x8: {  	s15 =	sadd.s32 $0xA000, s6;
	s17 =	sadd.s32 $0xC000, s6;
	s18 =	sadd.s32 $0xE000, s6  }
0x9: {  	s29 =	sadd.s32 $0x10000, s6;
	s30 =	sadd.s32 $0x12000, s6;
	s4 =	smov.u32 @p0 s2  }
0xa: {  	s2 =	ssub.s32 s5, s20;
	s5 =	sor.u32 $0x2000, s6;
	s10 =	sadd.s32 s6, s3  }
0xb: {  	s22 =	sadd.s32 s3, s9;
	s23 =	sadd.s32 s3, s12;
	s14 =	sadd.s32 s3, s13  }
0xc: {  	s19 =	sadd.s32 s3, s18;
	s11 =	sadd.s32 s3, s5;
	s10 =	sshrl.u32 s10, $0x3  }
0xd: {  	s24 =	sshrl.u32 s23, $0x3;
	s25 =	sshrl.u32 s14, $0x3;
	s14 =	sadd.s32 s3, s17  }
0xe: {  	s23 =	sadd.s32 s3, s29;
	s11 =	sshrl.u32 s11, $0x3;
	s10 =	sadd.s32 s7, s10  }
0xf: {  	s26 =	sadd.s32 s7, s25;
	s20 =	sshrl.u32 s14, $0x3;
	[dreg:$0x5] =	wrdreg s10  }
0x10: {  	s21 =	sadd.s32 s7, s11;
	s10 =	sshrl.u32 s22, $0x3;
	[dreg:$0x9] =	wrdreg s26  }
0x11: {  	s11 =	sadd.s32 s3, s15;
	[dreg:$0x6] =	wrdreg s21;
	s10 =	sadd.s32 s7, s10  }
0x12: {  	s21 =	sshrl.u32 s19, $0x3;
	[dreg:$0x7] =	wrdreg s10;
	s10 =	sadd.s32 s7, s24  }
0x13: {  	s3 =	sadd.s32 s3, s30;
	s22 =	sadd.s32 s7, s21;
	[dreg:$0x8] =	wrdreg s10  }
0x14: {  	s3 =	sshrl.u32 s3, $0x3;
	s24 =	sshrl.u32 s23, $0x3;
	[dreg:$0xc] =	wrdreg s22  }
0x15: {  	s3 =	sadd.s32 s7, s3;
	s10 =	sshrl.u32 s11, $0x3;
	s11 =	rddreg [dreg:$0x2]  }
0x16: {  	s19 =	smul.u32 $0x280, s16;
	s14 =	sadd.s32 s7, s24;
	[dreg:$0xe] =	wrdreg s3  }
0x17: {  	s4 =	sadd.s32 s4, s0;
	s16 =	sadd.s32 $0x13E00, s0;
	[dreg:$0xd] =	wrdreg s14  }
0x18: {  	s25 =	sadd.s32 s19, s8;
	s10 =	sadd.s32 s7, s10;
	s14 =	rddreg [dreg:$0x3]  }
0x19: {  	s26 =	sshrl.u32 s19, $0x3;
	s3 =	sshrl.u32 s25, $0x3;
	[dreg:$0xa] =	wrdreg s10  }
0x1a: {  	s10 =	sadd.s32 s7, s20;
	s7 =	sadd.s32 s26, s0;
	s3 =	sadd.s32 s3, s0  }
0x1b: {  	s20 =	sadd.s32 s6, s14;
	s21 =	sadd.s32 s5, s14;
	s22 =	sadd.s32 s9, s14  }
0x1c: {  	s23 =	sadd.s32 s12, s14;
	s24 =	sadd.s32 s13, s14;
	s25 =	sadd.s32 s15, s14  }
0x1d: {  	s26 =	sadd.s32 s17, s14;
	s28 =	sadd.s32 s18, s14;
	s29 =	sadd.s32 s29, s14  }
0x1e: {  	s30 =	sadd.s32 s30, s14;
	s15 =	smax.u32 s2, $0x1;
	s17 =	sadd.s32 $0x1E00, s4  }
0x1f: {  	s18 =	sadd.s32 $0xAE00, s4;
	s12 =	simm.s32 $0x14500;
	[dreg:$0xb] =	wrdreg s10  }
0x20: {  	s4 =	simm.s32 $0x3;
	s10 =	rddreg [dreg:$0x1];
	s7 =	sadd.s32 $0x3BE00, s7  }
0x21: {  	s13 =	sadd.s32 $0x3C400, s3;
	_ =	strace $0x8000004A;
	[dreg:$0xf] =	wrdreg s7  }
0x22: {  	s5 =	simm.s32 $0x1CD40;
	s6 =	simm.s32 $0x18D00;
	[dreg:$0x11] =	wrdreg s13  }
0x23: {  	s9 =	simm.s32 $0x1;
	s3 =	simm.s32 $0x18CC0;
	[dreg:$0x12] =	wrdreg s15  }
0x24: {  	s8 =	sadd.s32 s19, s10;
	s19 =	sadd.s32 s19, s11;
	[dreg:$0x13] =	wrdreg s17  }
0x25: {  	[dreg:$0x14] =	wrdreg s18;
	s7 =	simm.s32 $0x40;
	s13 =	simm.s32 $0x1CD00  }
0x26: {  	v0 =	vimm.f32 $0.0e+00;
	s15 =	simm.s32 $0x2;
	[dreg:$0x10] =	wrdreg s8;
	s8 =	simm.s32 $0x1AD00  }
.LBB2_1:
0x27: {  	s0 =	rddreg [dreg:$0x13]  }
0x28: {  	[tilespmem:s12], [sflag:$0x3] =	stream.linear.gather [hbm4b:s0+s1], $0x2400, $0x38;
	[tilespmem:$0x1CFC0] =	vst v63  }
0x29: {  	_ =	swait.ge [sflag:s4], $0x2400  }
0x2a: {  	[sflag:s4] =	ssyncset.done $0x0  }
0x2b: {  	s2 =	simm.s32 $0x16900;
	s18 =	rddreg [dreg:$0x14];
	[sflag:s4] =	ssyncadd.s32 $0xFFFFDC00  }
0x2c: {  	[tilespmem:s2], [sflag:$0x3] =	stream.linear.gather [hbm4b:s18+s1], $0x2400, $0x38;
	[tilespmem:$0x1CFC0] =	vst v63  }
0x2d: {  	_ =	swait.ge [sflag:s4], $0x2400  }
0x2e: {  	[sflag:s4] =	ssyncset.done $0x0  }
0x2f: {  	s17 =	rddreg [dreg:$0xf];
	[sflag:s4] =	ssyncadd.s32 $0xFFFFDC00  }
0x30: {  	[tilespmem:s5], [sflag:$0x3] =	stream.linear.gather [hbm4b:s17+s1], $0x280, $0x38;
	[tilespmem:$0x1CFC0] =	vst v63  }
0x31: {  	_ =	swait.ge [sflag:s4], $0x280  }
0x32: {  	[sflag:s4] =	ssyncset.done $0x0  }
0x33: {  	s18 =	rddreg [dreg:$0x10];
	[sflag:s4] =	ssyncadd.s32 $0xFFFFFD80  }
0x34: {  	[spmem:s18] =	stream.linear.scatter [tilespmem:s5], [sflag:$0x3], $0x280, $0x38;
	[tilespmem:$0x1CFC0] =	vst v63  }
0x35: {  	_ =	swait.ge [sflag:s4], $0x280  }
0x36: {  	[sflag:s4] =	ssyncset.done $0x0  }
0x37: {  	[sflag:s4] =	ssyncadd.s32 $0xFFFFFD80  }
0x38: {  	[tilespmem:$0x1CD40] =	vst v0  }
0x39: {  	[tilespmem:$0x1CD50] =	vst v0  }
0x3a: {  	[tilespmem:$0x1CD60] =	vst v0  }
0x3b: {  	[tilespmem:$0x1CD70] =	vst v0  }
0x3c: {  	[tilespmem:$0x1CD80] =	vst v0  }
0x3d: {  	[tilespmem:$0x1CD90] =	vst v0  }
0x3e: {  	[tilespmem:$0x1CDA0] =	vst v0  }
0x3f: {  	[tilespmem:$0x1CDB0] =	vst v0  }
0x40: {  	[tilespmem:$0x1CDC0] =	vst v0  }
0x41: {  	[tilespmem:$0x1CDD0] =	vst v0  }
0x42: {  	[tilespmem:$0x1CDE0] =	vst v0  }
0x43: {  	[tilespmem:$0x1CDF0] =	vst v0  }
0x44: {  	[tilespmem:$0x1CE00] =	vst v0  }
0x45: {  	[tilespmem:$0x1CE10] =	vst v0  }
0x46: {  	[tilespmem:$0x1CE20] =	vst v0  }
0x47: {  	[tilespmem:$0x1CE30] =	vst v0  }
0x48: {  	[tilespmem:$0x1CE40] =	vst v0  }
0x49: {  	[tilespmem:$0x1CE50] =	vst v0  }
0x4a: {  	[tilespmem:$0x1CE60] =	vst v0  }
0x4b: {  	[tilespmem:$0x1CE70] =	vst v0  }
0x4c: {  	[tilespmem:$0x1CE80] =	vst v0  }
0x4d: {  	[tilespmem:$0x1CE90] =	vst v0  }
0x4e: {  	[tilespmem:$0x1CEA0] =	vst v0  }
0x4f: {  	[tilespmem:$0x1CEB0] =	vst v0  }
0x50: {  	[tilespmem:$0x1CEC0] =	vst v0  }
0x51: {  	[tilespmem:$0x1CED0] =	vst v0  }
0x52: {  	[tilespmem:$0x1CEE0] =	vst v0  }
0x53: {  	[tilespmem:$0x1CEF0] =	vst v0  }
0x54: {  	[tilespmem:$0x1CF00] =	vst v0  }
0x55: {  	[tilespmem:$0x1CF10] =	vst v0  }
0x56: {  	[tilespmem:$0x1CF20] =	vst v0  }
0x57: {  	[tilespmem:$0x1CF30] =	vst v0  }
0x58: {  	[tilespmem:$0x1CF40] =	vst v0  }
0x59: {  	[tilespmem:$0x1CF50] =	vst v0  }
0x5a: {  	[tilespmem:$0x1CF60] =	vst v0  }
0x5b: {  	[tilespmem:$0x1CF70] =	vst v0  }
0x5c: {  	[tilespmem:$0x1CF80] =	vst v0  }
0x5d: {  	[tilespmem:$0x1CF90] =	vst v0  }
0x5e: {  	[tilespmem:$0x1CFA0] =	vst v0  }
0x5f: {  	[tilespmem:$0x1CFB0] =	vst v0  }
0x60: {  	[spmem:s19] =	stream.linear.scatter [tilespmem:s5], [sflag:$0x3], $0x280, $0x38;
	[tilespmem:$0x1CFC0] =	vst v63  }
0x61: {  	_ =	swait.ge [sflag:s4], $0x280  }
0x62: {  	[sflag:s4] =	ssyncset.done $0x0  }
0x63: {  	s0 =	simm.s32 $0x0;
	s2 =	simm.s32 $0x200;
	[sflag:s4] =	ssyncadd.s32 $0xFFFFFD80  }
.LBB2_2:
0x64: {  	p0 =	sne.s32 s2, $0x7E00;
	[tilespmem:s0+$0x18D70] =	vst v0  }
0x65: {  	[tilespmem:s0+$0x18D00] =	vst v0  }
0x66: {  	[tilespmem:s0+$0x18D10] =	vst v0  }
.Ltmp0:
0x67: {  	[tilespmem:s0+$0x18D20] =	vst v0;
	(pc) =	sbr.rel @p0 .LBB2_2-.Ltmp0, $4  }
0x68: {  	[tilespmem:s0+$0x18D30] =	vst v0  }
0x69: {  	[tilespmem:s0+$0x18D40] =	vst v0  }
0x6a: {  	[tilespmem:s0+$0x18D50] =	vst v0  }
0x6b: {  	[tilespmem:s0+$0x18D60] =	vst v0;
	s0 =	sshra.s32 s2, $0x2;
	s2 =	sadd.s32 $0x200, s2  }
0x6c: {  	[tilespmem:s0+$0x18D70] =	vst v0  }
0x6d: {  	[tilespmem:s0+$0x18D00] =	vst v0  }
0x6e: {  	[tilespmem:s0+$0x18D10] =	vst v0  }
0x6f: {  	[tilespmem:s0+$0x18D20] =	vst v0  }
0x70: {  	[tilespmem:s0+$0x18D30] =	vst v0  }
0x71: {  	[tilespmem:s0+$0x18D40] =	vst v0  }
0x72: {  	[tilespmem:s0+$0x18D50] =	vst v0  }
0x73: {  	[tilespmem:s0+$0x18D60] =	vst v0  }
0x74: {  	[spmem:s20] =	stream.linear.scatter [tilespmem:s6], [sflag:$0x3], $0x2000, $0x38;
	[tilespmem:$0x1CFC0] =	vst v63  }
0x75: {  	_ =	swait.ge [sflag:s4], $0x2000  }
0x76: {  	[sflag:s4] =	ssyncset.done $0x0  }
0x77: {  	[sflag:s4] =	ssyncadd.s32 $0xFFFFE000  }
0x78: {  	[spmem:s21] =	stream.linear.scatter [tilespmem:s6], [sflag:$0x3], $0x2000, $0x38;
	[tilespmem:$0x1CFC0] =	vst v63  }
0x79: {  	_ =	swait.ge [sflag:s4], $0x2000  }
0x7a: {  	[sflag:s4] =	ssyncset.done $0x0  }
0x7b: {  	[sflag:s4] =	ssyncadd.s32 $0xFFFFE000  }
0x7c: {  	[spmem:s22] =	stream.linear.scatter [tilespmem:s6], [sflag:$0x3], $0x2000, $0x38;
	[tilespmem:$0x1CFC0] =	vst v63  }
0x7d: {  	_ =	swait.ge [sflag:s4], $0x2000  }
0x7e: {  	[sflag:s4] =	ssyncset.done $0x0  }
0x7f: {  	[sflag:s4] =	ssyncadd.s32 $0xFFFFE000  }
0x80: {  	[spmem:s23] =	stream.linear.scatter [tilespmem:s6], [sflag:$0x3], $0x2000, $0x38;
	[tilespmem:$0x1CFC0] =	vst v63  }
0x81: {  	_ =	swait.ge [sflag:s4], $0x2000  }
0x82: {  	[sflag:s4] =	ssyncset.done $0x0  }
0x83: {  	[sflag:s4] =	ssyncadd.s32 $0xFFFFE000  }
0x84: {  	[spmem:s24] =	stream.linear.scatter [tilespmem:s6], [sflag:$0x3], $0x2000, $0x38;
	[tilespmem:$0x1CFC0] =	vst v63  }
0x85: {  	_ =	swait.ge [sflag:s4], $0x2000  }
0x86: {  	[sflag:s4] =	ssyncset.done $0x0  }
0x87: {  	[sflag:s4] =	ssyncadd.s32 $0xFFFFE000  }
0x88: {  	[spmem:s25] =	stream.linear.scatter [tilespmem:s6], [sflag:$0x3], $0x2000, $0x38;
	[tilespmem:$0x1CFC0] =	vst v63  }
0x89: {  	_ =	swait.ge [sflag:s4], $0x2000  }
0x8a: {  	[sflag:s4] =	ssyncset.done $0x0  }
0x8b: {  	[sflag:s4] =	ssyncadd.s32 $0xFFFFE000  }
0x8c: {  	[spmem:s26] =	stream.linear.scatter [tilespmem:s6], [sflag:$0x3], $0x2000, $0x38;
	[tilespmem:$0x1CFC0] =	vst v63  }
0x8d: {  	_ =	swait.ge [sflag:s4], $0x2000  }
0x8e: {  	[sflag:s4] =	ssyncset.done $0x0  }
0x8f: {  	[sflag:s4] =	ssyncadd.s32 $0xFFFFE000  }
0x90: {  	[spmem:s28] =	stream.linear.scatter [tilespmem:s6], [sflag:$0x3], $0x2000, $0x38;
	[tilespmem:$0x1CFC0] =	vst v63  }
0x91: {  	_ =	swait.ge [sflag:s4], $0x2000  }
0x92: {  	[sflag:s4] =	ssyncset.done $0x0  }
0x93: {  	[sflag:s4] =	ssyncadd.s32 $0xFFFFE000  }
0x94: {  	[spmem:s29] =	stream.linear.scatter [tilespmem:s6], [sflag:$0x3], $0x2000, $0x38;
	[tilespmem:$0x1CFC0] =	vst v63  }
0x95: {  	_ =	swait.ge [sflag:s4], $0x2000  }
0x96: {  	[sflag:s4] =	ssyncset.done $0x0  }
0x97: {  	[sflag:s4] =	ssyncadd.s32 $0xFFFFE000  }
0x98: {  	[spmem:s30] =	stream.linear.scatter [tilespmem:s6], [sflag:$0x3], $0x2000, $0x38;
	[tilespmem:$0x1CFC0] =	vst v63  }
0x99: {  	_ =	swait.ge [sflag:s4], $0x2000  }
0x9a: {  	[sflag:s4] =	ssyncset.done $0x0  }
0x9b: {  	[sflag:s4] =	ssyncadd.s32 $0xFFFFE000  }
0x9c: {  	[bflag:$0x0] =	sbarrier.arrive $0xFFFF  }
0x9d: {  	[tilespmem:s6], [sflag:$0x1] =	stream.indirect.gather [hbm4b:s16+s7], $0x80, s12, s7, $0xb8;
	[tilespmem:$0x1CFC0] =	vst v63  }
0x9e: {  	s0 =	simm.s32 $0x14540  }
0x9f: {  	[tilespmem:s8], [sflag:$0x2] =	stream.indirect.gather [hbm4b:s16+s7], $0x80, s0, s7, $0xb8;
	[tilespmem:$0x1CFC0] =	vst v63  }
0xa0: {  	_ =	swait.ge [sflag:s9], $0x2000  }
0xa1: {  	[sflag:s9] =	ssyncset.done $0x0  }
0xa2: {  	s2 =	simm.s32 $0x16900;
	[sflag:s9] =	ssyncadd.s32 $0xFFFFE000  }
0xa3: {  	[spmem:s14] =	stream.indirect.scatter.add.f32 [tilespmem:s6], [sflag:$0x3], $0x80, s2, s7, $0xb8;
	[tilespmem:$0x1CFC0] =	vst v63  }
0xa4: {  	_ =	swait.ge [sflag:s4], $0x2000  }
0xa5: {  	[sflag:s4] =	ssyncset.done $0x0  }
0xa6: {  	[sflag:s4] =	ssyncadd.s32 $0xFFFFE000  }
0xa7: {  	[tilespmem:s13], [sflag:$0x3] =	stream.indirect.gather [spmem:s10], $0x1, s2, s7, $0xb8;
	[tilespmem:$0x1CFC0] =	vst v63  }
0xa8: {  	_ =	swait.ge [sflag:s4], $0x40  }
0xa9: {  	[sflag:s4] =	ssyncset.done $0x0  }
0xaa: {  	s12 =	simm.s32 $0x14500;
	[sflag:s4] =	ssyncadd.s32 $0xFFFFFFC0  }
0xab: {  	[spmem:s11] =	stream.indirect.scatter.add.f32 [tilespmem:s13], [sflag:$0x3], $0x1, s12, s7, $0xb8;
	[tilespmem:$0x1CFC0] =	vst v63  }
0xac: {  	_ =	swait.ge [sflag:s4], $0x40  }
0xad: {  	[sflag:s4] =	ssyncset.done $0x0  }
0xae: {  	s17 =	simm.s32 $0x14580;
	[sflag:s4] =	ssyncadd.s32 $0xFFFFFFC0  }
0xaf: {  	[tilespmem:s6], [sflag:$0x1] =	stream.indirect.gather [hbm4b:s16+s7], $0x80, s17, s7, $0xb8;
	[tilespmem:$0x1CFC0] =	vst v63  }
0xb0: {  	_ =	swait.ge [sflag:s15], $0x2000  }
0xb1: {  	[sflag:s15] =	ssyncset.done $0x0  }
0xb2: {  	s18 =	simm.s32 $0x16940;
	[sflag:s15] =	ssyncadd.s32 $0xFFFFE000  }
0xb3: {  	[spmem:s14] =	stream.indirect.scatter.add.f32 [tilespmem:s8], [sflag:$0x3], $0x80, s18, s7, $0xb8;
	[tilespmem:$0x1CFC0] =	vst v63  }
0xb4: {  	_ =	swait.ge [sflag:s4], $0x2000  }
0xb5: {  	[sflag:s4] =	ssyncset.done $0x0  }
0xb6: {  	[sflag:s4] =	ssyncadd.s32 $0xFFFFE000  }
0xb7: {  	[tilespmem:s13], [sflag:$0x3] =	stream.indirect.gather [spmem:s10], $0x1, s18, s7, $0xb8;
	[tilespmem:$0x1CFC0] =	vst v63  }
0xb8: {  	_ =	swait.ge [sflag:s4], $0x40  }
0xb9: {  	[sflag:s4] =	ssyncset.done $0x0  }
0xba: {  	[sflag:s4] =	ssyncadd.s32 $0xFFFFFFC0  }
0xbb: {  	[spmem:s11] =	stream.indirect.scatter.add.f32 [tilespmem:s13], [sflag:$0x3], $0x1, s0, s7, $0xb8;
	[tilespmem:$0x1CFC0] =	vst v63  }
0xbc: {  	_ =	swait.ge [sflag:s4], $0x40  }
0xbd: {  	s12 =	simm.s32 $0x80;
	s0 =	simm.s32 $0x400;
	[sflag:s4] =	ssyncset.done $0x0  }
.LBB2_4:
0xbe: {  	s17 =	sadd.s32 $0x14540, s12  }
0xbf: {  	[sflag:s4] =	ssyncadd.s32 $0xFFFFFFC0;
	s2 =	smov.u32 s0;
	s18 =	sadd.s32 $0x200, s0  }
0xc0: {  	[tilespmem:s8], [sflag:$0x2] =	stream.indirect.gather [hbm4b:s16+s7], $0x80, s17, s7, $0xb8;
	[tilespmem:$0x1CFC0] =	vst v63  }
0xc1: {  	p0 =	sne.s32 s0, $0x8C00;
	_ =	swait.ge [sflag:s9], $0x2000  }
0xc2: {  	[sflag:s9] =	ssyncset.done $0x0  }
0xc3: {  	s0 =	sadd.s32 $0x16900, s12;
	[sflag:s9] =	ssyncadd.s32 $0xFFFFE000  }
0xc4: {  	[spmem:s14] =	stream.indirect.scatter.add.f32 [tilespmem:s6], [sflag:$0x3], $0x80, s0, s7, $0xb8;
	[tilespmem:$0x1CFC0] =	vst v63  }
0xc5: {  	_ =	swait.ge [sflag:s4], $0x2000  }
0xc6: {  	[sflag:s4] =	ssyncset.done $0x0  }
0xc7: {  	[sflag:s4] =	ssyncadd.s32 $0xFFFFE000  }
0xc8: {  	[tilespmem:s13], [sflag:$0x3] =	stream.indirect.gather [spmem:s10], $0x1, s0, s7, $0xb8;
	[tilespmem:$0x1CFC0] =	vst v63  }
0xc9: {  	_ =	swait.ge [sflag:s4], $0x40  }
0xca: {  	[sflag:s4] =	ssyncset.done $0x0  }
0xcb: {  	s0 =	sadd.s32 $0x14500, s12;
	[sflag:s4] =	ssyncadd.s32 $0xFFFFFFC0  }
0xcc: {  	[spmem:s11] =	stream.indirect.scatter.add.f32 [tilespmem:s13], [sflag:$0x3], $0x1, s0, s7, $0xb8;
	[tilespmem:$0x1CFC0] =	vst v63  }
0xcd: {  	_ =	swait.ge [sflag:s4], $0x40  }
0xce: {  	[sflag:s4] =	ssyncset.done $0x0  }
0xcf: {  	s0 =	sadd.s32 $0x14580, s12;
	[sflag:s4] =	ssyncadd.s32 $0xFFFFFFC0  }
0xd0: {  	[tilespmem:s6], [sflag:$0x1] =	stream.indirect.gather [hbm4b:s16+s7], $0x80, s0, s7, $0xb8;
	[tilespmem:$0x1CFC0] =	vst v63  }
0xd1: {  	_ =	swait.ge [sflag:s15], $0x2000  }
0xd2: {  	[sflag:s15] =	ssyncset.done $0x0  }
0xd3: {  	s0 =	sadd.s32 $0x16940, s12;
	[sflag:s15] =	ssyncadd.s32 $0xFFFFE000  }
0xd4: {  	[spmem:s14] =	stream.indirect.scatter.add.f32 [tilespmem:s8], [sflag:$0x3], $0x80, s0, s7, $0xb8;
	[tilespmem:$0x1CFC0] =	vst v63  }
0xd5: {  	_ =	swait.ge [sflag:s4], $0x2000  }
0xd6: {  	[sflag:s4] =	ssyncset.done $0x0  }
0xd7: {  	[sflag:s4] =	ssyncadd.s32 $0xFFFFE000  }
0xd8: {  	[tilespmem:s13], [sflag:$0x3] =	stream.indirect.gather [spmem:s10], $0x1, s0, s7, $0xb8;
	[tilespmem:$0x1CFC0] =	vst v63  }
0xd9: {  	_ =	swait.ge [sflag:s4], $0x40  }
.Ltmp1:
0xda: {  	[sflag:s4] =	ssyncset.done $0x0;
	(pc) =	sbr.rel @p0 .LBB2_4-.Ltmp1, $4  }
0xdb: {  	[sflag:s4] =	ssyncadd.s32 $0xFFFFFFC0  }
0xdc: {  	[spmem:s11] =	stream.indirect.scatter.add.f32 [tilespmem:s13], [sflag:$0x3], $0x1, s17, s7, $0xb8;
	[tilespmem:$0x1CFC0] =	vst v63  }
0xdd: {  	_ =	swait.ge [sflag:s4], $0x40  }
0xde: {  	s12 =	sshra.s32 s2, $0x2;
	s0 =	smov.u32 s18;
	[sflag:s4] =	ssyncset.done $0x0  }
0xdf: {  	s0 =	sadd.s32 $0x14540, s12;
	[sflag:s4] =	ssyncadd.s32 $0xFFFFFFC0  }
0xe0: {  	[tilespmem:s8], [sflag:$0x2] =	stream.indirect.gather [hbm4b:s16+s7], $0x80, s0, s7, $0xb8;
	[tilespmem:$0x1CFC0] =	vst v63  }
0xe1: {  	_ =	swait.ge [sflag:s9], $0x2000  }
0xe2: {  	[sflag:s9] =	ssyncset.done $0x0  }
0xe3: {  	s2 =	sadd.s32 $0x16900, s12;
	[sflag:s9] =	ssyncadd.s32 $0xFFFFE000  }
0xe4: {  	[spmem:s14] =	stream.indirect.scatter.add.f32 [tilespmem:s6], [sflag:$0x3], $0x80, s2, s7, $0xb8;
	[tilespmem:$0x1CFC0] =	vst v63  }
0xe5: {  	_ =	swait.ge [sflag:s4], $0x2000  }
0xe6: {  	[sflag:s4] =	ssyncset.done $0x0  }
0xe7: {  	[sflag:s4] =	ssyncadd.s32 $0xFFFFE000  }
0xe8: {  	[tilespmem:s13], [sflag:$0x3] =	stream.indirect.gather [spmem:s10], $0x1, s2, s7, $0xb8;
	[tilespmem:$0x1CFC0] =	vst v63  }
0xe9: {  	_ =	swait.ge [sflag:s4], $0x40  }
0xea: {  	[sflag:s4] =	ssyncset.done $0x0  }
0xeb: {  	s18 =	sadd.s32 $0x14500, s12;
	[sflag:s4] =	ssyncadd.s32 $0xFFFFFFC0  }
0xec: {  	[spmem:s11] =	stream.indirect.scatter.add.f32 [tilespmem:s13], [sflag:$0x3], $0x1, s18, s7, $0xb8;
	[tilespmem:$0x1CFC0] =	vst v63  }
0xed: {  	_ =	swait.ge [sflag:s4], $0x40  }
0xee: {  	[sflag:s4] =	ssyncset.done $0x0  }
0xef: {  	s17 =	sadd.s32 $0x14580, s12;
	[sflag:s4] =	ssyncadd.s32 $0xFFFFFFC0  }
0xf0: {  	[tilespmem:s6], [sflag:$0x1] =	stream.indirect.gather [hbm4b:s16+s7], $0x80, s17, s7, $0xb8;
	[tilespmem:$0x1CFC0] =	vst v63  }
0xf1: {  	_ =	swait.ge [sflag:s15], $0x2000  }
0xf2: {  	[sflag:s15] =	ssyncset.done $0x0  }
0xf3: {  	s18 =	sadd.s32 $0x16940, s12;
	[sflag:s15] =	ssyncadd.s32 $0xFFFFE000  }
0xf4: {  	[spmem:s14] =	stream.indirect.scatter.add.f32 [tilespmem:s8], [sflag:$0x3], $0x80, s18, s7, $0xb8;
	[tilespmem:$0x1CFC0] =	vst v63  }
0xf5: {  	_ =	swait.ge [sflag:s4], $0x2000  }
0xf6: {  	[sflag:s4] =	ssyncset.done $0x0  }
0xf7: {  	[sflag:s4] =	ssyncadd.s32 $0xFFFFE000  }
0xf8: {  	[tilespmem:s13], [sflag:$0x3] =	stream.indirect.gather [spmem:s10], $0x1, s18, s7, $0xb8;
	[tilespmem:$0x1CFC0] =	vst v63  }
0xf9: {  	_ =	swait.ge [sflag:s4], $0x40  }
0xfa: {  	[sflag:s4] =	ssyncset.done $0x0  }
0xfb: {  	[sflag:s4] =	ssyncadd.s32 $0xFFFFFFC0  }
0xfc: {  	[spmem:s11] =	stream.indirect.scatter.add.f32 [tilespmem:s13], [sflag:$0x3], $0x1, s0, s7, $0xb8;
	[tilespmem:$0x1CFC0] =	vst v63  }
0xfd: {  	_ =	swait.ge [sflag:s4], $0x40  }
0xfe: {  	[sflag:s4] =	ssyncset.done $0x0  }
0xff: {  	s12 =	simm.s32 $0x168C0;
	[sflag:s4] =	ssyncadd.s32 $0xFFFFFFC0  }
0x100: {  	[tilespmem:s8], [sflag:$0x2] =	stream.indirect.gather [hbm4b:s16+s7], $0x80, s12, s7, $0xb8;
	[tilespmem:$0x1CFC0] =	vst v63  }
0x101: {  	_ =	swait.ge [sflag:s9], $0x2000  }
0x102: {  	[sflag:s9] =	ssyncset.done $0x0  }
0x103: {  	s17 =	simm.s32 $0x18C80;
	[sflag:s9] =	ssyncadd.s32 $0xFFFFE000  }
0x104: {  	[spmem:s14] =	stream.indirect.scatter.add.f32 [tilespmem:s6], [sflag:$0x3], $0x80, s17, s7, $0xb8;
	[tilespmem:$0x1CFC0] =	vst v63  }
0x105: {  	_ =	swait.ge [sflag:s4], $0x2000  }
0x106: {  	[sflag:s4] =	ssyncset.done $0x0  }
0x107: {  	[sflag:s4] =	ssyncadd.s32 $0xFFFFE000  }
0x108: {  	[tilespmem:s13], [sflag:$0x3] =	stream.indirect.gather [spmem:s10], $0x1, s17, s7, $0xb8;
	[tilespmem:$0x1CFC0] =	vst v63  }
0x109: {  	_ =	swait.ge [sflag:s4], $0x40  }
0x10a: {  	[sflag:s4] =	ssyncset.done $0x0  }
0x10b: {  	s18 =	simm.s32 $0x16880;
	[sflag:s4] =	ssyncadd.s32 $0xFFFFFFC0  }
0x10c: {  	[spmem:s11] =	stream.indirect.scatter.add.f32 [tilespmem:s13], [sflag:$0x3], $0x1, s18, s7, $0xb8;
	[tilespmem:$0x1CFC0] =	vst v63  }
0x10d: {  	_ =	swait.ge [sflag:s4], $0x40  }
0x10e: {  	[sflag:s4] =	ssyncset.done $0x0  }
0x10f: {  	[sflag:s4] =	ssyncadd.s32 $0xFFFFFFC0  }
0x110: {  	_ =	swait.ge [sflag:s15], $0x2000  }
0x111: {  	[sflag:s15] =	ssyncset.done $0x0  }
0x112: {  	[sflag:s15] =	ssyncadd.s32 $0xFFFFE000  }
0x113: {  	[spmem:s14] =	stream.indirect.scatter.add.f32 [tilespmem:s8], [sflag:$0x3], $0x80, s3, s7, $0xb8;
	[tilespmem:$0x1CFC0] =	vst v63  }
0x114: {  	_ =	swait.ge [sflag:s4], $0x2000  }
0x115: {  	[sflag:s4] =	ssyncset.done $0x0  }
0x116: {  	[sflag:s4] =	ssyncadd.s32 $0xFFFFE000  }
0x117: {  	[tilespmem:s13], [sflag:$0x3] =	stream.indirect.gather [spmem:s10], $0x1, s3, s7, $0xb8;
	[tilespmem:$0x1CFC0] =	vst v63  }
0x118: {  	_ =	swait.ge [sflag:s4], $0x40  }
0x119: {  	[sflag:s4] =	ssyncset.done $0x0  }
0x11a: {  	[sflag:s4] =	ssyncadd.s32 $0xFFFFFFC0  }
0x11b: {  	[spmem:s11] =	stream.indirect.scatter.add.f32 [tilespmem:s13], [sflag:$0x3], $0x1, s12, s7, $0xb8;
	[tilespmem:$0x1CFC0] =	vst v63  }
0x11c: {  	_ =	swait.ge [sflag:s4], $0x40  }
0x11d: {  	[sflag:s4] =	ssyncset.done $0x0  }
0x11e: {  	[sflag:s4] =	ssyncadd.s32 $0xFFFFFFC0  }
0x11f: {  	[bflag:$0x0] =	sbarrier.arrive $0xFFFF  }
0x120: {  	[tilespmem:s5], [sflag:$0x3] =	stream.linear.gather [spmem:s19], $0x280, $0x38;
	[tilespmem:$0x1CFC0] =	vst v63  }
0x121: {  	_ =	swait.ge [sflag:s4], $0x280  }
0x122: {  	[sflag:s4] =	ssyncset.done $0x0  }
0x123: {  	s2 =	rddreg [dreg:$0x11];
	[sflag:s4] =	ssyncadd.s32 $0xFFFFFD80  }
0x124: {  	[hbm4b:s2+s1] =	stream.linear.scatter [tilespmem:s5], [sflag:$0x3], $0x280, $0x38;
	[tilespmem:$0x1CFC0] =	vst v63  }
0x125: {  	_ =	swait.ge [sflag:s4], $0x280  }
0x126: {  	[sflag:s4] =	ssyncset.done $0x0  }
0x127: {  	[sflag:s4] =	ssyncadd.s32 $0xFFFFFD80  }
0x128: {  	[tilespmem:s6], [sflag:$0x3] =	stream.linear.gather [spmem:s20], $0x2000, $0x38;
	[tilespmem:$0x1CFC0] =	vst v63  }
0x129: {  	_ =	swait.ge [sflag:s4], $0x2000  }
0x12a: {  	[sflag:s4] =	ssyncset.done $0x0  }
0x12b: {  	s12 =	rddreg [dreg:$0x5];
	[sflag:s4] =	ssyncadd.s32 $0xFFFFE000  }
0x12c: {  	[hbm4b:s12+s1] =	stream.linear.scatter [tilespmem:s6], [sflag:$0x3], $0x2000, $0x38;
	[tilespmem:$0x1CFC0] =	vst v63  }
0x12d: {  	_ =	swait.ge [sflag:s4], $0x2000  }
0x12e: {  	[sflag:s4] =	ssyncset.done $0x0  }
0x12f: {  	[sflag:s4] =	ssyncadd.s32 $0xFFFFE000  }
0x130: {  	[tilespmem:s6], [sflag:$0x3] =	stream.linear.gather [spmem:s21], $0x2000, $0x38;
	[tilespmem:$0x1CFC0] =	vst v63  }
0x131: {  	_ =	swait.ge [sflag:s4], $0x2000  }
0x132: {  	[sflag:s4] =	ssyncset.done $0x0  }
0x133: {  	s17 =	rddreg [dreg:$0x6];
	[sflag:s4] =	ssyncadd.s32 $0xFFFFE000  }
0x134: {  	[hbm4b:s17+s1] =	stream.linear.scatter [tilespmem:s6], [sflag:$0x3], $0x2000, $0x38;
	[tilespmem:$0x1CFC0] =	vst v63  }
0x135: {  	_ =	swait.ge [sflag:s4], $0x2000  }
0x136: {  	[sflag:s4] =	ssyncset.done $0x0  }
0x137: {  	[sflag:s4] =	ssyncadd.s32 $0xFFFFE000  }
0x138: {  	[tilespmem:s6], [sflag:$0x3] =	stream.linear.gather [spmem:s22], $0x2000, $0x38;
	[tilespmem:$0x1CFC0] =	vst v63  }
0x139: {  	_ =	swait.ge [sflag:s4], $0x2000  }
0x13a: {  	[sflag:s4] =	ssyncset.done $0x0  }
0x13b: {  	s18 =	rddreg [dreg:$0x7];
	[sflag:s4] =	ssyncadd.s32 $0xFFFFE000  }
0x13c: {  	[hbm4b:s18+s1] =	stream.linear.scatter [tilespmem:s6], [sflag:$0x3], $0x2000, $0x38;
	[tilespmem:$0x1CFC0] =	vst v63  }
0x13d: {  	_ =	swait.ge [sflag:s4], $0x2000  }
0x13e: {  	[sflag:s4] =	ssyncset.done $0x0  }
0x13f: {  	[sflag:s4] =	ssyncadd.s32 $0xFFFFE000  }
0x140: {  	[tilespmem:s6], [sflag:$0x3] =	stream.linear.gather [spmem:s23], $0x2000, $0x38;
	[tilespmem:$0x1CFC0] =	vst v63  }
0x141: {  	_ =	swait.ge [sflag:s4], $0x2000  }
0x142: {  	[sflag:s4] =	ssyncset.done $0x0  }
0x143: {  	s2 =	rddreg [dreg:$0x8];
	[sflag:s4] =	ssyncadd.s32 $0xFFFFE000  }
0x144: {  	[hbm4b:s2+s1] =	stream.linear.scatter [tilespmem:s6], [sflag:$0x3], $0x2000, $0x38;
	[tilespmem:$0x1CFC0] =	vst v63  }
0x145: {  	_ =	swait.ge [sflag:s4], $0x2000  }
0x146: {  	[sflag:s4] =	ssyncset.done $0x0  }
0x147: {  	[sflag:s4] =	ssyncadd.s32 $0xFFFFE000  }
0x148: {  	[tilespmem:s6], [sflag:$0x3] =	stream.linear.gather [spmem:s24], $0x2000, $0x38;
	[tilespmem:$0x1CFC0] =	vst v63  }
0x149: {  	_ =	swait.ge [sflag:s4], $0x2000  }
0x14a: {  	[sflag:s4] =	ssyncset.done $0x0  }
0x14b: {  	s12 =	rddreg [dreg:$0x9];
	[sflag:s4] =	ssyncadd.s32 $0xFFFFE000  }
0x14c: {  	[hbm4b:s12+s1] =	stream.linear.scatter [tilespmem:s6], [sflag:$0x3], $0x2000, $0x38;
	[tilespmem:$0x1CFC0] =	vst v63  }
0x14d: {  	_ =	swait.ge [sflag:s4], $0x2000  }
0x14e: {  	[sflag:s4] =	ssyncset.done $0x0  }
0x14f: {  	[sflag:s4] =	ssyncadd.s32 $0xFFFFE000  }
0x150: {  	[tilespmem:s6], [sflag:$0x3] =	stream.linear.gather [spmem:s25], $0x2000, $0x38;
	[tilespmem:$0x1CFC0] =	vst v63  }
0x151: {  	_ =	swait.ge [sflag:s4], $0x2000  }
0x152: {  	[sflag:s4] =	ssyncset.done $0x0  }
0x153: {  	s17 =	rddreg [dreg:$0xa];
	[sflag:s4] =	ssyncadd.s32 $0xFFFFE000  }
0x154: {  	[hbm4b:s17+s1] =	stream.linear.scatter [tilespmem:s6], [sflag:$0x3], $0x2000, $0x38;
	[tilespmem:$0x1CFC0] =	vst v63  }
0x155: {  	_ =	swait.ge [sflag:s4], $0x2000  }
0x156: {  	[sflag:s4] =	ssyncset.done $0x0  }
0x157: {  	[sflag:s4] =	ssyncadd.s32 $0xFFFFE000  }
0x158: {  	[tilespmem:s6], [sflag:$0x3] =	stream.linear.gather [spmem:s26], $0x2000, $0x38;
	[tilespmem:$0x1CFC0] =	vst v63  }
0x159: {  	_ =	swait.ge [sflag:s4], $0x2000  }
0x15a: {  	[sflag:s4] =	ssyncset.done $0x0  }
0x15b: {  	s18 =	rddreg [dreg:$0xb];
	[sflag:s4] =	ssyncadd.s32 $0xFFFFE000  }
0x15c: {  	[hbm4b:s18+s1] =	stream.linear.scatter [tilespmem:s6], [sflag:$0x3], $0x2000, $0x38;
	[tilespmem:$0x1CFC0] =	vst v63  }
0x15d: {  	_ =	swait.ge [sflag:s4], $0x2000  }
0x15e: {  	[sflag:s4] =	ssyncset.done $0x0  }
0x15f: {  	[sflag:s4] =	ssyncadd.s32 $0xFFFFE000  }
0x160: {  	[tilespmem:s6], [sflag:$0x3] =	stream.linear.gather [spmem:s28], $0x2000, $0x38;
	[tilespmem:$0x1CFC0] =	vst v63  }
0x161: {  	_ =	swait.ge [sflag:s4], $0x2000  }
0x162: {  	[sflag:s4] =	ssyncset.done $0x0  }
0x163: {  	s2 =	rddreg [dreg:$0xc];
	[sflag:s4] =	ssyncadd.s32 $0xFFFFE000  }
0x164: {  	[hbm4b:s2+s1] =	stream.linear.scatter [tilespmem:s6], [sflag:$0x3], $0x2000, $0x38;
	[tilespmem:$0x1CFC0] =	vst v63  }
0x165: {  	_ =	swait.ge [sflag:s4], $0x2000  }
0x166: {  	[sflag:s4] =	ssyncset.done $0x0  }
0x167: {  	[sflag:s4] =	ssyncadd.s32 $0xFFFFE000  }
0x168: {  	[tilespmem:s6], [sflag:$0x3] =	stream.linear.gather [spmem:s29], $0x2000, $0x38;
	[tilespmem:$0x1CFC0] =	vst v63  }
0x169: {  	_ =	swait.ge [sflag:s4], $0x2000  }
0x16a: {  	[sflag:s4] =	ssyncset.done $0x0  }
0x16b: {  	s12 =	rddreg [dreg:$0xd];
	[sflag:s4] =	ssyncadd.s32 $0xFFFFE000  }
0x16c: {  	[hbm4b:s12+s1] =	stream.linear.scatter [tilespmem:s6], [sflag:$0x3], $0x2000, $0x38;
	[tilespmem:$0x1CFC0] =	vst v63  }
0x16d: {  	_ =	swait.ge [sflag:s4], $0x2000  }
0x16e: {  	[sflag:s4] =	ssyncset.done $0x0  }
0x16f: {  	[sflag:s4] =	ssyncadd.s32 $0xFFFFE000  }
0x170: {  	[tilespmem:s6], [sflag:$0x3] =	stream.linear.gather [spmem:s30], $0x2000, $0x38;
	[tilespmem:$0x1CFC0] =	vst v63  }
0x171: {  	_ =	swait.ge [sflag:s4], $0x2000  }
0x172: {  	[sflag:s4] =	ssyncset.done $0x0  }
0x173: {  	s17 =	rddreg [dreg:$0xe];
	[sflag:s4] =	ssyncadd.s32 $0xFFFFE000  }
0x174: {  	[hbm4b:s17+s1] =	stream.linear.scatter [tilespmem:s6], [sflag:$0x3], $0x2000, $0x38;
	[tilespmem:$0x1CFC0] =	vst v63  }
0x175: {  	_ =	swait.ge [sflag:s4], $0x2000  }
0x176: {  	s31 =	sadd.s32 $0x1, s31;
	s18 =	rddreg [dreg:$0x12]  }
0x177: {  	p0 =	sne.s32 s31, s18  }
.Ltmp2:
0x178: {  	_ = 	snop;
	(pc) =	sbr.rel @p0 .LBB2_1-.Ltmp2, $3  }
0x179: {  	_ =	sdelay $0x1  }
0x17a: {  	[sflag:s4] =	ssyncset.done $0x0  }
0x17b: {  	s12 =	simm.s32 $0x14500;
	[sflag:s4] =	ssyncadd.s32 $0xFFFFE000  }
0x17c: {  	_ =	sfence.sel $0x180000  }
0x17d: {  	[bflag:$0x0] =	sbarrier.arrive $0xFFFF  }
0x17e: {  	_ =	strace $0x9000004A  }
0x17f: {  	s0 =	stileid.u32;
	[bflag:$0x2] =	sbarrier.arrive $0xFFFF  }
0x180: {  	p0 =	sne.s32 s0, $0x0;
	s0 =	rddreg [dreg:$0x4]  }
0x181: {  	s0 =	sadd.s32 @!p0 $0x100000, s0  }
0x182: {  	[sflag:s0] =	ssyncadd.tile.s32 @!p0 $0x1;
	_ =	shalt  }
.Lfunc_end2:
_tile_overlayer_lowered:
.L_overlay_start_2:
0x183: {  	(tag) =	ssettag $0x2  }
0x184: {  	s0 =	rddreg [dreg:$0x0];
	s2 =	stileid.u32  }
0x185: {  	s1 =	rddreg [dreg:$0x1];
	p0 =	sne.s32 s2, $0x0  }
0x186: {  	s3 =	rddreg [dreg:$0x2];
	[bflag:$0x3] =	sbarrier.arrive $0xFFFF;
	s2 =	simm.s32 @!p0 $0x1C03  }
0x187: {  	[timem:s3], [sflag:s2] =	dma.local @!p0 [hbm:s0], s1  }
0x188: {  	s0 =	simm.s32 @!p0 $0x3  }
0x189: {  	_ =	swait.ge @!p0 [sflag:s0], s1  }
0x18a: {  	s1 =	ssub.s32 @!p0 $0x0, s1;
	[sflag:s0] =	ssyncset.done @!p0 $0x0  }
0x18b: {  	[sflag:s0] =	ssyncadd.s32 @!p0 s1  }
0x18c: {  	[bflag:$0x3] =	sbarrier.arrive $0xFFFF  }
0x18d: {  	_ =	shalt  }

</sc_bundles>
